<compile_context>
chip_gen: v7x
topology: tpu7x:2x2x1
jax: 0.10.2.dev20260603
libtpu: 0.0.44.dev20260713+nightly
codegen_flags: <defaults>
</compile_context>

<pallas_src>
import functools

import jax
import jax.numpy as jnp
from jax import lax
from jax.experimental import pallas as pl
from jax.experimental.pallas import tpu as pltpu
from jax.experimental.pallas import tpu_sc as plsc

B = 4
H = 8
QLEN = 2048
KLEN = 8192
D = 64
QBKT = 16
KBKT = 64

NW = 32
ROWS_PER_W = H * KLEN // NW
CHUNK = 256
NCHUNK = ROWS_PER_W // CHUNK


def _sc_gather_body(b, idx_hbm, kv_hbm, skv_hbm, idx_raw, idx_adj,
                    rows0, rows1, rows2, sg0, sg1, sg2, sw0, sw1, sw2):
    cid = lax.axis_index("c")
    sid = lax.axis_index("s")
    wid = sid * 2 + cid
    base = wid * ROWS_PER_W
    boff = b * KLEN

    pltpu.sync_copy(idx_hbm.at[pl.ds(base, ROWS_PER_W)], idx_raw)

    def lane_body(i, c):
        v = idx_raw[pl.ds(i * 16, 16)]
        idx_adj[pl.ds(i * 16, 16)] = (v & (KLEN - 1)) + boff
        return c

    lax.fori_loop(0, ROWS_PER_W // 16, lane_body, 0)

    rows = (rows0, rows1, rows2)
    sg = (sg0, sg1, sg2)
    sw = (sw0, sw1, sw2)

    def start_gather(c):
        return pltpu.async_copy(
            kv_hbm.at[idx_adj.at[pl.ds(c * CHUNK, CHUNK)]], rows[c % 3], sg[c % 3])

    def start_write(c):
        return pltpu.async_copy(
            rows[c % 3], skv_hbm.at[pl.ds(base + c * CHUNK, CHUNK)], sw[c % 3])

    g = [None] * NCHUNK
    w = [None] * NCHUNK
    g[0] = start_gather(0)
    g[1] = start_gather(1)
    for c in range(NCHUNK):
        if c + 2 < NCHUNK:
            if c - 1 >= 0:
                w[c - 1].wait()
            g[c + 2] = start_gather(c + 2)
        g[c].wait()
        w[c] = start_write(c)
    for c in range(max(0, NCHUNK - 3), NCHUNK):
        if w[c] is not None:
            w[c].wait()


@functools.cache
def _sc_gather(b):
    return pl.kernel(
        functools.partial(_sc_gather_body, b),
        out_type=jax.ShapeDtypeStruct((H * KLEN, 2 * D), jnp.float32),
        mesh=plsc.VectorSubcoreMesh(core_axis_name="c", subcore_axis_name="s"),
        scratch_types=[
            pltpu.VMEM((ROWS_PER_W,), jnp.int32),
            pltpu.VMEM((ROWS_PER_W,), jnp.int32),
            pltpu.VMEM((CHUNK, 2 * D), jnp.float32),
            pltpu.VMEM((CHUNK, 2 * D), jnp.float32),
            pltpu.VMEM((CHUNK, 2 * D), jnp.float32),
            pltpu.SemaphoreType.DMA,
            pltpu.SemaphoreType.DMA,
            pltpu.SemaphoreType.DMA,
            pltpu.SemaphoreType.DMA,
            pltpu.SemaphoreType.DMA,
            pltpu.SemaphoreType.DMA,
        ],
    )


QTILE = 128
KTILE = 512
NTILE = QLEN // QTILE
NEG_INF = float("-inf")


def _tc_attn_body(q_ref, kv_ref, o_ref, acc, mref, lref):
    h = pl.program_id(0)

    @pl.when(h == 0)
    def _init():
        mref[...] = jnp.full_like(mref, NEG_INF)
        lref[...] = jnp.zeros_like(lref)
        acc[...] = jnp.zeros_like(acc)

    rows = lax.broadcasted_iota(jnp.int32, (KTILE, QTILE), 0) // KBKT
    cols = lax.broadcasted_iota(jnp.int32, (KTILE, QTILE), 1) // QBKT
    diag = rows == cols

    qsel = lax.rem(h, B)
    for t in range(NTILE):
        q = q_ref[qsel, pl.ds(t * QTILE, QTILE), :]
        k = kv_ref[pl.ds(t * KTILE, KTILE), :D]
        v = kv_ref[pl.ds(t * KTILE, KTILE), D:]
        s = lax.dot_general(k, q, (((1,), (1,)), ((), ())),
                            preferred_element_type=jnp.float32)
        s = jnp.where(diag, s, NEG_INF)
        m = jnp.max(s, axis=0, keepdims=True)
        p = jnp.exp(s - m)
        l = jnp.sum(p, axis=0, keepdims=True)
        o = lax.dot_general(v, p, (((0,), (0,)), ((), ())),
                            preferred_element_type=jnp.float32)
        sl = pl.ds(t * QTILE, QTILE)
        m_old = mref[:, sl]
        m_new = jnp.maximum(m_old, m)
        alpha = jnp.exp(m_old - m_new)
        beta = jnp.exp(m - m_new)
        acc[:, sl] = acc[:, sl] * alpha + o * beta
        lref[:, sl] = lref[:, sl] * alpha + l * beta
        mref[:, sl] = m_new

    @pl.when(h == H - 1)
    def _fin():
        o_ref[...] = jnp.transpose(acc[...] / lref[...], (1, 0))


_tc_attn = pl.pallas_call(
    _tc_attn_body,
    grid=(H,),
    in_specs=[
        pl.BlockSpec((B, QLEN, D), lambda h: (0, 0, 0)),
        pl.BlockSpec((KLEN, 2 * D), lambda h: (h, 0)),
    ],
    out_specs=pl.BlockSpec((QLEN, D), lambda h: (0, 0)),
    out_shape=jax.ShapeDtypeStruct((QLEN, D), jnp.float32),
    scratch_shapes=[
        pltpu.VMEM((D, QLEN), jnp.float32),
        pltpu.VMEM((1, QLEN), jnp.float32),
        pltpu.VMEM((1, QLEN), jnp.float32),
    ],
)


def kernel(query, key, value, s_k_ticker):
    kv = jnp.concatenate([key, value], axis=-1).reshape(B * KLEN, 2 * D)
    idx = s_k_ticker[:B]
    skvs = [_sc_gather(b)(idx[b], kv) for b in range(B)]
    return jnp.stack([_tc_attn(query, skv_b) for skv_b in skvs])

# --- scband reference (transcript-rebuilt; emitter-appended) ---
"""Pipeline reference for scband-random-buckets-attention-34583076667864 (READ-ONLY COPY).

The authoritative reference and input builder live on the scoring server;
editing this copy changes nothing except your own understanding.
"""

import jax, jax.numpy as jnp
import numpy as np

N_HASHES = 8
K_BUCKET_SIZE = 64
MAX_PERMS = 4
Q_SEQLEN = 2048
K_SEQLEN = 8192
DIM = 64
V_DIM = 64
BATCH = 4


def make_s_k_ticker(key):
    # Replicates the __init__ buffer construction: random permutations per (perm, hash),
    # offset by hash index * k_seqlen, flattened to [max_perms, n_hashes * k_seqlen].
    perms = []
    for i in range(MAX_PERMS):
        row = []
        for j in range(N_HASHES):
            k = jax.random.fold_in(key, i * N_HASHES + j)
            row.append(jax.random.permutation(k, K_SEQLEN))
        perms.append(jnp.stack(row))
    perms = jnp.stack(perms).astype(jnp.int32)  # [P, H, K]
    offset = (K_SEQLEN * jnp.arange(N_HASHES, dtype=jnp.int32))[None, :, None]
    s = perms + offset  # same as permute(0,2,1) + offset then permute back
    return s.reshape(MAX_PERMS, -1)


def setup_inputs(seed: int = 0):
    key = jax.random.key(seed)
    kq, kk, kv, kp = jax.random.split(key, 4)
    query = jax.random.normal(kq, (BATCH, Q_SEQLEN, DIM), dtype=jnp.float32)
    key_t = jax.random.normal(kk, (BATCH, K_SEQLEN, DIM), dtype=jnp.float32)
    value = jax.random.normal(kv, (BATCH, K_SEQLEN, V_DIM), dtype=jnp.float32)
    s_k_ticker = make_s_k_ticker(kp)
    return {"query": query, "key": key_t, "value": value, "s_k_ticker": s_k_ticker}


def reference(query, key, value, s_k_ticker):
    n_hashes = N_HASHES
    k_bucket_size = K_BUCKET_SIZE
    batch_size, q_seqlen, dim = query.shape
    _, k_seqlen, v_dim = value.shape
    n_buckets = k_seqlen // k_bucket_size

    st = s_k_ticker[:batch_size]
    k_st = st % k_seqlen  # [B, n_hashes * k_seqlen]

    # sq = query.repeat(n_hashes, 1, 1)  (torch repeat == jnp.tile, row-major identical)
    sq = jnp.tile(query, (n_hashes, 1, 1))  # [n_hashes*B, q_seqlen, dim]
    # batched_index_select(key/value, k_st)
    sk = jnp.take_along_axis(key, k_st[:, :, None], axis=1)    # [B, H*K, dim]
    sv = jnp.take_along_axis(value, k_st[:, :, None], axis=1)  # [B, H*K, v_dim]

    chunk_size = n_hashes * n_buckets
    bq = jnp.reshape(sq, (batch_size, chunk_size, -1, dim))
    bk = jnp.reshape(sk, (batch_size, chunk_size, -1, dim))
    bv = jnp.reshape(sv, (batch_size, chunk_size, -1, v_dim))

    inner = jnp.einsum('bhie,bhje->bhij', bq, bk)
    dots_logsumexp = jax.scipy.special.logsumexp(inner, axis=-1, keepdims=True)
    dots = jnp.exp(inner - dots_logsumexp).astype(inner.dtype)
    # dropout p=0.0 -> identity
    bo = jnp.einsum('buij,buje->buie', dots, bv)

    o = jnp.reshape(bo, (batch_size, -1, v_dim))
    logits = jnp.reshape(dots_logsumexp, (batch_size, -1))
    o = jnp.reshape(o, (batch_size, n_hashes, q_seqlen, -1))
    logits = jnp.reshape(logits, (batch_size, n_hashes, q_seqlen, 1))
    probs = jnp.exp(logits - jax.scipy.special.logsumexp(logits, axis=1, keepdims=True))
    out = jnp.sum(o * probs, axis=1)
    return out


if False:  # reference __main__ guard neutralized (emitter)
    inp = setup_inputs()
    out = reference(**inp)
    print(out.shape, out.dtype)

if __name__ == "__main__":
    import jax
    _d = setup_inputs()
    print(jax.jit(kernel)(*tuple(_d.values())))

</pallas_src>

<mosaic_0001>
#map = affine_map<(d0, d1) -> (0)>
#map1 = affine_map<(d0, d1) -> (0, 0)>
module attributes {stable_mosaic.version = 14 : i64} {
  func.func @_sc_gather_body(%arg0: i32, %arg1: i32, %arg2: memref<65536xi32, #tpu.memory_space<hbm>>, %arg3: memref<32768x128xf32, #tpu.memory_space<hbm>>, %arg4: memref<65536x128xf32, #tpu.memory_space<hbm>>, %arg5: memref<2048xi32, #tpu.memory_space<vmem>>, %arg6: memref<2048xi32, #tpu.memory_space<vmem>>, %arg7: memref<256x128xf32, #tpu.memory_space<vmem>>, %arg8: memref<256x128xf32, #tpu.memory_space<vmem>>, %arg9: memref<256x128xf32, #tpu.memory_space<vmem>>, %arg10: memref<!tpu.dma_semaphore, #tpu.memory_space<semaphore_mem>>, %arg11: memref<!tpu.dma_semaphore, #tpu.memory_space<semaphore_mem>>, %arg12: memref<!tpu.dma_semaphore, #tpu.memory_space<semaphore_mem>>, %arg13: memref<!tpu.dma_semaphore, #tpu.memory_space<semaphore_mem>>, %arg14: memref<!tpu.dma_semaphore, #tpu.memory_space<semaphore_mem>>, %arg15: memref<!tpu.dma_semaphore, #tpu.memory_space<semaphore_mem>>) attributes {dimension_semantics = [#tpu.dimension_semantics<core_parallel>, #tpu.dimension_semantics<subcore_parallel>], iteration_bounds = array<i64: 2, 16>, scalar_prefetch = 0 : i64, scratch_operands = 11 : i64, tpu.core_type = #tpu.core_type<sc_vector_subcore>, window_params = [{transform_indices = #map}, {transform_indices = #map1}, {transform_indices = #map1}]} {
    %mul3A = arith.constant 2 : i32
    %mul3A_0 = arith.muli %arg1, %mul3A : i32
    %add3A = arith.addi %mul3A_0, %arg0 : i32
    %mul3A_1 = arith.constant 2048 : i32
    %mul3A_2 = arith.muli %add3A, %mul3A_1 : i32
    "tpu.region"() ({
      %run_scoped3A = tpu.sem_alloc : memref<!tpu.dma_semaphore, #tpu.memory_space<semaphore_mem>>
      %dma_start3A_166 = tpu.memref_slice %arg2[%mul3A_2] : memref<65536xi32, #tpu.memory_space<hbm>> -> memref<2048xi32, #tpu.memory_space<hbm>>
      %dma_start3A_167 = tpu.memref_slice %arg2[%mul3A_2] : memref<65536xi32, #tpu.memory_space<hbm>> -> memref<2048xi32, #tpu.memory_space<hbm>>
      tpu.enqueue_dma source(%dma_start3A_167 : memref<2048xi32, #tpu.memory_space<hbm>>) target(%arg5 : memref<2048xi32, #tpu.memory_space<vmem>>) target_semaphore(%run_scoped3A : memref<!tpu.dma_semaphore, #tpu.memory_space<semaphore_mem>>)
      %dma_wait3A_168 = tpu.memref_slice %arg2[%mul3A_2] : memref<65536xi32, #tpu.memory_space<hbm>> -> memref<2048xi32, #tpu.memory_space<hbm>>
      %dma_wait3A_169 = tpu.memref_slice %arg2[%mul3A_2] : memref<65536xi32, #tpu.memory_space<hbm>> -> memref<2048xi32, #tpu.memory_space<hbm>>
      tpu.wait_dma2 semaphore(%run_scoped3A : memref<!tpu.dma_semaphore, #tpu.memory_space<semaphore_mem>>) src(%dma_wait3A_169 : memref<2048xi32, #tpu.memory_space<hbm>>) dst(%arg5 : memref<2048xi32, #tpu.memory_space<vmem>>)
      tpu.yield
    }) : () -> ()
    %scan3A = arith.constant 0 : i32
    %scan3A_3 = arith.constant 0 : i32
    %scan3A_4 = arith.constant 128 : i32
    %scan3A_5 = arith.addi %scan3A_3, %scan3A_4 : i32
    %scan3A_6 = arith.constant 1 : i32
    scf.for %scan3A_166 = %scan3A_3 to %scan3A_5 step %scan3A_6  : i32 {
      %mul3A_167 = arith.constant 16 : i32
      %mul3A_168 = arith.muli %scan3A_166, %mul3A_167 : i32
      %get3A = arith.index_cast %mul3A_168 : i32 to index
      %get3A_169 = tpu.vector_load %arg5[%get3A] {strides = array<i32>} : memref<2048xi32, #tpu.memory_space<vmem>>, vector<16xi32>,
      %get3A_170 = vector.shape_cast %get3A_169 : vector<16xi32> to vector<16xi32>
      %and3A = arith.constant 8191 : i32
      %and3A_171 = vector.broadcast %and3A : i32 to vector<16xi32>
      %and3A_172 = arith.andi %get3A_170, %and3A_171 : vector<16xi32>
      %add3A_173 = arith.constant 0 : i32
      %add3A_174 = vector.broadcast %add3A_173 : i32 to vector<16xi32>
      %add3A_175 = arith.addi %and3A_172, %add3A_174 : vector<16xi32>
      %mul3A_176 = arith.constant 16 : i32
      %mul3A_177 = arith.muli %scan3A_166, %mul3A_176 : i32
      %swap3A = arith.index_cast %mul3A_177 : i32 to index
      %swap3A_178 = tpu.vector_load %arg6[%swap3A] {strides = array<i32>} : memref<2048xi32, #tpu.memory_space<vmem>>, vector<16xi32>,
      %swap3A_179 = vector.shape_cast %swap3A_178 : vector<16xi32> to vector<16xi32>
      %swap3A_180 = vector.shape_cast %add3A_175 : vector<16xi32> to vector<16xi32>
      tpu.vector_store %arg6[%swap3A], %swap3A_180 {strides = array<i32>} : memref<2048xi32, #tpu.memory_space<vmem>>, vector<16xi32>,
    }
    %scan3A_7 = arith.constant 128 : i32
    %dma_start3A = arith.constant 0 : i32
    %dma_start3A_8 = tpu.memref_slice %arg6[%dma_start3A] : memref<2048xi32, #tpu.memory_space<vmem>> -> memref<256xi32, #tpu.memory_space<vmem>>
    %dma_start3A_9 = arith.constant 0 : i32
    %dma_start3A_10 = arith.constant 0 : i32
    %dma_start3A_11 = tpu.memref_slice %arg3[%dma_start3A_9, %dma_start3A_10] : memref<32768x128xf32, #tpu.memory_space<hbm>> -> memref<32768x128xf32, #tpu.memory_space<hbm>>
    tpu.enqueue_indirect_dma source(%dma_start3A_11 : memref<32768x128xf32, #tpu.memory_space<hbm>>) target(%arg7 : memref<256x128xf32, #tpu.memory_space<vmem>>) offsets(%dma_start3A_8 : memref<256xi32, #tpu.memory_space<vmem>>) semaphore(%arg10 : memref<!tpu.dma_semaphore, #tpu.memory_space<semaphore_mem>>)
    %dma_start3A_12 = arith.constant 256 : i32
    %dma_start3A_13 = tpu.memref_slice %arg6[%dma_start3A_12] : memref<2048xi32, #tpu.memory_space<vmem>> -> memref<256xi32, #tpu.memory_space<vmem>>
    %dma_start3A_14 = arith.constant 0 : i32
    %dma_start3A_15 = arith.constant 0 : i32
    %dma_start3A_16 = tpu.memref_slice %arg3[%dma_start3A_14, %dma_start3A_15] : memref<32768x128xf32, #tpu.memory_space<hbm>> -> memref<32768x128xf32, #tpu.memory_space<hbm>>
    tpu.enqueue_indirect_dma source(%dma_start3A_16 : memref<32768x128xf32, #tpu.memory_space<hbm>>) target(%arg8 : memref<256x128xf32, #tpu.memory_space<vmem>>) offsets(%dma_start3A_13 : memref<256xi32, #tpu.memory_space<vmem>>) semaphore(%arg11 : memref<!tpu.dma_semaphore, #tpu.memory_space<semaphore_mem>>)
    %dma_start3A_17 = arith.constant 512 : i32
    %dma_start3A_18 = tpu.memref_slice %arg6[%dma_start3A_17] : memref<2048xi32, #tpu.memory_space<vmem>> -> memref<256xi32, #tpu.memory_space<vmem>>
    %dma_start3A_19 = arith.constant 0 : i32
    %dma_start3A_20 = arith.constant 0 : i32
    %dma_start3A_21 = tpu.memref_slice %arg3[%dma_start3A_19, %dma_start3A_20] : memref<32768x128xf32, #tpu.memory_space<hbm>> -> memref<32768x128xf32, #tpu.memory_space<hbm>>
    tpu.enqueue_indirect_dma source(%dma_start3A_21 : memref<32768x128xf32, #tpu.memory_space<hbm>>) target(%arg9 : memref<256x128xf32, #tpu.memory_space<vmem>>) offsets(%dma_start3A_18 : memref<256xi32, #tpu.memory_space<vmem>>) semaphore(%arg12 : memref<!tpu.dma_semaphore, #tpu.memory_space<semaphore_mem>>)
    %dma_wait3A = arith.constant 0 : i32
    %dma_wait3A_22 = tpu.memref_slice %arg6[%dma_wait3A] : memref<2048xi32, #tpu.memory_space<vmem>> -> memref<256xi32, #tpu.memory_space<vmem>>
    %dma_wait3A_23 = arith.constant 0 : i32
    %dma_wait3A_24 = arith.constant 0 : i32
    %dma_wait3A_25 = tpu.memref_slice %arg3[%dma_wait3A_23, %dma_wait3A_24] : memref<32768x128xf32, #tpu.memory_space<hbm>> -> memref<32768x128xf32, #tpu.memory_space<hbm>>
    tpu.wait_indirect_dma semaphore(%arg10 : memref<!tpu.dma_semaphore, #tpu.memory_space<semaphore_mem>>) src(%dma_wait3A_25 : memref<32768x128xf32, #tpu.memory_space<hbm>>) dst(%arg7 : memref<256x128xf32, #tpu.memory_space<vmem>>)
    %add3A_26 = arith.constant 0 : i32
    %add3A_27 = arith.addi %mul3A_2, %add3A_26 : i32
    %dma_start3A_28 = arith.constant 0 : i32
    %dma_start3A_29 = tpu.memref_slice %arg4[%add3A_27, %dma_start3A_28] : memref<65536x128xf32, #tpu.memory_space<hbm>> -> memref<256x128xf32, #tpu.memory_space<hbm>>
    %dma_start3A_30 = arith.constant 0 : i32
    %dma_start3A_31 = tpu.memref_slice %arg4[%add3A_27, %dma_start3A_30] : memref<65536x128xf32, #tpu.memory_space<hbm>> -> memref<256x128xf32, #tpu.memory_space<hbm>>
    tpu.enqueue_dma source(%arg7 : memref<256x128xf32, #tpu.memory_space<vmem>>) target(%dma_start3A_31 : memref<256x128xf32, #tpu.memory_space<hbm>>) target_semaphore(%arg13 : memref<!tpu.dma_semaphore, #tpu.memory_space<semaphore_mem>>)
    %dma_wait3A_32 = arith.constant 0 : i32
    %dma_wait3A_33 = tpu.memref_slice %arg4[%add3A_27, %dma_wait3A_32] : memref<65536x128xf32, #tpu.memory_space<hbm>> -> memref<256x128xf32, #tpu.memory_space<hbm>>
    %dma_wait3A_34 = arith.constant 0 : i32
    %dma_wait3A_35 = tpu.memref_slice %arg4[%add3A_27, %dma_wait3A_34] : memref<65536x128xf32, #tpu.memory_space<hbm>> -> memref<256x128xf32, #tpu.memory_space<hbm>>
    tpu.wait_dma2 semaphore(%arg13 : memref<!tpu.dma_semaphore, #tpu.memory_space<semaphore_mem>>) src(%arg7 : memref<256x128xf32, #tpu.memory_space<vmem>>) dst(%dma_wait3A_35 : memref<256x128xf32, #tpu.memory_space<hbm>>)
    %dma_start3A_36 = arith.constant 768 : i32
    %dma_start3A_37 = tpu.memref_slice %arg6[%dma_start3A_36] : memref<2048xi32, #tpu.memory_space<vmem>> -> memref<256xi32, #tpu.memory_space<vmem>>
    %dma_start3A_38 = arith.constant 0 : i32
    %dma_start3A_39 = arith.constant 0 : i32
    %dma_start3A_40 = tpu.memref_slice %arg3[%dma_start3A_38, %dma_start3A_39] : memref<32768x128xf32, #tpu.memory_space<hbm>> -> memref<32768x128xf32, #tpu.memory_space<hbm>>
    tpu.enqueue_indirect_dma source(%dma_start3A_40 : memref<32768x128xf32, #tpu.memory_space<hbm>>) target(%arg7 : memref<256x128xf32, #tpu.memory_space<vmem>>) offsets(%dma_start3A_37 : memref<256xi32, #tpu.memory_space<vmem>>) semaphore(%arg10 : memref<!tpu.dma_semaphore, #tpu.memory_space<semaphore_mem>>)
    %dma_wait3A_41 = arith.constant 256 : i32
    %dma_wait3A_42 = tpu.memref_slice %arg6[%dma_wait3A_41] : memref<2048xi32, #tpu.memory_space<vmem>> -> memref<256xi32, #tpu.memory_space<vmem>>
    %dma_wait3A_43 = arith.constant 0 : i32
    %dma_wait3A_44 = arith.constant 0 : i32
    %dma_wait3A_45 = tpu.memref_slice %arg3[%dma_wait3A_43, %dma_wait3A_44] : memref<32768x128xf32, #tpu.memory_space<hbm>> -> memref<32768x128xf32, #tpu.memory_space<hbm>>
    tpu.wait_indirect_dma semaphore(%arg11 : memref<!tpu.dma_semaphore, #tpu.memory_space<semaphore_mem>>) src(%dma_wait3A_45 : memref<32768x128xf32, #tpu.memory_space<hbm>>) dst(%arg8 : memref<256x128xf32, #tpu.memory_space<vmem>>)
    %add3A_46 = arith.constant 256 : i32
    %add3A_47 = arith.addi %mul3A_2, %add3A_46 : i32
    %dma_start3A_48 = arith.constant 0 : i32
    %dma_start3A_49 = tpu.memref_slice %arg4[%add3A_47, %dma_start3A_48] : memref<65536x128xf32, #tpu.memory_space<hbm>> -> memref<256x128xf32, #tpu.memory_space<hbm>>
    %dma_start3A_50 = arith.constant 0 : i32
    %dma_start3A_51 = tpu.memref_slice %arg4[%add3A_47, %dma_start3A_50] : memref<65536x128xf32, #tpu.memory_space<hbm>> -> memref<256x128xf32, #tpu.memory_space<hbm>>
    tpu.enqueue_dma source(%arg8 : memref<256x128xf32, #tpu.memory_space<vmem>>) target(%dma_start3A_51 : memref<256x128xf32, #tpu.memory_space<hbm>>) target_semaphore(%arg14 : memref<!tpu.dma_semaphore, #tpu.memory_space<semaphore_mem>>)
    %dma_wait3A_52 = arith.constant 0 : i32
    %dma_wait3A_53 = tpu.memref_slice %arg4[%add3A_47, %dma_wait3A_52] : memref<65536x128xf32, #tpu.memory_space<hbm>> -> memref<256x128xf32, #tpu.memory_space<hbm>>
    %dma_wait3A_54 = arith.constant 0 : i32
    %dma_wait3A_55 = tpu.memref_slice %arg4[%add3A_47, %dma_wait3A_54] : memref<65536x128xf32, #tpu.memory_space<hbm>> -> memref<256x128xf32, #tpu.memory_space<hbm>>
    tpu.wait_dma2 semaphore(%arg14 : memref<!tpu.dma_semaphore, #tpu.memory_space<semaphore_mem>>) src(%arg8 : memref<256x128xf32, #tpu.memory_space<vmem>>) dst(%dma_wait3A_55 : memref<256x128xf32, #tpu.memory_space<hbm>>)
    %dma_start3A_56 = arith.constant 1024 : i32
    %dma_start3A_57 = tpu.memref_slice %arg6[%dma_start3A_56] : memref<2048xi32, #tpu.memory_space<vmem>> -> memref<256xi32, #tpu.memory_space<vmem>>
    %dma_start3A_58 = arith.constant 0 : i32
    %dma_start3A_59 = arith.constant 0 : i32
    %dma_start3A_60 = tpu.memref_slice %arg3[%dma_start3A_58, %dma_start3A_59] : memref<32768x128xf32, #tpu.memory_space<hbm>> -> memref<32768x128xf32, #tpu.memory_space<hbm>>
    tpu.enqueue_indirect_dma source(%dma_start3A_60 : memref<32768x128xf32, #tpu.memory_space<hbm>>) target(%arg8 : memref<256x128xf32, #tpu.memory_space<vmem>>) offsets(%dma_start3A_57 : memref<256xi32, #tpu.memory_space<vmem>>) semaphore(%arg11 : memref<!tpu.dma_semaphore, #tpu.memory_space<semaphore_mem>>)
    %dma_wait3A_61 = arith.constant 512 : i32
    %dma_wait3A_62 = tpu.memref_slice %arg6[%dma_wait3A_61] : memref<2048xi32, #tpu.memory_space<vmem>> -> memref<256xi32, #tpu.memory_space<vmem>>
    %dma_wait3A_63 = arith.constant 0 : i32
    %dma_wait3A_64 = arith.constant 0 : i32
    %dma_wait3A_65 = tpu.memref_slice %arg3[%dma_wait3A_63, %dma_wait3A_64] : memref<32768x128xf32, #tpu.memory_space<hbm>> -> memref<32768x128xf32, #tpu.memory_space<hbm>>
    tpu.wait_indirect_dma semaphore(%arg12 : memref<!tpu.dma_semaphore, #tpu.memory_space<semaphore_mem>>) src(%dma_wait3A_65 : memref<32768x128xf32, #tpu.memory_space<hbm>>) dst(%arg9 : memref<256x128xf32, #tpu.memory_space<vmem>>)
    %add3A_66 = arith.constant 512 : i32
    %add3A_67 = arith.addi %mul3A_2, %add3A_66 : i32
    %dma_start3A_68 = arith.constant 0 : i32
    %dma_start3A_69 = tpu.memref_slice %arg4[%add3A_67, %dma_start3A_68] : memref<65536x128xf32, #tpu.memory_space<hbm>> -> memref<256x128xf32, #tpu.memory_space<hbm>>
    %dma_start3A_70 = arith.constant 0 : i32
    %dma_start3A_71 = tpu.memref_slice %arg4[%add3A_67, %dma_start3A_70] : memref<65536x128xf32, #tpu.memory_space<hbm>> -> memref<256x128xf32, #tpu.memory_space<hbm>>
    tpu.enqueue_dma source(%arg9 : memref<256x128xf32, #tpu.memory_space<vmem>>) target(%dma_start3A_71 : memref<256x128xf32, #tpu.memory_space<hbm>>) target_semaphore(%arg15 : memref<!tpu.dma_semaphore, #tpu.memory_space<semaphore_mem>>)
    %dma_wait3A_72 = arith.constant 0 : i32
    %dma_wait3A_73 = tpu.memref_slice %arg4[%add3A_67, %dma_wait3A_72] : memref<65536x128xf32, #tpu.memory_space<hbm>> -> memref<256x128xf32, #tpu.memory_space<hbm>>
    %dma_wait3A_74 = arith.constant 0 : i32
    %dma_wait3A_75 = tpu.memref_slice %arg4[%add3A_67, %dma_wait3A_74] : memref<65536x128xf32, #tpu.memory_space<hbm>> -> memref<256x128xf32, #tpu.memory_space<hbm>>
    tpu.wait_dma2 semaphore(%arg15 : memref<!tpu.dma_semaphore, #tpu.memory_space<semaphore_mem>>) src(%arg9 : memref<256x128xf32, #tpu.memory_space<vmem>>) dst(%dma_wait3A_75 : memref<256x128xf32, #tpu.memory_space<hbm>>)
    %dma_start3A_76 = arith.constant 1280 : i32
    %dma_start3A_77 = tpu.memref_slice %arg6[%dma_start3A_76] : memref<2048xi32, #tpu.memory_space<vmem>> -> memref<256xi32, #tpu.memory_space<vmem>>
    %dma_start3A_78 = arith.constant 0 : i32
    %dma_start3A_79 = arith.constant 0 : i32
    %dma_start3A_80 = tpu.memref_slice %arg3[%dma_start3A_78, %dma_start3A_79] : memref<32768x128xf32, #tpu.memory_space<hbm>> -> memref<32768x128xf32, #tpu.memory_space<hbm>>
    tpu.enqueue_indirect_dma source(%dma_start3A_80 : memref<32768x128xf32, #tpu.memory_space<hbm>>) target(%arg9 : memref<256x128xf32, #tpu.memory_space<vmem>>) offsets(%dma_start3A_77 : memref<256xi32, #tpu.memory_space<vmem>>) semaphore(%arg12 : memref<!tpu.dma_semaphore, #tpu.memory_space<semaphore_mem>>)
    %dma_wait3A_81 = arith.constant 768 : i32
    %dma_wait3A_82 = tpu.memref_slice %arg6[%dma_wait3A_81] : memref<2048xi32, #tpu.memory_space<vmem>> -> memref<256xi32, #tpu.memory_space<vmem>>
    %dma_wait3A_83 = arith.constant 0 : i32
    %dma_wait3A_84 = arith.constant 0 : i32
    %dma_wait3A_85 = tpu.memref_slice %arg3[%dma_wait3A_83, %dma_wait3A_84] : memref<32768x128xf32, #tpu.memory_space<hbm>> -> memref<32768x128xf32, #tpu.memory_space<hbm>>
    tpu.wait_indirect_dma semaphore(%arg10 : memref<!tpu.dma_semaphore, #tpu.memory_space<semaphore_mem>>) src(%dma_wait3A_85 : memref<32768x128xf32, #tpu.memory_space<hbm>>) dst(%arg7 : memref<256x128xf32, #tpu.memory_space<vmem>>)
    %add3A_86 = arith.constant 768 : i32
    %add3A_87 = arith.addi %mul3A_2, %add3A_86 : i32
    %dma_start3A_88 = arith.constant 0 : i32
    %dma_start3A_89 = tpu.memref_slice %arg4[%add3A_87, %dma_start3A_88] : memref<65536x128xf32, #tpu.memory_space<hbm>> -> memref<256x128xf32, #tpu.memory_space<hbm>>
    %dma_start3A_90 = arith.constant 0 : i32
    %dma_start3A_91 = tpu.memref_slice %arg4[%add3A_87, %dma_start3A_90] : memref<65536x128xf32, #tpu.memory_space<hbm>> -> memref<256x128xf32, #tpu.memory_space<hbm>>
    tpu.enqueue_dma source(%arg7 : memref<256x128xf32, #tpu.memory_space<vmem>>) target(%dma_start3A_91 : memref<256x128xf32, #tpu.memory_space<hbm>>) target_semaphore(%arg13 : memref<!tpu.dma_semaphore, #tpu.memory_space<semaphore_mem>>)
    %dma_wait3A_92 = arith.constant 0 : i32
    %dma_wait3A_93 = tpu.memref_slice %arg4[%add3A_87, %dma_wait3A_92] : memref<65536x128xf32, #tpu.memory_space<hbm>> -> memref<256x128xf32, #tpu.memory_space<hbm>>
    %dma_wait3A_94 = arith.constant 0 : i32
    %dma_wait3A_95 = tpu.memref_slice %arg4[%add3A_87, %dma_wait3A_94] : memref<65536x128xf32, #tpu.memory_space<hbm>> -> memref<256x128xf32, #tpu.memory_space<hbm>>
    tpu.wait_dma2 semaphore(%arg13 : memref<!tpu.dma_semaphore, #tpu.memory_space<semaphore_mem>>) src(%arg7 : memref<256x128xf32, #tpu.memory_space<vmem>>) dst(%dma_wait3A_95 : memref<256x128xf32, #tpu.memory_space<hbm>>)
    %dma_start3A_96 = arith.constant 1536 : i32
    %dma_start3A_97 = tpu.memref_slice %arg6[%dma_start3A_96] : memref<2048xi32, #tpu.memory_space<vmem>> -> memref<256xi32, #tpu.memory_space<vmem>>
    %dma_start3A_98 = arith.constant 0 : i32
    %dma_start3A_99 = arith.constant 0 : i32
    %dma_start3A_100 = tpu.memref_slice %arg3[%dma_start3A_98, %dma_start3A_99] : memref<32768x128xf32, #tpu.memory_space<hbm>> -> memref<32768x128xf32, #tpu.memory_space<hbm>>
    tpu.enqueue_indirect_dma source(%dma_start3A_100 : memref<32768x128xf32, #tpu.memory_space<hbm>>) target(%arg7 : memref<256x128xf32, #tpu.memory_space<vmem>>) offsets(%dma_start3A_97 : memref<256xi32, #tpu.memory_space<vmem>>) semaphore(%arg10 : memref<!tpu.dma_semaphore, #tpu.memory_space<semaphore_mem>>)
    %dma_wait3A_101 = arith.constant 1024 : i32
    %dma_wait3A_102 = tpu.memref_slice %arg6[%dma_wait3A_101] : memref<2048xi32, #tpu.memory_space<vmem>> -> memref<256xi32, #tpu.memory_space<vmem>>
    %dma_wait3A_103 = arith.constant 0 : i32
    %dma_wait3A_104 = arith.constant 0 : i32
    %dma_wait3A_105 = tpu.memref_slice %arg3[%dma_wait3A_103, %dma_wait3A_104] : memref<32768x128xf32, #tpu.memory_space<hbm>> -> memref<32768x128xf32, #tpu.memory_space<hbm>>
    tpu.wait_indirect_dma semaphore(%arg11 : memref<!tpu.dma_semaphore, #tpu.memory_space<semaphore_mem>>) src(%dma_wait3A_105 : memref<32768x128xf32, #tpu.memory_space<hbm>>) dst(%arg8 : memref<256x128xf32, #tpu.memory_space<vmem>>)
    %add3A_106 = arith.constant 1024 : i32
    %add3A_107 = arith.addi %mul3A_2, %add3A_106 : i32
    %dma_start3A_108 = arith.constant 0 : i32
    %dma_start3A_109 = tpu.memref_slice %arg4[%add3A_107, %dma_start3A_108] : memref<65536x128xf32, #tpu.memory_space<hbm>> -> memref<256x128xf32, #tpu.memory_space<hbm>>
    %dma_start3A_110 = arith.constant 0 : i32
    %dma_start3A_111 = tpu.memref_slice %arg4[%add3A_107, %dma_start3A_110] : memref<65536x128xf32, #tpu.memory_space<hbm>> -> memref<256x128xf32, #tpu.memory_space<hbm>>
    tpu.enqueue_dma source(%arg8 : memref<256x128xf32, #tpu.memory_space<vmem>>) target(%dma_start3A_111 : memref<256x128xf32, #tpu.memory_space<hbm>>) target_semaphore(%arg14 : memref<!tpu.dma_semaphore, #tpu.memory_space<semaphore_mem>>)
    %dma_wait3A_112 = arith.constant 0 : i32
    %dma_wait3A_113 = tpu.memref_slice %arg4[%add3A_107, %dma_wait3A_112] : memref<65536x128xf32, #tpu.memory_space<hbm>> -> memref<256x128xf32, #tpu.memory_space<hbm>>
    %dma_wait3A_114 = arith.constant 0 : i32
    %dma_wait3A_115 = tpu.memref_slice %arg4[%add3A_107, %dma_wait3A_114] : memref<65536x128xf32, #tpu.memory_space<hbm>> -> memref<256x128xf32, #tpu.memory_space<hbm>>
    tpu.wait_dma2 semaphore(%arg14 : memref<!tpu.dma_semaphore, #tpu.memory_space<semaphore_mem>>) src(%arg8 : memref<256x128xf32, #tpu.memory_space<vmem>>) dst(%dma_wait3A_115 : memref<256x128xf32, #tpu.memory_space<hbm>>)
    %dma_start3A_116 = arith.constant 1792 : i32
    %dma_start3A_117 = tpu.memref_slice %arg6[%dma_start3A_116] : memref<2048xi32, #tpu.memory_space<vmem>> -> memref<256xi32, #tpu.memory_space<vmem>>
    %dma_start3A_118 = arith.constant 0 : i32
    %dma_start3A_119 = arith.constant 0 : i32
    %dma_start3A_120 = tpu.memref_slice %arg3[%dma_start3A_118, %dma_start3A_119] : memref<32768x128xf32, #tpu.memory_space<hbm>> -> memref<32768x128xf32, #tpu.memory_space<hbm>>
    tpu.enqueue_indirect_dma source(%dma_start3A_120 : memref<32768x128xf32, #tpu.memory_space<hbm>>) target(%arg8 : memref<256x128xf32, #tpu.memory_space<vmem>>) offsets(%dma_start3A_117 : memref<256xi32, #tpu.memory_space<vmem>>) semaphore(%arg11 : memref<!tpu.dma_semaphore, #tpu.memory_space<semaphore_mem>>)
    %dma_wait3A_121 = arith.constant 1280 : i32
    %dma_wait3A_122 = tpu.memref_slice %arg6[%dma_wait3A_121] : memref<2048xi32, #tpu.memory_space<vmem>> -> memref<256xi32, #tpu.memory_space<vmem>>
    %dma_wait3A_123 = arith.constant 0 : i32
    %dma_wait3A_124 = arith.constant 0 : i32
    %dma_wait3A_125 = tpu.memref_slice %arg3[%dma_wait3A_123, %dma_wait3A_124] : memref<32768x128xf32, #tpu.memory_space<hbm>> -> memref<32768x128xf32, #tpu.memory_space<hbm>>
    tpu.wait_indirect_dma semaphore(%arg12 : memref<!tpu.dma_semaphore, #tpu.memory_space<semaphore_mem>>) src(%dma_wait3A_125 : memref<32768x128xf32, #tpu.memory_space<hbm>>) dst(%arg9 : memref<256x128xf32, #tpu.memory_space<vmem>>)
    %add3A_126 = arith.constant 1280 : i32
    %add3A_127 = arith.addi %mul3A_2, %add3A_126 : i32
    %dma_start3A_128 = arith.constant 0 : i32
    %dma_start3A_129 = tpu.memref_slice %arg4[%add3A_127, %dma_start3A_128] : memref<65536x128xf32, #tpu.memory_space<hbm>> -> memref<256x128xf32, #tpu.memory_space<hbm>>
    %dma_start3A_130 = arith.constant 0 : i32
    %dma_start3A_131 = tpu.memref_slice %arg4[%add3A_127, %dma_start3A_130] : memref<65536x128xf32, #tpu.memory_space<hbm>> -> memref<256x128xf32, #tpu.memory_space<hbm>>
    tpu.enqueue_dma source(%arg9 : memref<256x128xf32, #tpu.memory_space<vmem>>) target(%dma_start3A_131 : memref<256x128xf32, #tpu.memory_space<hbm>>) target_semaphore(%arg15 : memref<!tpu.dma_semaphore, #tpu.memory_space<semaphore_mem>>)
    %dma_wait3A_132 = arith.constant 1536 : i32
    %dma_wait3A_133 = tpu.memref_slice %arg6[%dma_wait3A_132] : memref<2048xi32, #tpu.memory_space<vmem>> -> memref<256xi32, #tpu.memory_space<vmem>>
    %dma_wait3A_134 = arith.constant 0 : i32
    %dma_wait3A_135 = arith.constant 0 : i32
    %dma_wait3A_136 = tpu.memref_slice %arg3[%dma_wait3A_134, %dma_wait3A_135] : memref<32768x128xf32, #tpu.memory_space<hbm>> -> memref<32768x128xf32, #tpu.memory_space<hbm>>
    tpu.wait_indirect_dma semaphore(%arg10 : memref<!tpu.dma_semaphore, #tpu.memory_space<semaphore_mem>>) src(%dma_wait3A_136 : memref<32768x128xf32, #tpu.memory_space<hbm>>) dst(%arg7 : memref<256x128xf32, #tpu.memory_space<vmem>>)
    %add3A_137 = arith.constant 1536 : i32
    %add3A_138 = arith.addi %mul3A_2, %add3A_137 : i32
    %dma_start3A_139 = arith.constant 0 : i32
    %dma_start3A_140 = tpu.memref_slice %arg4[%add3A_138, %dma_start3A_139] : memref<65536x128xf32, #tpu.memory_space<hbm>> -> memref<256x128xf32, #tpu.memory_space<hbm>>
    %dma_start3A_141 = arith.constant 0 : i32
    %dma_start3A_142 = tpu.memref_slice %arg4[%add3A_138, %dma_start3A_141] : memref<65536x128xf32, #tpu.memory_space<hbm>> -> memref<256x128xf32, #tpu.memory_space<hbm>>
    tpu.enqueue_dma source(%arg7 : memref<256x128xf32, #tpu.memory_space<vmem>>) target(%dma_start3A_142 : memref<256x128xf32, #tpu.memory_space<hbm>>) target_semaphore(%arg13 : memref<!tpu.dma_semaphore, #tpu.memory_space<semaphore_mem>>)
    %dma_wait3A_143 = arith.constant 1792 : i32
    %dma_wait3A_144 = tpu.memref_slice %arg6[%dma_wait3A_143] : memref<2048xi32, #tpu.memory_space<vmem>> -> memref<256xi32, #tpu.memory_space<vmem>>
    %dma_wait3A_145 = arith.constant 0 : i32
    %dma_wait3A_146 = arith.constant 0 : i32
    %dma_wait3A_147 = tpu.memref_slice %arg3[%dma_wait3A_145, %dma_wait3A_146] : memref<32768x128xf32, #tpu.memory_space<hbm>> -> memref<32768x128xf32, #tpu.memory_space<hbm>>
    tpu.wait_indirect_dma semaphore(%arg11 : memref<!tpu.dma_semaphore, #tpu.memory_space<semaphore_mem>>) src(%dma_wait3A_147 : memref<32768x128xf32, #tpu.memory_space<hbm>>) dst(%arg8 : memref<256x128xf32, #tpu.memory_space<vmem>>)
    %add3A_148 = arith.constant 1792 : i32
    %add3A_149 = arith.addi %mul3A_2, %add3A_148 : i32
    %dma_start3A_150 = arith.constant 0 : i32
    %dma_start3A_151 = tpu.memref_slice %arg4[%add3A_149, %dma_start3A_150] : memref<65536x128xf32, #tpu.memory_space<hbm>> -> memref<256x128xf32, #tpu.memory_space<hbm>>
    %dma_start3A_152 = arith.constant 0 : i32
    %dma_start3A_153 = tpu.memref_slice %arg4[%add3A_149, %dma_start3A_152] : memref<65536x128xf32, #tpu.memory_space<hbm>> -> memref<256x128xf32, #tpu.memory_space<hbm>>
    tpu.enqueue_dma source(%arg8 : memref<256x128xf32, #tpu.memory_space<vmem>>) target(%dma_start3A_153 : memref<256x128xf32, #tpu.memory_space<hbm>>) target_semaphore(%arg14 : memref<!tpu.dma_semaphore, #tpu.memory_space<semaphore_mem>>)
    %dma_wait3A_154 = arith.constant 0 : i32
    %dma_wait3A_155 = tpu.memref_slice %arg4[%add3A_127, %dma_wait3A_154] : memref<65536x128xf32, #tpu.memory_space<hbm>> -> memref<256x128xf32, #tpu.memory_space<hbm>>
    %dma_wait3A_156 = arith.constant 0 : i32
    %dma_wait3A_157 = tpu.memref_slice %arg4[%add3A_127, %dma_wait3A_156] : memref<65536x128xf32, #tpu.memory_space<hbm>> -> memref<256x128xf32, #tpu.memory_space<hbm>>
    tpu.wait_dma2 semaphore(%arg15 : memref<!tpu.dma_semaphore, #tpu.memory_space<semaphore_mem>>) src(%arg9 : memref<256x128xf32, #tpu.memory_space<vmem>>) dst(%dma_wait3A_157 : memref<256x128xf32, #tpu.memory_space<hbm>>)
    %dma_wait3A_158 = arith.constant 0 : i32
    %dma_wait3A_159 = tpu.memref_slice %arg4[%add3A_138, %dma_wait3A_158] : memref<65536x128xf32, #tpu.memory_space<hbm>> -> memref<256x128xf32, #tpu.memory_space<hbm>>
    %dma_wait3A_160 = arith.constant 0 : i32
    %dma_wait3A_161 = tpu.memref_slice %arg4[%add3A_138, %dma_wait3A_160] : memref<65536x128xf32, #tpu.memory_space<hbm>> -> memref<256x128xf32, #tpu.memory_space<hbm>>
    tpu.wait_dma2 semaphore(%arg13 : memref<!tpu.dma_semaphore, #tpu.memory_space<semaphore_mem>>) src(%arg7 : memref<256x128xf32, #tpu.memory_space<vmem>>) dst(%dma_wait3A_161 : memref<256x128xf32, #tpu.memory_space<hbm>>)
    %dma_wait3A_162 = arith.constant 0 : i32
    %dma_wait3A_163 = tpu.memref_slice %arg4[%add3A_149, %dma_wait3A_162] : memref<65536x128xf32, #tpu.memory_space<hbm>> -> memref<256x128xf32, #tpu.memory_space<hbm>>
    %dma_wait3A_164 = arith.constant 0 : i32
    %dma_wait3A_165 = tpu.memref_slice %arg4[%add3A_149, %dma_wait3A_164] : memref<65536x128xf32, #tpu.memory_space<hbm>> -> memref<256x128xf32, #tpu.memory_space<hbm>>
    tpu.wait_dma2 semaphore(%arg14 : memref<!tpu.dma_semaphore, #tpu.memory_space<semaphore_mem>>) src(%arg8 : memref<256x128xf32, #tpu.memory_space<vmem>>) dst(%dma_wait3A_165 : memref<256x128xf32, #tpu.memory_space<hbm>>)
    return
  }
}

#map = affine_map<(d0, d1) -> (0)>
#map1 = affine_map<(d0, d1) -> (0, 0)>
module attributes {stable_mosaic.version = 14 : i64} {
  func.func @_sc_gather_body(%arg0: i32, %arg1: i32, %arg2: memref<65536xi32, #tpu.memory_space<hbm>>, %arg3: memref<32768x128xf32, #tpu.memory_space<hbm>>, %arg4: memref<65536x128xf32, #tpu.memory_space<hbm>>, %arg5: memref<2048xi32, #tpu.memory_space<vmem>>, %arg6: memref<2048xi32, #tpu.memory_space<vmem>>, %arg7: memref<256x128xf32, #tpu.memory_space<vmem>>, %arg8: memref<256x128xf32, #tpu.memory_space<vmem>>, %arg9: memref<256x128xf32, #tpu.memory_space<vmem>>, %arg10: memref<!tpu.dma_semaphore, #tpu.memory_space<semaphore_mem>>, %arg11: memref<!tpu.dma_semaphore, #tpu.memory_space<semaphore_mem>>, %arg12: memref<!tpu.dma_semaphore, #tpu.memory_space<semaphore_mem>>, %arg13: memref<!tpu.dma_semaphore, #tpu.memory_space<semaphore_mem>>, %arg14: memref<!tpu.dma_semaphore, #tpu.memory_space<semaphore_mem>>, %arg15: memref<!tpu.dma_semaphore, #tpu.memory_space<semaphore_mem>>) attributes {dimension_semantics = [#tpu.dimension_semantics<core_parallel>, #tpu.dimension_semantics<subcore_parallel>], iteration_bounds = array<i64: 2, 16>, scalar_prefetch = 0 : i64, scratch_operands = 11 : i64, tpu.core_type = #tpu.core_type<sc_vector_subcore>, window_params = [{transform_indices = #map}, {transform_indices = #map1}, {transform_indices = #map1}]} {
    %mul3A = arith.constant 2 : i32
    %mul3A_0 = arith.muli %arg1, %mul3A : i32
    %add3A = arith.addi %mul3A_0, %arg0 : i32
    %mul3A_1 = arith.constant 2048 : i32
    %mul3A_2 = arith.muli %add3A, %mul3A_1 : i32
    "tpu.region"() ({
      %run_scoped3A = tpu.sem_alloc : memref<!tpu.dma_semaphore, #tpu.memory_space<semaphore_mem>>
      %dma_start3A_166 = tpu.memref_slice %arg2[%mul3A_2] : memref<65536xi32, #tpu.memory_space<hbm>> -> memref<2048xi32, #tpu.memory_space<hbm>>
      %dma_start3A_167 = tpu.memref_slice %arg2[%mul3A_2] : memref<65536xi32, #tpu.memory_space<hbm>> -> memref<2048xi32, #tpu.memory_space<hbm>>
      tpu.enqueue_dma source(%dma_start3A_167 : memref<2048xi32, #tpu.memory_space<hbm>>) target(%arg5 : memref<2048xi32, #tpu.memory_space<vmem>>) target_semaphore(%run_scoped3A : memref<!tpu.dma_semaphore, #tpu.memory_space<semaphore_mem>>)
      %dma_wait3A_168 = tpu.memref_slice %arg2[%mul3A_2] : memref<65536xi32, #tpu.memory_space<hbm>> -> memref<2048xi32, #tpu.memory_space<hbm>>
      %dma_wait3A_169 = tpu.memref_slice %arg2[%mul3A_2] : memref<65536xi32, #tpu.memory_space<hbm>> -> memref<2048xi32, #tpu.memory_space<hbm>>
      tpu.wait_dma2 semaphore(%run_scoped3A : memref<!tpu.dma_semaphore, #tpu.memory_space<semaphore_mem>>) src(%dma_wait3A_169 : memref<2048xi32, #tpu.memory_space<hbm>>) dst(%arg5 : memref<2048xi32, #tpu.memory_space<vmem>>)
      tpu.yield
    }) : () -> ()
    %scan3A = arith.constant 0 : i32
    %scan3A_3 = arith.constant 0 : i32
    %scan3A_4 = arith.constant 128 : i32
    %scan3A_5 = arith.addi %scan3A_3, %scan3A_4 : i32
    %scan3A_6 = arith.constant 1 : i32
    scf.for %scan3A_166 = %scan3A_3 to %scan3A_5 step %scan3A_6  : i32 {
      %mul3A_167 = arith.constant 16 : i32
      %mul3A_168 = arith.muli %scan3A_166, %mul3A_167 : i32
      %get3A = arith.index_cast %mul3A_168 : i32 to index
      %get3A_169 = tpu.vector_load %arg5[%get3A] {strides = array<i32>} : memref<2048xi32, #tpu.memory_space<vmem>>, vector<16xi32>,
      %get3A_170 = vector.shape_cast %get3A_169 : vector<16xi32> to vector<16xi32>
      %and3A = arith.constant 8191 : i32
      %and3A_171 = vector.broadcast %and3A : i32 to vector<16xi32>
      %and3A_172 = arith.andi %get3A_170, %and3A_171 : vector<16xi32>
      %add3A_173 = arith.constant 8192 : i32
      %add3A_174 = vector.broadcast %add3A_173 : i32 to vector<16xi32>
      %add3A_175 = arith.addi %and3A_172, %add3A_174 : vector<16xi32>
      %mul3A_176 = arith.constant 16 : i32
      %mul3A_177 = arith.muli %scan3A_166, %mul3A_176 : i32
      %swap3A = arith.index_cast %mul3A_177 : i32 to index
      %swap3A_178 = tpu.vector_load %arg6[%swap3A] {strides = array<i32>} : memref<2048xi32, #tpu.memory_space<vmem>>, vector<16xi32>,
      %swap3A_179 = vector.shape_cast %swap3A_178 : vector<16xi32> to vector<16xi32>
      %swap3A_180 = vector.shape_cast %add3A_175 : vector<16xi32> to vector<16xi32>
      tpu.vector_store %arg6[%swap3A], %swap3A_180 {strides = array<i32>} : memref<2048xi32, #tpu.memory_space<vmem>>, vector<16xi32>,
    }
    %scan3A_7 = arith.constant 128 : i32
    %dma_start3A = arith.constant 0 : i32
    %dma_start3A_8 = tpu.memref_slice %arg6[%dma_start3A] : memref<2048xi32, #tpu.memory_space<vmem>> -> memref<256xi32, #tpu.memory_space<vmem>>
    %dma_start3A_9 = arith.constant 0 : i32
    %dma_start3A_10 = arith.constant 0 : i32
    %dma_start3A_11 = tpu.memref_slice %arg3[%dma_start3A_9, %dma_start3A_10] : memref<32768x128xf32, #tpu.memory_space<hbm>> -> memref<32768x128xf32, #tpu.memory_space<hbm>>
    tpu.enqueue_indirect_dma source(%dma_start3A_11 : memref<32768x128xf32, #tpu.memory_space<hbm>>) target(%arg7 : memref<256x128xf32, #tpu.memory_space<vmem>>) offsets(%dma_start3A_8 : memref<256xi32, #tpu.memory_space<vmem>>) semaphore(%arg10 : memref<!tpu.dma_semaphore, #tpu.memory_space<semaphore_mem>>)
    %dma_start3A_12 = arith.constant 256 : i32
    %dma_start3A_13 = tpu.memref_slice %arg6[%dma_start3A_12] : memref<2048xi32, #tpu.memory_space<vmem>> -> memref<256xi32, #tpu.memory_space<vmem>>
    %dma_start3A_14 = arith.constant 0 : i32
    %dma_start3A_15 = arith.constant 0 : i32
    %dma_start3A_16 = tpu.memref_slice %arg3[%dma_start3A_14, %dma_start3A_15] : memref<32768x128xf32, #tpu.memory_space<hbm>> -> memref<32768x128xf32, #tpu.memory_space<hbm>>
    tpu.enqueue_indirect_dma source(%dma_start3A_16 : memref<32768x128xf32, #tpu.memory_space<hbm>>) target(%arg8 : memref<256x128xf32, #tpu.memory_space<vmem>>) offsets(%dma_start3A_13 : memref<256xi32, #tpu.memory_space<vmem>>) semaphore(%arg11 : memref<!tpu.dma_semaphore, #tpu.memory_space<semaphore_mem>>)
    %dma_start3A_17 = arith.constant 512 : i32
    %dma_start3A_18 = tpu.memref_slice %arg6[%dma_start3A_17] : memref<2048xi32, #tpu.memory_space<vmem>> -> memref<256xi32, #tpu.memory_space<vmem>>
    %dma_start3A_19 = arith.constant 0 : i32
    %dma_start3A_20 = arith.constant 0 : i32
    %dma_start3A_21 = tpu.memref_slice %arg3[%dma_start3A_19, %dma_start3A_20] : memref<32768x128xf32, #tpu.memory_space<hbm>> -> memref<32768x128xf32, #tpu.memory_space<hbm>>
    tpu.enqueue_indirect_dma source(%dma_start3A_21 : memref<32768x128xf32, #tpu.memory_space<hbm>>) target(%arg9 : memref<256x128xf32, #tpu.memory_space<vmem>>) offsets(%dma_start3A_18 : memref<256xi32, #tpu.memory_space<vmem>>) semaphore(%arg12 : memref<!tpu.dma_semaphore, #tpu.memory_space<semaphore_mem>>)
    %dma_wait3A = arith.constant 0 : i32
    %dma_wait3A_22 = tpu.memref_slice %arg6[%dma_wait3A] : memref<2048xi32, #tpu.memory_space<vmem>> -> memref<256xi32, #tpu.memory_space<vmem>>
    %dma_wait3A_23 = arith.constant 0 : i32
    %dma_wait3A_24 = arith.constant 0 : i32
    %dma_wait3A_25 = tpu.memref_slice %arg3[%dma_wait3A_23, %dma_wait3A_24] : memref<32768x128xf32, #tpu.memory_space<hbm>> -> memref<32768x128xf32, #tpu.memory_space<hbm>>
    tpu.wait_indirect_dma semaphore(%arg10 : memref<!tpu.dma_semaphore, #tpu.memory_space<semaphore_mem>>) src(%dma_wait3A_25 : memref<32768x128xf32, #tpu.memory_space<hbm>>) dst(%arg7 : memref<256x128xf32, #tpu.memory_space<vmem>>)
    %add3A_26 = arith.constant 0 : i32
    %add3A_27 = arith.addi %mul3A_2, %add3A_26 : i32
    %dma_start3A_28 = arith.constant 0 : i32
    %dma_start3A_29 = tpu.memref_slice %arg4[%add3A_27, %dma_start3A_28] : memref<65536x128xf32, #tpu.memory_space<hbm>> -> memref<256x128xf32, #tpu.memory_space<hbm>>
    %dma_start3A_30 = arith.constant 0 : i32
    %dma_start3A_31 = tpu.memref_slice %arg4[%add3A_27, %dma_start3A_30] : memref<65536x128xf32, #tpu.memory_space<hbm>> -> memref<256x128xf32, #tpu.memory_space<hbm>>
    tpu.enqueue_dma source(%arg7 : memref<256x128xf32, #tpu.memory_space<vmem>>) target(%dma_start3A_31 : memref<256x128xf32, #tpu.memory_space<hbm>>) target_semaphore(%arg13 : memref<!tpu.dma_semaphore, #tpu.memory_space<semaphore_mem>>)
    %dma_wait3A_32 = arith.constant 0 : i32
    %dma_wait3A_33 = tpu.memref_slice %arg4[%add3A_27, %dma_wait3A_32] : memref<65536x128xf32, #tpu.memory_space<hbm>> -> memref<256x128xf32, #tpu.memory_space<hbm>>
    %dma_wait3A_34 = arith.constant 0 : i32
    %dma_wait3A_35 = tpu.memref_slice %arg4[%add3A_27, %dma_wait3A_34] : memref<65536x128xf32, #tpu.memory_space<hbm>> -> memref<256x128xf32, #tpu.memory_space<hbm>>
    tpu.wait_dma2 semaphore(%arg13 : memref<!tpu.dma_semaphore, #tpu.memory_space<semaphore_mem>>) src(%arg7 : memref<256x128xf32, #tpu.memory_space<vmem>>) dst(%dma_wait3A_35 : memref<256x128xf32, #tpu.memory_space<hbm>>)
    %dma_start3A_36 = arith.constant 768 : i32
    %dma_start3A_37 = tpu.memref_slice %arg6[%dma_start3A_36] : memref<2048xi32, #tpu.memory_space<vmem>> -> memref<256xi32, #tpu.memory_space<vmem>>
    %dma_start3A_38 = arith.constant 0 : i32
    %dma_start3A_39 = arith.constant 0 : i32
    %dma_start3A_40 = tpu.memref_slice %arg3[%dma_start3A_38, %dma_start3A_39] : memref<32768x128xf32, #tpu.memory_space<hbm>> -> memref<32768x128xf32, #tpu.memory_space<hbm>>
    tpu.enqueue_indirect_dma source(%dma_start3A_40 : memref<32768x128xf32, #tpu.memory_space<hbm>>) target(%arg7 : memref<256x128xf32, #tpu.memory_space<vmem>>) offsets(%dma_start3A_37 : memref<256xi32, #tpu.memory_space<vmem>>) semaphore(%arg10 : memref<!tpu.dma_semaphore, #tpu.memory_space<semaphore_mem>>)
    %dma_wait3A_41 = arith.constant 256 : i32
    %dma_wait3A_42 = tpu.memref_slice %arg6[%dma_wait3A_41] : memref<2048xi32, #tpu.memory_space<vmem>> -> memref<256xi32, #tpu.memory_space<vmem>>
    %dma_wait3A_43 = arith.constant 0 : i32
    %dma_wait3A_44 = arith.constant 0 : i32
    %dma_wait3A_45 = tpu.memref_slice %arg3[%dma_wait3A_43, %dma_wait3A_44] : memref<32768x128xf32, #tpu.memory_space<hbm>> -> memref<32768x128xf32, #tpu.memory_space<hbm>>
    tpu.wait_indirect_dma semaphore(%arg11 : memref<!tpu.dma_semaphore, #tpu.memory_space<semaphore_mem>>) src(%dma_wait3A_45 : memref<32768x128xf32, #tpu.memory_space<hbm>>) dst(%arg8 : memref<256x128xf32, #tpu.memory_space<vmem>>)
    %add3A_46 = arith.constant 256 : i32
    %add3A_47 = arith.addi %mul3A_2, %add3A_46 : i32
    %dma_start3A_48 = arith.constant 0 : i32
    %dma_start3A_49 = tpu.memref_slice %arg4[%add3A_47, %dma_start3A_48] : memref<65536x128xf32, #tpu.memory_space<hbm>> -> memref<256x128xf32, #tpu.memory_space<hbm>>
    %dma_start3A_50 = arith.constant 0 : i32
    %dma_start3A_51 = tpu.memref_slice %arg4[%add3A_47, %dma_start3A_50] : memref<65536x128xf32, #tpu.memory_space<hbm>> -> memref<256x128xf32, #tpu.memory_space<hbm>>
    tpu.enqueue_dma source(%arg8 : memref<256x128xf32, #tpu.memory_space<vmem>>) target(%dma_start3A_51 : memref<256x128xf32, #tpu.memory_space<hbm>>) target_semaphore(%arg14 : memref<!tpu.dma_semaphore, #tpu.memory_space<semaphore_mem>>)
    %dma_wait3A_52 = arith.constant 0 : i32
    %dma_wait3A_53 = tpu.memref_slice %arg4[%add3A_47, %dma_wait3A_52] : memref<65536x128xf32, #tpu.memory_space<hbm>> -> memref<256x128xf32, #tpu.memory_space<hbm>>
    %dma_wait3A_54 = arith.constant 0 : i32
    %dma_wait3A_55 = tpu.memref_slice %arg4[%add3A_47, %dma_wait3A_54] : memref<65536x128xf32, #tpu.memory_space<hbm>> -> memref<256x128xf32, #tpu.memory_space<hbm>>
    tpu.wait_dma2 semaphore(%arg14 : memref<!tpu.dma_semaphore, #tpu.memory_space<semaphore_mem>>) src(%arg8 : memref<256x128xf32, #tpu.memory_space<vmem>>) dst(%dma_wait3A_55 : memref<256x128xf32, #tpu.memory_space<hbm>>)
    %dma_start3A_56 = arith.constant 1024 : i32
    %dma_start3A_57 = tpu.memref_slice %arg6[%dma_start3A_56] : memref<2048xi32, #tpu.memory_space<vmem>> -> memref<256xi32, #tpu.memory_space<vmem>>
    %dma_start3A_58 = arith.constant 0 : i32
    %dma_start3A_59 = arith.constant 0 : i32
    %dma_start3A_60 = tpu.memref_slice %arg3[%dma_start3A_58, %dma_start3A_59] : memref<32768x128xf32, #tpu.memory_space<hbm>> -> memref<32768x128xf32, #tpu.memory_space<hbm>>
    tpu.enqueue_indirect_dma source(%dma_start3A_60 : memref<32768x128xf32, #tpu.memory_space<hbm>>) target(%arg8 : memref<256x128xf32, #tpu.memory_space<vmem>>) offsets(%dma_start3A_57 : memref<256xi32, #tpu.memory_space<vmem>>) semaphore(%arg11 : memref<!tpu.dma_semaphore, #tpu.memory_space<semaphore_mem>>)
    %dma_wait3A_61 = arith.constant 512 : i32
    %dma_wait3A_62 = tpu.memref_slice %arg6[%dma_wait3A_61] : memref<2048xi32, #tpu.memory_space<vmem>> -> memref<256xi32, #tpu.memory_space<vmem>>
    %dma_wait3A_63 = arith.constant 0 : i32
    %dma_wait3A_64 = arith.constant 0 : i32
    %dma_wait3A_65 = tpu.memref_slice %arg3[%dma_wait3A_63, %dma_wait3A_64] : memref<32768x128xf32, #tpu.memory_space<hbm>> -> memref<32768x128xf32, #tpu.memory_space<hbm>>
    tpu.wait_indirect_dma semaphore(%arg12 : memref<!tpu.dma_semaphore, #tpu.memory_space<semaphore_mem>>) src(%dma_wait3A_65 : memref<32768x128xf32, #tpu.memory_space<hbm>>) dst(%arg9 : memref<256x128xf32, #tpu.memory_space<vmem>>)
    %add3A_66 = arith.constant 512 : i32
    %add3A_67 = arith.addi %mul3A_2, %add3A_66 : i32
    %dma_start3A_68 = arith.constant 0 : i32
    %dma_start3A_69 = tpu.memref_slice %arg4[%add3A_67, %dma_start3A_68] : memref<65536x128xf32, #tpu.memory_space<hbm>> -> memref<256x128xf32, #tpu.memory_space<hbm>>
    %dma_start3A_70 = arith.constant 0 : i32
    %dma_start3A_71 = tpu.memref_slice %arg4[%add3A_67, %dma_start3A_70] : memref<65536x128xf32, #tpu.memory_space<hbm>> -> memref<256x128xf32, #tpu.memory_space<hbm>>
    tpu.enqueue_dma source(%arg9 : memref<256x128xf32, #tpu.memory_space<vmem>>) target(%dma_start3A_71 : memref<256x128xf32, #tpu.memory_space<hbm>>) target_semaphore(%arg15 : memref<!tpu.dma_semaphore, #tpu.memory_space<semaphore_mem>>)
    %dma_wait3A_72 = arith.constant 0 : i32
    %dma_wait3A_73 = tpu.memref_slice %arg4[%add3A_67, %dma_wait3A_72] : memref<65536x128xf32, #tpu.memory_space<hbm>> -> memref<256x128xf32, #tpu.memory_space<hbm>>
    %dma_wait3A_74 = arith.constant 0 : i32
    %dma_wait3A_75 = tpu.memref_slice %arg4[%add3A_67, %dma_wait3A_74] : memref<65536x128xf32, #tpu.memory_space<hbm>> -> memref<256x128xf32, #tpu.memory_space<hbm>>
    tpu.wait_dma2 semaphore(%arg15 : memref<!tpu.dma_semaphore, #tpu.memory_space<semaphore_mem>>) src(%arg9 : memref<256x128xf32, #tpu.memory_space<vmem>>) dst(%dma_wait3A_75 : memref<256x128xf32, #tpu.memory_space<hbm>>)
    %dma_start3A_76 = arith.constant 1280 : i32
    %dma_start3A_77 = tpu.memref_slice %arg6[%dma_start3A_76] : memref<2048xi32, #tpu.memory_space<vmem>> -> memref<256xi32, #tpu.memory_space<vmem>>
    %dma_start3A_78 = arith.constant 0 : i32
    %dma_start3A_79 = arith.constant 0 : i32
    %dma_start3A_80 = tpu.memref_slice %arg3[%dma_start3A_78, %dma_start3A_79] : memref<32768x128xf32, #tpu.memory_space<hbm>> -> memref<32768x128xf32, #tpu.memory_space<hbm>>
    tpu.enqueue_indirect_dma source(%dma_start3A_80 : memref<32768x128xf32, #tpu.memory_space<hbm>>) target(%arg9 : memref<256x128xf32, #tpu.memory_space<vmem>>) offsets(%dma_start3A_77 : memref<256xi32, #tpu.memory_space<vmem>>) semaphore(%arg12 : memref<!tpu.dma_semaphore, #tpu.memory_space<semaphore_mem>>)
    %dma_wait3A_81 = arith.constant 768 : i32
    %dma_wait3A_82 = tpu.memref_slice %arg6[%dma_wait3A_81] : memref<2048xi32, #tpu.memory_space<vmem>> -> memref<256xi32, #tpu.memory_space<vmem>>
    %dma_wait3A_83 = arith.constant 0 : i32
    %dma_wait3A_84 = arith.constant 0 : i32
    %dma_wait3A_85 = tpu.memref_slice %arg3[%dma_wait3A_83, %dma_wait3A_84] : memref<32768x128xf32, #tpu.memory_space<hbm>> -> memref<32768x128xf32, #tpu.memory_space<hbm>>
    tpu.wait_indirect_dma semaphore(%arg10 : memref<!tpu.dma_semaphore, #tpu.memory_space<semaphore_mem>>) src(%dma_wait3A_85 : memref<32768x128xf32, #tpu.memory_space<hbm>>) dst(%arg7 : memref<256x128xf32, #tpu.memory_space<vmem>>)
    %add3A_86 = arith.constant 768 : i32
    %add3A_87 = arith.addi %mul3A_2, %add3A_86 : i32
    %dma_start3A_88 = arith.constant 0 : i32
    %dma_start3A_89 = tpu.memref_slice %arg4[%add3A_87, %dma_start3A_88] : memref<65536x128xf32, #tpu.memory_space<hbm>> -> memref<256x128xf32, #tpu.memory_space<hbm>>
    %dma_start3A_90 = arith.constant 0 : i32
    %dma_start3A_91 = tpu.memref_slice %arg4[%add3A_87, %dma_start3A_90] : memref<65536x128xf32, #tpu.memory_space<hbm>> -> memref<256x128xf32, #tpu.memory_space<hbm>>
    tpu.enqueue_dma source(%arg7 : memref<256x128xf32, #tpu.memory_space<vmem>>) target(%dma_start3A_91 : memref<256x128xf32, #tpu.memory_space<hbm>>) target_semaphore(%arg13 : memref<!tpu.dma_semaphore, #tpu.memory_space<semaphore_mem>>)
    %dma_wait3A_92 = arith.constant 0 : i32
    %dma_wait3A_93 = tpu.memref_slice %arg4[%add3A_87, %dma_wait3A_92] : memref<65536x128xf32, #tpu.memory_space<hbm>> -> memref<256x128xf32, #tpu.memory_space<hbm>>
    %dma_wait3A_94 = arith.constant 0 : i32
    %dma_wait3A_95 = tpu.memref_slice %arg4[%add3A_87, %dma_wait3A_94] : memref<65536x128xf32, #tpu.memory_space<hbm>> -> memref<256x128xf32, #tpu.memory_space<hbm>>
    tpu.wait_dma2 semaphore(%arg13 : memref<!tpu.dma_semaphore, #tpu.memory_space<semaphore_mem>>) src(%arg7 : memref<256x128xf32, #tpu.memory_space<vmem>>) dst(%dma_wait3A_95 : memref<256x128xf32, #tpu.memory_space<hbm>>)
    %dma_start3A_96 = arith.constant 1536 : i32
    %dma_start3A_97 = tpu.memref_slice %arg6[%dma_start3A_96] : memref<2048xi32, #tpu.memory_space<vmem>> -> memref<256xi32, #tpu.memory_space<vmem>>
    %dma_start3A_98 = arith.constant 0 : i32
    %dma_start3A_99 = arith.constant 0 : i32
    %dma_start3A_100 = tpu.memref_slice %arg3[%dma_start3A_98, %dma_start3A_99] : memref<32768x128xf32, #tpu.memory_space<hbm>> -> memref<32768x128xf32, #tpu.memory_space<hbm>>
    tpu.enqueue_indirect_dma source(%dma_start3A_100 : memref<32768x128xf32, #tpu.memory_space<hbm>>) target(%arg7 : memref<256x128xf32, #tpu.memory_space<vmem>>) offsets(%dma_start3A_97 : memref<256xi32, #tpu.memory_space<vmem>>) semaphore(%arg10 : memref<!tpu.dma_semaphore, #tpu.memory_space<semaphore_mem>>)
    %dma_wait3A_101 = arith.constant 1024 : i32
    %dma_wait3A_102 = tpu.memref_slice %arg6[%dma_wait3A_101] : memref<2048xi32, #tpu.memory_space<vmem>> -> memref<256xi32, #tpu.memory_space<vmem>>
    %dma_wait3A_103 = arith.constant 0 : i32
    %dma_wait3A_104 = arith.constant 0 : i32
    %dma_wait3A_105 = tpu.memref_slice %arg3[%dma_wait3A_103, %dma_wait3A_104] : memref<32768x128xf32, #tpu.memory_space<hbm>> -> memref<32768x128xf32, #tpu.memory_space<hbm>>
    tpu.wait_indirect_dma semaphore(%arg11 : memref<!tpu.dma_semaphore, #tpu.memory_space<semaphore_mem>>) src(%dma_wait3A_105 : memref<32768x128xf32, #tpu.memory_space<hbm>>) dst(%arg8 : memref<256x128xf32, #tpu.memory_space<vmem>>)
    %add3A_106 = arith.constant 1024 : i32
    %add3A_107 = arith.addi %mul3A_2, %add3A_106 : i32
    %dma_start3A_108 = arith.constant 0 : i32
    %dma_start3A_109 = tpu.memref_slice %arg4[%add3A_107, %dma_start3A_108] : memref<65536x128xf32, #tpu.memory_space<hbm>> -> memref<256x128xf32, #tpu.memory_space<hbm>>
    %dma_start3A_110 = arith.constant 0 : i32
    %dma_start3A_111 = tpu.memref_slice %arg4[%add3A_107, %dma_start3A_110] : memref<65536x128xf32, #tpu.memory_space<hbm>> -> memref<256x128xf32, #tpu.memory_space<hbm>>
    tpu.enqueue_dma source(%arg8 : memref<256x128xf32, #tpu.memory_space<vmem>>) target(%dma_start3A_111 : memref<256x128xf32, #tpu.memory_space<hbm>>) target_semaphore(%arg14 : memref<!tpu.dma_semaphore, #tpu.memory_space<semaphore_mem>>)
    %dma_wait3A_112 = arith.constant 0 : i32
    %dma_wait3A_113 = tpu.memref_slice %arg4[%add3A_107, %dma_wait3A_112] : memref<65536x128xf32, #tpu.memory_space<hbm>> -> memref<256x128xf32, #tpu.memory_space<hbm>>
    %dma_wait3A_114 = arith.constant 0 : i32
    %dma_wait3A_115 = tpu.memref_slice %arg4[%add3A_107, %dma_wait3A_114] : memref<65536x128xf32, #tpu.memory_space<hbm>> -> memref<256x128xf32, #tpu.memory_space<hbm>>
    tpu.wait_dma2 semaphore(%arg14 : memref<!tpu.dma_semaphore, #tpu.memory_space<semaphore_mem>>) src(%arg8 : memref<256x128xf32, #tpu.memory_space<vmem>>) dst(%dma_wait3A_115 : memref<256x128xf32, #tpu.memory_space<hbm>>)
    %dma_start3A_116 = arith.constant 1792 : i32
    %dma_start3A_117 = tpu.memref_slice %arg6[%dma_start3A_116] : memref<2048xi32, #tpu.memory_space<vmem>> -> memref<256xi32, #tpu.memory_space<vmem>>
    %dma_start3A_118 = arith.constant 0 : i32
    %dma_start3A_119 = arith.constant 0 : i32
    %dma_start3A_120 = tpu.memref_slice %arg3[%dma_start3A_118, %dma_start3A_119] : memref<32768x128xf32, #tpu.memory_space<hbm>> -> memref<32768x128xf32, #tpu.memory_space<hbm>>
    tpu.enqueue_indirect_dma source(%dma_start3A_120 : memref<32768x128xf32, #tpu.memory_space<hbm>>) target(%arg8 : memref<256x128xf32, #tpu.memory_space<vmem>>) offsets(%dma_start3A_117 : memref<256xi32, #tpu.memory_space<vmem>>) semaphore(%arg11 : memref<!tpu.dma_semaphore, #tpu.memory_space<semaphore_mem>>)
    %dma_wait3A_121 = arith.constant 1280 : i32
    %dma_wait3A_122 = tpu.memref_slice %arg6[%dma_wait3A_121] : memref<2048xi32, #tpu.memory_space<vmem>> -> memref<256xi32, #tpu.memory_space<vmem>>
    %dma_wait3A_123 = arith.constant 0 : i32
    %dma_wait3A_124 = arith.constant 0 : i32
    %dma_wait3A_125 = tpu.memref_slice %arg3[%dma_wait3A_123, %dma_wait3A_124] : memref<32768x128xf32, #tpu.memory_space<hbm>> -> memref<32768x128xf32, #tpu.memory_space<hbm>>
    tpu.wait_indirect_dma semaphore(%arg12 : memref<!tpu.dma_semaphore, #tpu.memory_space<semaphore_mem>>) src(%dma_wait3A_125 : memref<32768x128xf32, #tpu.memory_space<hbm>>) dst(%arg9 : memref<256x128xf32, #tpu.memory_space<vmem>>)
    %add3A_126 = arith.constant 1280 : i32
    %add3A_127 = arith.addi %mul3A_2, %add3A_126 : i32
    %dma_start3A_128 = arith.constant 0 : i32
    %dma_start3A_129 = tpu.memref_slice %arg4[%add3A_127, %dma_start3A_128] : memref<65536x128xf32, #tpu.memory_space<hbm>> -> memref<256x128xf32, #tpu.memory_space<hbm>>
    %dma_start3A_130 = arith.constant 0 : i32
    %dma_start3A_131 = tpu.memref_slice %arg4[%add3A_127, %dma_start3A_130] : memref<65536x128xf32, #tpu.memory_space<hbm>> -> memref<256x128xf32, #tpu.memory_space<hbm>>
    tpu.enqueue_dma source(%arg9 : memref<256x128xf32, #tpu.memory_space<vmem>>) target(%dma_start3A_131 : memref<256x128xf32, #tpu.memory_space<hbm>>) target_semaphore(%arg15 : memref<!tpu.dma_semaphore, #tpu.memory_space<semaphore_mem>>)
    %dma_wait3A_132 = arith.constant 1536 : i32
    %dma_wait3A_133 = tpu.memref_slice %arg6[%dma_wait3A_132] : memref<2048xi32, #tpu.memory_space<vmem>> -> memref<256xi32, #tpu.memory_space<vmem>>
    %dma_wait3A_134 = arith.constant 0 : i32
    %dma_wait3A_135 = arith.constant 0 : i32
    %dma_wait3A_136 = tpu.memref_slice %arg3[%dma_wait3A_134, %dma_wait3A_135] : memref<32768x128xf32, #tpu.memory_space<hbm>> -> memref<32768x128xf32, #tpu.memory_space<hbm>>
    tpu.wait_indirect_dma semaphore(%arg10 : memref<!tpu.dma_semaphore, #tpu.memory_space<semaphore_mem>>) src(%dma_wait3A_136 : memref<32768x128xf32, #tpu.memory_space<hbm>>) dst(%arg7 : memref<256x128xf32, #tpu.memory_space<vmem>>)
    %add3A_137 = arith.constant 1536 : i32
    %add3A_138 = arith.addi %mul3A_2, %add3A_137 : i32
    %dma_start3A_139 = arith.constant 0 : i32
    %dma_start3A_140 = tpu.memref_slice %arg4[%add3A_138, %dma_start3A_139] : memref<65536x128xf32, #tpu.memory_space<hbm>> -> memref<256x128xf32, #tpu.memory_space<hbm>>
    %dma_start3A_141 = arith.constant 0 : i32
    %dma_start3A_142 = tpu.memref_slice %arg4[%add3A_138, %dma_start3A_141] : memref<65536x128xf32, #tpu.memory_space<hbm>> -> memref<256x128xf32, #tpu.memory_space<hbm>>
    tpu.enqueue_dma source(%arg7 : memref<256x128xf32, #tpu.memory_space<vmem>>) target(%dma_start3A_142 : memref<256x128xf32, #tpu.memory_space<hbm>>) target_semaphore(%arg13 : memref<!tpu.dma_semaphore, #tpu.memory_space<semaphore_mem>>)
    %dma_wait3A_143 = arith.constant 1792 : i32
    %dma_wait3A_144 = tpu.memref_slice %arg6[%dma_wait3A_143] : memref<2048xi32, #tpu.memory_space<vmem>> -> memref<256xi32, #tpu.memory_space<vmem>>
    %dma_wait3A_145 = arith.constant 0 : i32
    %dma_wait3A_146 = arith.constant 0 : i32
    %dma_wait3A_147 = tpu.memref_slice %arg3[%dma_wait3A_145, %dma_wait3A_146] : memref<32768x128xf32, #tpu.memory_space<hbm>> -> memref<32768x128xf32, #tpu.memory_space<hbm>>
    tpu.wait_indirect_dma semaphore(%arg11 : memref<!tpu.dma_semaphore, #tpu.memory_space<semaphore_mem>>) src(%dma_wait3A_147 : memref<32768x128xf32, #tpu.memory_space<hbm>>) dst(%arg8 : memref<256x128xf32, #tpu.memory_space<vmem>>)
    %add3A_148 = arith.constant 1792 : i32
    %add3A_149 = arith.addi %mul3A_2, %add3A_148 : i32
    %dma_start3A_150 = arith.constant 0 : i32
    %dma_start3A_151 = tpu.memref_slice %arg4[%add3A_149, %dma_start3A_150] : memref<65536x128xf32, #tpu.memory_space<hbm>> -> memref<256x128xf32, #tpu.memory_space<hbm>>
    %dma_start3A_152 = arith.constant 0 : i32
    %dma_start3A_153 = tpu.memref_slice %arg4[%add3A_149, %dma_start3A_152] : memref<65536x128xf32, #tpu.memory_space<hbm>> -> memref<256x128xf32, #tpu.memory_space<hbm>>
    tpu.enqueue_dma source(%arg8 : memref<256x128xf32, #tpu.memory_space<vmem>>) target(%dma_start3A_153 : memref<256x128xf32, #tpu.memory_space<hbm>>) target_semaphore(%arg14 : memref<!tpu.dma_semaphore, #tpu.memory_space<semaphore_mem>>)
    %dma_wait3A_154 = arith.constant 0 : i32
    %dma_wait3A_155 = tpu.memref_slice %arg4[%add3A_127, %dma_wait3A_154] : memref<65536x128xf32, #tpu.memory_space<hbm>> -> memref<256x128xf32, #tpu.memory_space<hbm>>
    %dma_wait3A_156 = arith.constant 0 : i32
    %dma_wait3A_157 = tpu.memref_slice %arg4[%add3A_127, %dma_wait3A_156] : memref<65536x128xf32, #tpu.memory_space<hbm>> -> memref<256x128xf32, #tpu.memory_space<hbm>>
    tpu.wait_dma2 semaphore(%arg15 : memref<!tpu.dma_semaphore, #tpu.memory_space<semaphore_mem>>) src(%arg9 : memref<256x128xf32, #tpu.memory_space<vmem>>) dst(%dma_wait3A_157 : memref<256x128xf32, #tpu.memory_space<hbm>>)
    %dma_wait3A_158 = arith.constant 0 : i32
    %dma_wait3A_159 = tpu.memref_slice %arg4[%add3A_138, %dma_wait3A_158] : memref<65536x128xf32, #tpu.memory_space<hbm>> -> memref<256x128xf32, #tpu.memory_space<hbm>>
    %dma_wait3A_160 = arith.constant 0 : i32
    %dma_wait3A_161 = tpu.memref_slice %arg4[%add3A_138, %dma_wait3A_160] : memref<65536x128xf32, #tpu.memory_space<hbm>> -> memref<256x128xf32, #tpu.memory_space<hbm>>
    tpu.wait_dma2 semaphore(%arg13 : memref<!tpu.dma_semaphore, #tpu.memory_space<semaphore_mem>>) src(%arg7 : memref<256x128xf32, #tpu.memory_space<vmem>>) dst(%dma_wait3A_161 : memref<256x128xf32, #tpu.memory_space<hbm>>)
    %dma_wait3A_162 = arith.constant 0 : i32
    %dma_wait3A_163 = tpu.memref_slice %arg4[%add3A_149, %dma_wait3A_162] : memref<65536x128xf32, #tpu.memory_space<hbm>> -> memref<256x128xf32, #tpu.memory_space<hbm>>
    %dma_wait3A_164 = arith.constant 0 : i32
    %dma_wait3A_165 = tpu.memref_slice %arg4[%add3A_149, %dma_wait3A_164] : memref<65536x128xf32, #tpu.memory_space<hbm>> -> memref<256x128xf32, #tpu.memory_space<hbm>>
    tpu.wait_dma2 semaphore(%arg14 : memref<!tpu.dma_semaphore, #tpu.memory_space<semaphore_mem>>) src(%arg8 : memref<256x128xf32, #tpu.memory_space<vmem>>) dst(%dma_wait3A_165 : memref<256x128xf32, #tpu.memory_space<hbm>>)
    return
  }
}

#map = affine_map<(d0, d1) -> (0)>
#map1 = affine_map<(d0, d1) -> (0, 0)>
module attributes {stable_mosaic.version = 14 : i64} {
  func.func @_sc_gather_body(%arg0: i32, %arg1: i32, %arg2: memref<65536xi32, #tpu.memory_space<hbm>>, %arg3: memref<32768x128xf32, #tpu.memory_space<hbm>>, %arg4: memref<65536x128xf32, #tpu.memory_space<hbm>>, %arg5: memref<2048xi32, #tpu.memory_space<vmem>>, %arg6: memref<2048xi32, #tpu.memory_space<vmem>>, %arg7: memref<256x128xf32, #tpu.memory_space<vmem>>, %arg8: memref<256x128xf32, #tpu.memory_space<vmem>>, %arg9: memref<256x128xf32, #tpu.memory_space<vmem>>, %arg10: memref<!tpu.dma_semaphore, #tpu.memory_space<semaphore_mem>>, %arg11: memref<!tpu.dma_semaphore, #tpu.memory_space<semaphore_mem>>, %arg12: memref<!tpu.dma_semaphore, #tpu.memory_space<semaphore_mem>>, %arg13: memref<!tpu.dma_semaphore, #tpu.memory_space<semaphore_mem>>, %arg14: memref<!tpu.dma_semaphore, #tpu.memory_space<semaphore_mem>>, %arg15: memref<!tpu.dma_semaphore, #tpu.memory_space<semaphore_mem>>) attributes {dimension_semantics = [#tpu.dimension_semantics<core_parallel>, #tpu.dimension_semantics<subcore_parallel>], iteration_bounds = array<i64: 2, 16>, scalar_prefetch = 0 : i64, scratch_operands = 11 : i64, tpu.core_type = #tpu.core_type<sc_vector_subcore>, window_params = [{transform_indices = #map}, {transform_indices = #map1}, {transform_indices = #map1}]} {
    %mul3A = arith.constant 2 : i32
    %mul3A_0 = arith.muli %arg1, %mul3A : i32
    %add3A = arith.addi %mul3A_0, %arg0 : i32
    %mul3A_1 = arith.constant 2048 : i32
    %mul3A_2 = arith.muli %add3A, %mul3A_1 : i32
    "tpu.region"() ({
      %run_scoped3A = tpu.sem_alloc : memref<!tpu.dma_semaphore, #tpu.memory_space<semaphore_mem>>
      %dma_start3A_166 = tpu.memref_slice %arg2[%mul3A_2] : memref<65536xi32, #tpu.memory_space<hbm>> -> memref<2048xi32, #tpu.memory_space<hbm>>
      %dma_start3A_167 = tpu.memref_slice %arg2[%mul3A_2] : memref<65536xi32, #tpu.memory_space<hbm>> -> memref<2048xi32, #tpu.memory_space<hbm>>
      tpu.enqueue_dma source(%dma_start3A_167 : memref<2048xi32, #tpu.memory_space<hbm>>) target(%arg5 : memref<2048xi32, #tpu.memory_space<vmem>>) target_semaphore(%run_scoped3A : memref<!tpu.dma_semaphore, #tpu.memory_space<semaphore_mem>>)
      %dma_wait3A_168 = tpu.memref_slice %arg2[%mul3A_2] : memref<65536xi32, #tpu.memory_space<hbm>> -> memref<2048xi32, #tpu.memory_space<hbm>>
      %dma_wait3A_169 = tpu.memref_slice %arg2[%mul3A_2] : memref<65536xi32, #tpu.memory_space<hbm>> -> memref<2048xi32, #tpu.memory_space<hbm>>
      tpu.wait_dma2 semaphore(%run_scoped3A : memref<!tpu.dma_semaphore, #tpu.memory_space<semaphore_mem>>) src(%dma_wait3A_169 : memref<2048xi32, #tpu.memory_space<hbm>>) dst(%arg5 : memref<2048xi32, #tpu.memory_space<vmem>>)
      tpu.yield
    }) : () -> ()
    %scan3A = arith.constant 0 : i32
    %scan3A_3 = arith.constant 0 : i32
    %scan3A_4 = arith.constant 128 : i32
    %scan3A_5 = arith.addi %scan3A_3, %scan3A_4 : i32
    %scan3A_6 = arith.constant 1 : i32
    scf.for %scan3A_166 = %scan3A_3 to %scan3A_5 step %scan3A_6  : i32 {
      %mul3A_167 = arith.constant 16 : i32
      %mul3A_168 = arith.muli %scan3A_166, %mul3A_167 : i32
      %get3A = arith.index_cast %mul3A_168 : i32 to index
      %get3A_169 = tpu.vector_load %arg5[%get3A] {strides = array<i32>} : memref<2048xi32, #tpu.memory_space<vmem>>, vector<16xi32>,
      %get3A_170 = vector.shape_cast %get3A_169 : vector<16xi32> to vector<16xi32>
      %and3A = arith.constant 8191 : i32
      %and3A_171 = vector.broadcast %and3A : i32 to vector<16xi32>
      %and3A_172 = arith.andi %get3A_170, %and3A_171 : vector<16xi32>
      %add3A_173 = arith.constant 24576 : i32
      %add3A_174 = vector.broadcast %add3A_173 : i32 to vector<16xi32>
      %add3A_175 = arith.addi %and3A_172, %add3A_174 : vector<16xi32>
      %mul3A_176 = arith.constant 16 : i32
      %mul3A_177 = arith.muli %scan3A_166, %mul3A_176 : i32
      %swap3A = arith.index_cast %mul3A_177 : i32 to index
      %swap3A_178 = tpu.vector_load %arg6[%swap3A] {strides = array<i32>} : memref<2048xi32, #tpu.memory_space<vmem>>, vector<16xi32>,
      %swap3A_179 = vector.shape_cast %swap3A_178 : vector<16xi32> to vector<16xi32>
      %swap3A_180 = vector.shape_cast %add3A_175 : vector<16xi32> to vector<16xi32>
      tpu.vector_store %arg6[%swap3A], %swap3A_180 {strides = array<i32>} : memref<2048xi32, #tpu.memory_space<vmem>>, vector<16xi32>,
    }
    %scan3A_7 = arith.constant 128 : i32
    %dma_start3A = arith.constant 0 : i32
    %dma_start3A_8 = tpu.memref_slice %arg6[%dma_start3A] : memref<2048xi32, #tpu.memory_space<vmem>> -> memref<256xi32, #tpu.memory_space<vmem>>
    %dma_start3A_9 = arith.constant 0 : i32
    %dma_start3A_10 = arith.constant 0 : i32
    %dma_start3A_11 = tpu.memref_slice %arg3[%dma_start3A_9, %dma_start3A_10] : memref<32768x128xf32, #tpu.memory_space<hbm>> -> memref<32768x128xf32, #tpu.memory_space<hbm>>
    tpu.enqueue_indirect_dma source(%dma_start3A_11 : memref<32768x128xf32, #tpu.memory_space<hbm>>) target(%arg7 : memref<256x128xf32, #tpu.memory_space<vmem>>) offsets(%dma_start3A_8 : memref<256xi32, #tpu.memory_space<vmem>>) semaphore(%arg10 : memref<!tpu.dma_semaphore, #tpu.memory_space<semaphore_mem>>)
    %dma_start3A_12 = arith.constant 256 : i32
    %dma_start3A_13 = tpu.memref_slice %arg6[%dma_start3A_12] : memref<2048xi32, #tpu.memory_space<vmem>> -> memref<256xi32, #tpu.memory_space<vmem>>
    %dma_start3A_14 = arith.constant 0 : i32
    %dma_start3A_15 = arith.constant 0 : i32
    %dma_start3A_16 = tpu.memref_slice %arg3[%dma_start3A_14, %dma_start3A_15] : memref<32768x128xf32, #tpu.memory_space<hbm>> -> memref<32768x128xf32, #tpu.memory_space<hbm>>
    tpu.enqueue_indirect_dma source(%dma_start3A_16 : memref<32768x128xf32, #tpu.memory_space<hbm>>) target(%arg8 : memref<256x128xf32, #tpu.memory_space<vmem>>) offsets(%dma_start3A_13 : memref<256xi32, #tpu.memory_space<vmem>>) semaphore(%arg11 : memref<!tpu.dma_semaphore, #tpu.memory_space<semaphore_mem>>)
    %dma_start3A_17 = arith.constant 512 : i32
    %dma_start3A_18 = tpu.memref_slice %arg6[%dma_start3A_17] : memref<2048xi32, #tpu.memory_space<vmem>> -> memref<256xi32, #tpu.memory_space<vmem>>
    %dma_start3A_19 = arith.constant 0 : i32
    %dma_start3A_20 = arith.constant 0 : i32
    %dma_start3A_21 = tpu.memref_slice %arg3[%dma_start3A_19, %dma_start3A_20] : memref<32768x128xf32, #tpu.memory_space<hbm>> -> memref<32768x128xf32, #tpu.memory_space<hbm>>
    tpu.enqueue_indirect_dma source(%dma_start3A_21 : memref<32768x128xf32, #tpu.memory_space<hbm>>) target(%arg9 : memref<256x128xf32, #tpu.memory_space<vmem>>) offsets(%dma_start3A_18 : memref<256xi32, #tpu.memory_space<vmem>>) semaphore(%arg12 : memref<!tpu.dma_semaphore, #tpu.memory_space<semaphore_mem>>)
    %dma_wait3A = arith.constant 0 : i32
    %dma_wait3A_22 = tpu.memref_slice %arg6[%dma_wait3A] : memref<2048xi32, #tpu.memory_space<vmem>> -> memref<256xi32, #tpu.memory_space<vmem>>
    %dma_wait3A_23 = arith.constant 0 : i32
    %dma_wait3A_24 = arith.constant 0 : i32
    %dma_wait3A_25 = tpu.memref_slice %arg3[%dma_wait3A_23, %dma_wait3A_24] : memref<32768x128xf32, #tpu.memory_space<hbm>> -> memref<32768x128xf32, #tpu.memory_space<hbm>>
    tpu.wait_indirect_dma semaphore(%arg10 : memref<!tpu.dma_semaphore, #tpu.memory_space<semaphore_mem>>) src(%dma_wait3A_25 : memref<32768x128xf32, #tpu.memory_space<hbm>>) dst(%arg7 : memref<256x128xf32, #tpu.memory_space<vmem>>)
    %add3A_26 = arith.constant 0 : i32
    %add3A_27 = arith.addi %mul3A_2, %add3A_26 : i32
    %dma_start3A_28 = arith.constant 0 : i32
    %dma_start3A_29 = tpu.memref_slice %arg4[%add3A_27, %dma_start3A_28] : memref<65536x128xf32, #tpu.memory_space<hbm>> -> memref<256x128xf32, #tpu.memory_space<hbm>>
    %dma_start3A_30 = arith.constant 0 : i32
    %dma_start3A_31 = tpu.memref_slice %arg4[%add3A_27, %dma_start3A_30] : memref<65536x128xf32, #tpu.memory_space<hbm>> -> memref<256x128xf32, #tpu.memory_space<hbm>>
    tpu.enqueue_dma source(%arg7 : memref<256x128xf32, #tpu.memory_space<vmem>>) target(%dma_start3A_31 : memref<256x128xf32, #tpu.memory_space<hbm>>) target_semaphore(%arg13 : memref<!tpu.dma_semaphore, #tpu.memory_space<semaphore_mem>>)
    %dma_wait3A_32 = arith.constant 0 : i32
    %dma_wait3A_33 = tpu.memref_slice %arg4[%add3A_27, %dma_wait3A_32] : memref<65536x128xf32, #tpu.memory_space<hbm>> -> memref<256x128xf32, #tpu.memory_space<hbm>>
    %dma_wait3A_34 = arith.constant 0 : i32
    %dma_wait3A_35 = tpu.memref_slice %arg4[%add3A_27, %dma_wait3A_34] : memref<65536x128xf32, #tpu.memory_space<hbm>> -> memref<256x128xf32, #tpu.memory_space<hbm>>
    tpu.wait_dma2 semaphore(%arg13 : memref<!tpu.dma_semaphore, #tpu.memory_space<semaphore_mem>>) src(%arg7 : memref<256x128xf32, #tpu.memory_space<vmem>>) dst(%dma_wait3A_35 : memref<256x128xf32, #tpu.memory_space<hbm>>)
    %dma_start3A_36 = arith.constant 768 : i32
    %dma_start3A_37 = tpu.memref_slice %arg6[%dma_start3A_36] : memref<2048xi32, #tpu.memory_space<vmem>> -> memref<256xi32, #tpu.memory_space<vmem>>
    %dma_start3A_38 = arith.constant 0 : i32
    %dma_start3A_39 = arith.constant 0 : i32
    %dma_start3A_40 = tpu.memref_slice %arg3[%dma_start3A_38, %dma_start3A_39] : memref<32768x128xf32, #tpu.memory_space<hbm>> -> memref<32768x128xf32, #tpu.memory_space<hbm>>
    tpu.enqueue_indirect_dma source(%dma_start3A_40 : memref<32768x128xf32, #tpu.memory_space<hbm>>) target(%arg7 : memref<256x128xf32, #tpu.memory_space<vmem>>) offsets(%dma_start3A_37 : memref<256xi32, #tpu.memory_space<vmem>>) semaphore(%arg10 : memref<!tpu.dma_semaphore, #tpu.memory_space<semaphore_mem>>)
    %dma_wait3A_41 = arith.constant 256 : i32
    %dma_wait3A_42 = tpu.memref_slice %arg6[%dma_wait3A_41] : memref<2048xi32, #tpu.memory_space<vmem>> -> memref<256xi32, #tpu.memory_space<vmem>>
    %dma_wait3A_43 = arith.constant 0 : i32
    %dma_wait3A_44 = arith.constant 0 : i32
    %dma_wait3A_45 = tpu.memref_slice %arg3[%dma_wait3A_43, %dma_wait3A_44] : memref<32768x128xf32, #tpu.memory_space<hbm>> -> memref<32768x128xf32, #tpu.memory_space<hbm>>
    tpu.wait_indirect_dma semaphore(%arg11 : memref<!tpu.dma_semaphore, #tpu.memory_space<semaphore_mem>>) src(%dma_wait3A_45 : memref<32768x128xf32, #tpu.memory_space<hbm>>) dst(%arg8 : memref<256x128xf32, #tpu.memory_space<vmem>>)
    %add3A_46 = arith.constant 256 : i32
    %add3A_47 = arith.addi %mul3A_2, %add3A_46 : i32
    %dma_start3A_48 = arith.constant 0 : i32
    %dma_start3A_49 = tpu.memref_slice %arg4[%add3A_47, %dma_start3A_48] : memref<65536x128xf32, #tpu.memory_space<hbm>> -> memref<256x128xf32, #tpu.memory_space<hbm>>
    %dma_start3A_50 = arith.constant 0 : i32
    %dma_start3A_51 = tpu.memref_slice %arg4[%add3A_47, %dma_start3A_50] : memref<65536x128xf32, #tpu.memory_space<hbm>> -> memref<256x128xf32, #tpu.memory_space<hbm>>
    tpu.enqueue_dma source(%arg8 : memref<256x128xf32, #tpu.memory_space<vmem>>) target(%dma_start3A_51 : memref<256x128xf32, #tpu.memory_space<hbm>>) target_semaphore(%arg14 : memref<!tpu.dma_semaphore, #tpu.memory_space<semaphore_mem>>)
    %dma_wait3A_52 = arith.constant 0 : i32
    %dma_wait3A_53 = tpu.memref_slice %arg4[%add3A_47, %dma_wait3A_52] : memref<65536x128xf32, #tpu.memory_space<hbm>> -> memref<256x128xf32, #tpu.memory_space<hbm>>
    %dma_wait3A_54 = arith.constant 0 : i32
    %dma_wait3A_55 = tpu.memref_slice %arg4[%add3A_47, %dma_wait3A_54] : memref<65536x128xf32, #tpu.memory_space<hbm>> -> memref<256x128xf32, #tpu.memory_space<hbm>>
    tpu.wait_dma2 semaphore(%arg14 : memref<!tpu.dma_semaphore, #tpu.memory_space<semaphore_mem>>) src(%arg8 : memref<256x128xf32, #tpu.memory_space<vmem>>) dst(%dma_wait3A_55 : memref<256x128xf32, #tpu.memory_space<hbm>>)
    %dma_start3A_56 = arith.constant 1024 : i32
    %dma_start3A_57 = tpu.memref_slice %arg6[%dma_start3A_56] : memref<2048xi32, #tpu.memory_space<vmem>> -> memref<256xi32, #tpu.memory_space<vmem>>
    %dma_start3A_58 = arith.constant 0 : i32
    %dma_start3A_59 = arith.constant 0 : i32
    %dma_start3A_60 = tpu.memref_slice %arg3[%dma_start3A_58, %dma_start3A_59] : memref<32768x128xf32, #tpu.memory_space<hbm>> -> memref<32768x128xf32, #tpu.memory_space<hbm>>
    tpu.enqueue_indirect_dma source(%dma_start3A_60 : memref<32768x128xf32, #tpu.memory_space<hbm>>) target(%arg8 : memref<256x128xf32, #tpu.memory_space<vmem>>) offsets(%dma_start3A_57 : memref<256xi32, #tpu.memory_space<vmem>>) semaphore(%arg11 : memref<!tpu.dma_semaphore, #tpu.memory_space<semaphore_mem>>)
    %dma_wait3A_61 = arith.constant 512 : i32
    %dma_wait3A_62 = tpu.memref_slice %arg6[%dma_wait3A_61] : memref<2048xi32, #tpu.memory_space<vmem>> -> memref<256xi32, #tpu.memory_space<vmem>>
    %dma_wait3A_63 = arith.constant 0 : i32
    %dma_wait3A_64 = arith.constant 0 : i32
    %dma_wait3A_65 = tpu.memref_slice %arg3[%dma_wait3A_63, %dma_wait3A_64] : memref<32768x128xf32, #tpu.memory_space<hbm>> -> memref<32768x128xf32, #tpu.memory_space<hbm>>
    tpu.wait_indirect_dma semaphore(%arg12 : memref<!tpu.dma_semaphore, #tpu.memory_space<semaphore_mem>>) src(%dma_wait3A_65 : memref<32768x128xf32, #tpu.memory_space<hbm>>) dst(%arg9 : memref<256x128xf32, #tpu.memory_space<vmem>>)
    %add3A_66 = arith.constant 512 : i32
    %add3A_67 = arith.addi %mul3A_2, %add3A_66 : i32
    %dma_start3A_68 = arith.constant 0 : i32
    %dma_start3A_69 = tpu.memref_slice %arg4[%add3A_67, %dma_start3A_68] : memref<65536x128xf32, #tpu.memory_space<hbm>> -> memref<256x128xf32, #tpu.memory_space<hbm>>
    %dma_start3A_70 = arith.constant 0 : i32
    %dma_start3A_71 = tpu.memref_slice %arg4[%add3A_67, %dma_start3A_70] : memref<65536x128xf32, #tpu.memory_space<hbm>> -> memref<256x128xf32, #tpu.memory_space<hbm>>
    tpu.enqueue_dma source(%arg9 : memref<256x128xf32, #tpu.memory_space<vmem>>) target(%dma_start3A_71 : memref<256x128xf32, #tpu.memory_space<hbm>>) target_semaphore(%arg15 : memref<!tpu.dma_semaphore, #tpu.memory_space<semaphore_mem>>)
    %dma_wait3A_72 = arith.constant 0 : i32
    %dma_wait3A_73 = tpu.memref_slice %arg4[%add3A_67, %dma_wait3A_72] : memref<65536x128xf32, #tpu.memory_space<hbm>> -> memref<256x128xf32, #tpu.memory_space<hbm>>
    %dma_wait3A_74 = arith.constant 0 : i32
    %dma_wait3A_75 = tpu.memref_slice %arg4[%add3A_67, %dma_wait3A_74] : memref<65536x128xf32, #tpu.memory_space<hbm>> -> memref<256x128xf32, #tpu.memory_space<hbm>>
    tpu.wait_dma2 semaphore(%arg15 : memref<!tpu.dma_semaphore, #tpu.memory_space<semaphore_mem>>) src(%arg9 : memref<256x128xf32, #tpu.memory_space<vmem>>) dst(%dma_wait3A_75 : memref<256x128xf32, #tpu.memory_space<hbm>>)
    %dma_start3A_76 = arith.constant 1280 : i32
    %dma_start3A_77 = tpu.memref_slice %arg6[%dma_start3A_76] : memref<2048xi32, #tpu.memory_space<vmem>> -> memref<256xi32, #tpu.memory_space<vmem>>
    %dma_start3A_78 = arith.constant 0 : i32
    %dma_start3A_79 = arith.constant 0 : i32
    %dma_start3A_80 = tpu.memref_slice %arg3[%dma_start3A_78, %dma_start3A_79] : memref<32768x128xf32, #tpu.memory_space<hbm>> -> memref<32768x128xf32, #tpu.memory_space<hbm>>
    tpu.enqueue_indirect_dma source(%dma_start3A_80 : memref<32768x128xf32, #tpu.memory_space<hbm>>) target(%arg9 : memref<256x128xf32, #tpu.memory_space<vmem>>) offsets(%dma_start3A_77 : memref<256xi32, #tpu.memory_space<vmem>>) semaphore(%arg12 : memref<!tpu.dma_semaphore, #tpu.memory_space<semaphore_mem>>)
    %dma_wait3A_81 = arith.constant 768 : i32
    %dma_wait3A_82 = tpu.memref_slice %arg6[%dma_wait3A_81] : memref<2048xi32, #tpu.memory_space<vmem>> -> memref<256xi32, #tpu.memory_space<vmem>>
    %dma_wait3A_83 = arith.constant 0 : i32
    %dma_wait3A_84 = arith.constant 0 : i32
    %dma_wait3A_85 = tpu.memref_slice %arg3[%dma_wait3A_83, %dma_wait3A_84] : memref<32768x128xf32, #tpu.memory_space<hbm>> -> memref<32768x128xf32, #tpu.memory_space<hbm>>
    tpu.wait_indirect_dma semaphore(%arg10 : memref<!tpu.dma_semaphore, #tpu.memory_space<semaphore_mem>>) src(%dma_wait3A_85 : memref<32768x128xf32, #tpu.memory_space<hbm>>) dst(%arg7 : memref<256x128xf32, #tpu.memory_space<vmem>>)
    %add3A_86 = arith.constant 768 : i32
    %add3A_87 = arith.addi %mul3A_2, %add3A_86 : i32
    %dma_start3A_88 = arith.constant 0 : i32
    %dma_start3A_89 = tpu.memref_slice %arg4[%add3A_87, %dma_start3A_88] : memref<65536x128xf32, #tpu.memory_space<hbm>> -> memref<256x128xf32, #tpu.memory_space<hbm>>
    %dma_start3A_90 = arith.constant 0 : i32
    %dma_start3A_91 = tpu.memref_slice %arg4[%add3A_87, %dma_start3A_90] : memref<65536x128xf32, #tpu.memory_space<hbm>> -> memref<256x128xf32, #tpu.memory_space<hbm>>
    tpu.enqueue_dma source(%arg7 : memref<256x128xf32, #tpu.memory_space<vmem>>) target(%dma_start3A_91 : memref<256x128xf32, #tpu.memory_space<hbm>>) target_semaphore(%arg13 : memref<!tpu.dma_semaphore, #tpu.memory_space<semaphore_mem>>)
    %dma_wait3A_92 = arith.constant 0 : i32
    %dma_wait3A_93 = tpu.memref_slice %arg4[%add3A_87, %dma_wait3A_92] : memref<65536x128xf32, #tpu.memory_space<hbm>> -> memref<256x128xf32, #tpu.memory_space<hbm>>
    %dma_wait3A_94 = arith.constant 0 : i32
    %dma_wait3A_95 = tpu.memref_slice %arg4[%add3A_87, %dma_wait3A_94] : memref<65536x128xf32, #tpu.memory_space<hbm>> -> memref<256x128xf32, #tpu.memory_space<hbm>>
    tpu.wait_dma2 semaphore(%arg13 : memref<!tpu.dma_semaphore, #tpu.memory_space<semaphore_mem>>) src(%arg7 : memref<256x128xf32, #tpu.memory_space<vmem>>) dst(%dma_wait3A_95 : memref<256x128xf32, #tpu.memory_space<hbm>>)
    %dma_start3A_96 = arith.constant 1536 : i32
    %dma_start3A_97 = tpu.memref_slice %arg6[%dma_start3A_96] : memref<2048xi32, #tpu.memory_space<vmem>> -> memref<256xi32, #tpu.memory_space<vmem>>
    %dma_start3A_98 = arith.constant 0 : i32
    %dma_start3A_99 = arith.constant 0 : i32
    %dma_start3A_100 = tpu.memref_slice %arg3[%dma_start3A_98, %dma_start3A_99] : memref<32768x128xf32, #tpu.memory_space<hbm>> -> memref<32768x128xf32, #tpu.memory_space<hbm>>
    tpu.enqueue_indirect_dma source(%dma_start3A_100 : memref<32768x128xf32, #tpu.memory_space<hbm>>) target(%arg7 : memref<256x128xf32, #tpu.memory_space<vmem>>) offsets(%dma_start3A_97 : memref<256xi32, #tpu.memory_space<vmem>>) semaphore(%arg10 : memref<!tpu.dma_semaphore, #tpu.memory_space<semaphore_mem>>)
    %dma_wait3A_101 = arith.constant 1024 : i32
    %dma_wait3A_102 = tpu.memref_slice %arg6[%dma_wait3A_101] : memref<2048xi32, #tpu.memory_space<vmem>> -> memref<256xi32, #tpu.memory_space<vmem>>
    %dma_wait3A_103 = arith.constant 0 : i32
    %dma_wait3A_104 = arith.constant 0 : i32
    %dma_wait3A_105 = tpu.memref_slice %arg3[%dma_wait3A_103, %dma_wait3A_104] : memref<32768x128xf32, #tpu.memory_space<hbm>> -> memref<32768x128xf32, #tpu.memory_space<hbm>>
    tpu.wait_indirect_dma semaphore(%arg11 : memref<!tpu.dma_semaphore, #tpu.memory_space<semaphore_mem>>) src(%dma_wait3A_105 : memref<32768x128xf32, #tpu.memory_space<hbm>>) dst(%arg8 : memref<256x128xf32, #tpu.memory_space<vmem>>)
    %add3A_106 = arith.constant 1024 : i32
    %add3A_107 = arith.addi %mul3A_2, %add3A_106 : i32
    %dma_start3A_108 = arith.constant 0 : i32
    %dma_start3A_109 = tpu.memref_slice %arg4[%add3A_107, %dma_start3A_108] : memref<65536x128xf32, #tpu.memory_space<hbm>> -> memref<256x128xf32, #tpu.memory_space<hbm>>
    %dma_start3A_110 = arith.constant 0 : i32
    %dma_start3A_111 = tpu.memref_slice %arg4[%add3A_107, %dma_start3A_110] : memref<65536x128xf32, #tpu.memory_space<hbm>> -> memref<256x128xf32, #tpu.memory_space<hbm>>
    tpu.enqueue_dma source(%arg8 : memref<256x128xf32, #tpu.memory_space<vmem>>) target(%dma_start3A_111 : memref<256x128xf32, #tpu.memory_space<hbm>>) target_semaphore(%arg14 : memref<!tpu.dma_semaphore, #tpu.memory_space<semaphore_mem>>)
    %dma_wait3A_112 = arith.constant 0 : i32
    %dma_wait3A_113 = tpu.memref_slice %arg4[%add3A_107, %dma_wait3A_112] : memref<65536x128xf32, #tpu.memory_space<hbm>> -> memref<256x128xf32, #tpu.memory_space<hbm>>
    %dma_wait3A_114 = arith.constant 0 : i32
    %dma_wait3A_115 = tpu.memref_slice %arg4[%add3A_107, %dma_wait3A_114] : memref<65536x128xf32, #tpu.memory_space<hbm>> -> memref<256x128xf32, #tpu.memory_space<hbm>>
    tpu.wait_dma2 semaphore(%arg14 : memref<!tpu.dma_semaphore, #tpu.memory_space<semaphore_mem>>) src(%arg8 : memref<256x128xf32, #tpu.memory_space<vmem>>) dst(%dma_wait3A_115 : memref<256x128xf32, #tpu.memory_space<hbm>>)
    %dma_start3A_116 = arith.constant 1792 : i32
    %dma_start3A_117 = tpu.memref_slice %arg6[%dma_start3A_116] : memref<2048xi32, #tpu.memory_space<vmem>> -> memref<256xi32, #tpu.memory_space<vmem>>
    %dma_start3A_118 = arith.constant 0 : i32
    %dma_start3A_119 = arith.constant 0 : i32
    %dma_start3A_120 = tpu.memref_slice %arg3[%dma_start3A_118, %dma_start3A_119] : memref<32768x128xf32, #tpu.memory_space<hbm>> -> memref<32768x128xf32, #tpu.memory_space<hbm>>
    tpu.enqueue_indirect_dma source(%dma_start3A_120 : memref<32768x128xf32, #tpu.memory_space<hbm>>) target(%arg8 : memref<256x128xf32, #tpu.memory_space<vmem>>) offsets(%dma_start3A_117 : memref<256xi32, #tpu.memory_space<vmem>>) semaphore(%arg11 : memref<!tpu.dma_semaphore, #tpu.memory_space<semaphore_mem>>)
    %dma_wait3A_121 = arith.constant 1280 : i32
    %dma_wait3A_122 = tpu.memref_slice %arg6[%dma_wait3A_121] : memref<2048xi32, #tpu.memory_space<vmem>> -> memref<256xi32, #tpu.memory_space<vmem>>
    %dma_wait3A_123 = arith.constant 0 : i32
    %dma_wait3A_124 = arith.constant 0 : i32
    %dma_wait3A_125 = tpu.memref_slice %arg3[%dma_wait3A_123, %dma_wait3A_124] : memref<32768x128xf32, #tpu.memory_space<hbm>> -> memref<32768x128xf32, #tpu.memory_space<hbm>>
    tpu.wait_indirect_dma semaphore(%arg12 : memref<!tpu.dma_semaphore, #tpu.memory_space<semaphore_mem>>) src(%dma_wait3A_125 : memref<32768x128xf32, #tpu.memory_space<hbm>>) dst(%arg9 : memref<256x128xf32, #tpu.memory_space<vmem>>)
    %add3A_126 = arith.constant 1280 : i32
    %add3A_127 = arith.addi %mul3A_2, %add3A_126 : i32
    %dma_start3A_128 = arith.constant 0 : i32
    %dma_start3A_129 = tpu.memref_slice %arg4[%add3A_127, %dma_start3A_128] : memref<65536x128xf32, #tpu.memory_space<hbm>> -> memref<256x128xf32, #tpu.memory_space<hbm>>
    %dma_start3A_130 = arith.constant 0 : i32
    %dma_start3A_131 = tpu.memref_slice %arg4[%add3A_127, %dma_start3A_130] : memref<65536x128xf32, #tpu.memory_space<hbm>> -> memref<256x128xf32, #tpu.memory_space<hbm>>
    tpu.enqueue_dma source(%arg9 : memref<256x128xf32, #tpu.memory_space<vmem>>) target(%dma_start3A_131 : memref<256x128xf32, #tpu.memory_space<hbm>>) target_semaphore(%arg15 : memref<!tpu.dma_semaphore, #tpu.memory_space<semaphore_mem>>)
    %dma_wait3A_132 = arith.constant 1536 : i32
    %dma_wait3A_133 = tpu.memref_slice %arg6[%dma_wait3A_132] : memref<2048xi32, #tpu.memory_space<vmem>> -> memref<256xi32, #tpu.memory_space<vmem>>
    %dma_wait3A_134 = arith.constant 0 : i32
    %dma_wait3A_135 = arith.constant 0 : i32
    %dma_wait3A_136 = tpu.memref_slice %arg3[%dma_wait3A_134, %dma_wait3A_135] : memref<32768x128xf32, #tpu.memory_space<hbm>> -> memref<32768x128xf32, #tpu.memory_space<hbm>>
    tpu.wait_indirect_dma semaphore(%arg10 : memref<!tpu.dma_semaphore, #tpu.memory_space<semaphore_mem>>) src(%dma_wait3A_136 : memref<32768x128xf32, #tpu.memory_space<hbm>>) dst(%arg7 : memref<256x128xf32, #tpu.memory_space<vmem>>)
    %add3A_137 = arith.constant 1536 : i32
    %add3A_138 = arith.addi %mul3A_2, %add3A_137 : i32
    %dma_start3A_139 = arith.constant 0 : i32
    %dma_start3A_140 = tpu.memref_slice %arg4[%add3A_138, %dma_start3A_139] : memref<65536x128xf32, #tpu.memory_space<hbm>> -> memref<256x128xf32, #tpu.memory_space<hbm>>
    %dma_start3A_141 = arith.constant 0 : i32
    %dma_start3A_142 = tpu.memref_slice %arg4[%add3A_138, %dma_start3A_141] : memref<65536x128xf32, #tpu.memory_space<hbm>> -> memref<256x128xf32, #tpu.memory_space<hbm>>
    tpu.enqueue_dma source(%arg7 : memref<256x128xf32, #tpu.memory_space<vmem>>) target(%dma_start3A_142 : memref<256x128xf32, #tpu.memory_space<hbm>>) target_semaphore(%arg13 : memref<!tpu.dma_semaphore, #tpu.memory_space<semaphore_mem>>)
    %dma_wait3A_143 = arith.constant 1792 : i32
    %dma_wait3A_144 = tpu.memref_slice %arg6[%dma_wait3A_143] : memref<2048xi32, #tpu.memory_space<vmem>> -> memref<256xi32, #tpu.memory_space<vmem>>
    %dma_wait3A_145 = arith.constant 0 : i32
    %dma_wait3A_146 = arith.constant 0 : i32
    %dma_wait3A_147 = tpu.memref_slice %arg3[%dma_wait3A_145, %dma_wait3A_146] : memref<32768x128xf32, #tpu.memory_space<hbm>> -> memref<32768x128xf32, #tpu.memory_space<hbm>>
    tpu.wait_indirect_dma semaphore(%arg11 : memref<!tpu.dma_semaphore, #tpu.memory_space<semaphore_mem>>) src(%dma_wait3A_147 : memref<32768x128xf32, #tpu.memory_space<hbm>>) dst(%arg8 : memref<256x128xf32, #tpu.memory_space<vmem>>)
    %add3A_148 = arith.constant 1792 : i32
    %add3A_149 = arith.addi %mul3A_2, %add3A_148 : i32
    %dma_start3A_150 = arith.constant 0 : i32
    %dma_start3A_151 = tpu.memref_slice %arg4[%add3A_149, %dma_start3A_150] : memref<65536x128xf32, #tpu.memory_space<hbm>> -> memref<256x128xf32, #tpu.memory_space<hbm>>
    %dma_start3A_152 = arith.constant 0 : i32
    %dma_start3A_153 = tpu.memref_slice %arg4[%add3A_149, %dma_start3A_152] : memref<65536x128xf32, #tpu.memory_space<hbm>> -> memref<256x128xf32, #tpu.memory_space<hbm>>
    tpu.enqueue_dma source(%arg8 : memref<256x128xf32, #tpu.memory_space<vmem>>) target(%dma_start3A_153 : memref<256x128xf32, #tpu.memory_space<hbm>>) target_semaphore(%arg14 : memref<!tpu.dma_semaphore, #tpu.memory_space<semaphore_mem>>)
    %dma_wait3A_154 = arith.constant 0 : i32
    %dma_wait3A_155 = tpu.memref_slice %arg4[%add3A_127, %dma_wait3A_154] : memref<65536x128xf32, #tpu.memory_space<hbm>> -> memref<256x128xf32, #tpu.memory_space<hbm>>
    %dma_wait3A_156 = arith.constant 0 : i32
    %dma_wait3A_157 = tpu.memref_slice %arg4[%add3A_127, %dma_wait3A_156] : memref<65536x128xf32, #tpu.memory_space<hbm>> -> memref<256x128xf32, #tpu.memory_space<hbm>>
    tpu.wait_dma2 semaphore(%arg15 : memref<!tpu.dma_semaphore, #tpu.memory_space<semaphore_mem>>) src(%arg9 : memref<256x128xf32, #tpu.memory_space<vmem>>) dst(%dma_wait3A_157 : memref<256x128xf32, #tpu.memory_space<hbm>>)
    %dma_wait3A_158 = arith.constant 0 : i32
    %dma_wait3A_159 = tpu.memref_slice %arg4[%add3A_138, %dma_wait3A_158] : memref<65536x128xf32, #tpu.memory_space<hbm>> -> memref<256x128xf32, #tpu.memory_space<hbm>>
    %dma_wait3A_160 = arith.constant 0 : i32
    %dma_wait3A_161 = tpu.memref_slice %arg4[%add3A_138, %dma_wait3A_160] : memref<65536x128xf32, #tpu.memory_space<hbm>> -> memref<256x128xf32, #tpu.memory_space<hbm>>
    tpu.wait_dma2 semaphore(%arg13 : memref<!tpu.dma_semaphore, #tpu.memory_space<semaphore_mem>>) src(%arg7 : memref<256x128xf32, #tpu.memory_space<vmem>>) dst(%dma_wait3A_161 : memref<256x128xf32, #tpu.memory_space<hbm>>)
    %dma_wait3A_162 = arith.constant 0 : i32
    %dma_wait3A_163 = tpu.memref_slice %arg4[%add3A_149, %dma_wait3A_162] : memref<65536x128xf32, #tpu.memory_space<hbm>> -> memref<256x128xf32, #tpu.memory_space<hbm>>
    %dma_wait3A_164 = arith.constant 0 : i32
    %dma_wait3A_165 = tpu.memref_slice %arg4[%add3A_149, %dma_wait3A_164] : memref<65536x128xf32, #tpu.memory_space<hbm>> -> memref<256x128xf32, #tpu.memory_space<hbm>>
    tpu.wait_dma2 semaphore(%arg14 : memref<!tpu.dma_semaphore, #tpu.memory_space<semaphore_mem>>) src(%arg8 : memref<256x128xf32, #tpu.memory_space<vmem>>) dst(%dma_wait3A_165 : memref<256x128xf32, #tpu.memory_space<hbm>>)
    return
  }
}

#map = affine_map<(d0, d1) -> (0)>
#map1 = affine_map<(d0, d1) -> (0, 0)>
module attributes {stable_mosaic.version = 14 : i64} {
  func.func @_sc_gather_body(%arg0: i32, %arg1: i32, %arg2: memref<65536xi32, #tpu.memory_space<hbm>>, %arg3: memref<32768x128xf32, #tpu.memory_space<hbm>>, %arg4: memref<65536x128xf32, #tpu.memory_space<hbm>>, %arg5: memref<2048xi32, #tpu.memory_space<vmem>>, %arg6: memref<2048xi32, #tpu.memory_space<vmem>>, %arg7: memref<256x128xf32, #tpu.memory_space<vmem>>, %arg8: memref<256x128xf32, #tpu.memory_space<vmem>>, %arg9: memref<256x128xf32, #tpu.memory_space<vmem>>, %arg10: memref<!tpu.dma_semaphore, #tpu.memory_space<semaphore_mem>>, %arg11: memref<!tpu.dma_semaphore, #tpu.memory_space<semaphore_mem>>, %arg12: memref<!tpu.dma_semaphore, #tpu.memory_space<semaphore_mem>>, %arg13: memref<!tpu.dma_semaphore, #tpu.memory_space<semaphore_mem>>, %arg14: memref<!tpu.dma_semaphore, #tpu.memory_space<semaphore_mem>>, %arg15: memref<!tpu.dma_semaphore, #tpu.memory_space<semaphore_mem>>) attributes {dimension_semantics = [#tpu.dimension_semantics<core_parallel>, #tpu.dimension_semantics<subcore_parallel>], iteration_bounds = array<i64: 2, 16>, scalar_prefetch = 0 : i64, scratch_operands = 11 : i64, tpu.core_type = #tpu.core_type<sc_vector_subcore>, window_params = [{transform_indices = #map}, {transform_indices = #map1}, {transform_indices = #map1}]} {
    %mul3A = arith.constant 2 : i32
    %mul3A_0 = arith.muli %arg1, %mul3A : i32
    %add3A = arith.addi %mul3A_0, %arg0 : i32
    %mul3A_1 = arith.constant 2048 : i32
    %mul3A_2 = arith.muli %add3A, %mul3A_1 : i32
    "tpu.region"() ({
      %run_scoped3A = tpu.sem_alloc : memref<!tpu.dma_semaphore, #tpu.memory_space<semaphore_mem>>
      %dma_start3A_166 = tpu.memref_slice %arg2[%mul3A_2] : memref<65536xi32, #tpu.memory_space<hbm>> -> memref<2048xi32, #tpu.memory_space<hbm>>
      %dma_start3A_167 = tpu.memref_slice %arg2[%mul3A_2] : memref<65536xi32, #tpu.memory_space<hbm>> -> memref<2048xi32, #tpu.memory_space<hbm>>
      tpu.enqueue_dma source(%dma_start3A_167 : memref<2048xi32, #tpu.memory_space<hbm>>) target(%arg5 : memref<2048xi32, #tpu.memory_space<vmem>>) target_semaphore(%run_scoped3A : memref<!tpu.dma_semaphore, #tpu.memory_space<semaphore_mem>>)
      %dma_wait3A_168 = tpu.memref_slice %arg2[%mul3A_2] : memref<65536xi32, #tpu.memory_space<hbm>> -> memref<2048xi32, #tpu.memory_space<hbm>>
      %dma_wait3A_169 = tpu.memref_slice %arg2[%mul3A_2] : memref<65536xi32, #tpu.memory_space<hbm>> -> memref<2048xi32, #tpu.memory_space<hbm>>
      tpu.wait_dma2 semaphore(%run_scoped3A : memref<!tpu.dma_semaphore, #tpu.memory_space<semaphore_mem>>) src(%dma_wait3A_169 : memref<2048xi32, #tpu.memory_space<hbm>>) dst(%arg5 : memref<2048xi32, #tpu.memory_space<vmem>>)
      tpu.yield
    }) : () -> ()
    %scan3A = arith.constant 0 : i32
    %scan3A_3 = arith.constant 0 : i32
    %scan3A_4 = arith.constant 128 : i32
    %scan3A_5 = arith.addi %scan3A_3, %scan3A_4 : i32
    %scan3A_6 = arith.constant 1 : i32
    scf.for %scan3A_166 = %scan3A_3 to %scan3A_5 step %scan3A_6  : i32 {
      %mul3A_167 = arith.constant 16 : i32
      %mul3A_168 = arith.muli %scan3A_166, %mul3A_167 : i32
      %get3A = arith.index_cast %mul3A_168 : i32 to index
      %get3A_169 = tpu.vector_load %arg5[%get3A] {strides = array<i32>} : memref<2048xi32, #tpu.memory_space<vmem>>, vector<16xi32>,
      %get3A_170 = vector.shape_cast %get3A_169 : vector<16xi32> to vector<16xi32>
      %and3A = arith.constant 8191 : i32
      %and3A_171 = vector.broadcast %and3A : i32 to vector<16xi32>
      %and3A_172 = arith.andi %get3A_170, %and3A_171 : vector<16xi32>
      %add3A_173 = arith.constant 16384 : i32
      %add3A_174 = vector.broadcast %add3A_173 : i32 to vector<16xi32>
      %add3A_175 = arith.addi %and3A_172, %add3A_174 : vector<16xi32>
      %mul3A_176 = arith.constant 16 : i32
      %mul3A_177 = arith.muli %scan3A_166, %mul3A_176 : i32
      %swap3A = arith.index_cast %mul3A_177 : i32 to index
      %swap3A_178 = tpu.vector_load %arg6[%swap3A] {strides = array<i32>} : memref<2048xi32, #tpu.memory_space<vmem>>, vector<16xi32>,
      %swap3A_179 = vector.shape_cast %swap3A_178 : vector<16xi32> to vector<16xi32>
      %swap3A_180 = vector.shape_cast %add3A_175 : vector<16xi32> to vector<16xi32>
      tpu.vector_store %arg6[%swap3A], %swap3A_180 {strides = array<i32>} : memref<2048xi32, #tpu.memory_space<vmem>>, vector<16xi32>,
    }
    %scan3A_7 = arith.constant 128 : i32
    %dma_start3A = arith.constant 0 : i32
    %dma_start3A_8 = tpu.memref_slice %arg6[%dma_start3A] : memref<2048xi32, #tpu.memory_space<vmem>> -> memref<256xi32, #tpu.memory_space<vmem>>
    %dma_start3A_9 = arith.constant 0 : i32
    %dma_start3A_10 = arith.constant 0 : i32
    %dma_start3A_11 = tpu.memref_slice %arg3[%dma_start3A_9, %dma_start3A_10] : memref<32768x128xf32, #tpu.memory_space<hbm>> -> memref<32768x128xf32, #tpu.memory_space<hbm>>
    tpu.enqueue_indirect_dma source(%dma_start3A_11 : memref<32768x128xf32, #tpu.memory_space<hbm>>) target(%arg7 : memref<256x128xf32, #tpu.memory_space<vmem>>) offsets(%dma_start3A_8 : memref<256xi32, #tpu.memory_space<vmem>>) semaphore(%arg10 : memref<!tpu.dma_semaphore, #tpu.memory_space<semaphore_mem>>)
    %dma_start3A_12 = arith.constant 256 : i32
    %dma_start3A_13 = tpu.memref_slice %arg6[%dma_start3A_12] : memref<2048xi32, #tpu.memory_space<vmem>> -> memref<256xi32, #tpu.memory_space<vmem>>
    %dma_start3A_14 = arith.constant 0 : i32
    %dma_start3A_15 = arith.constant 0 : i32
    %dma_start3A_16 = tpu.memref_slice %arg3[%dma_start3A_14, %dma_start3A_15] : memref<32768x128xf32, #tpu.memory_space<hbm>> -> memref<32768x128xf32, #tpu.memory_space<hbm>>
    tpu.enqueue_indirect_dma source(%dma_start3A_16 : memref<32768x128xf32, #tpu.memory_space<hbm>>) target(%arg8 : memref<256x128xf32, #tpu.memory_space<vmem>>) offsets(%dma_start3A_13 : memref<256xi32, #tpu.memory_space<vmem>>) semaphore(%arg11 : memref<!tpu.dma_semaphore, #tpu.memory_space<semaphore_mem>>)
    %dma_start3A_17 = arith.constant 512 : i32
    %dma_start3A_18 = tpu.memref_slice %arg6[%dma_start3A_17] : memref<2048xi32, #tpu.memory_space<vmem>> -> memref<256xi32, #tpu.memory_space<vmem>>
    %dma_start3A_19 = arith.constant 0 : i32
    %dma_start3A_20 = arith.constant 0 : i32
    %dma_start3A_21 = tpu.memref_slice %arg3[%dma_start3A_19, %dma_start3A_20] : memref<32768x128xf32, #tpu.memory_space<hbm>> -> memref<32768x128xf32, #tpu.memory_space<hbm>>
    tpu.enqueue_indirect_dma source(%dma_start3A_21 : memref<32768x128xf32, #tpu.memory_space<hbm>>) target(%arg9 : memref<256x128xf32, #tpu.memory_space<vmem>>) offsets(%dma_start3A_18 : memref<256xi32, #tpu.memory_space<vmem>>) semaphore(%arg12 : memref<!tpu.dma_semaphore, #tpu.memory_space<semaphore_mem>>)
    %dma_wait3A = arith.constant 0 : i32
    %dma_wait3A_22 = tpu.memref_slice %arg6[%dma_wait3A] : memref<2048xi32, #tpu.memory_space<vmem>> -> memref<256xi32, #tpu.memory_space<vmem>>
    %dma_wait3A_23 = arith.constant 0 : i32
    %dma_wait3A_24 = arith.constant 0 : i32
    %dma_wait3A_25 = tpu.memref_slice %arg3[%dma_wait3A_23, %dma_wait3A_24] : memref<32768x128xf32, #tpu.memory_space<hbm>> -> memref<32768x128xf32, #tpu.memory_space<hbm>>
    tpu.wait_indirect_dma semaphore(%arg10 : memref<!tpu.dma_semaphore, #tpu.memory_space<semaphore_mem>>) src(%dma_wait3A_25 : memref<32768x128xf32, #tpu.memory_space<hbm>>) dst(%arg7 : memref<256x128xf32, #tpu.memory_space<vmem>>)
    %add3A_26 = arith.constant 0 : i32
    %add3A_27 = arith.addi %mul3A_2, %add3A_26 : i32
    %dma_start3A_28 = arith.constant 0 : i32
    %dma_start3A_29 = tpu.memref_slice %arg4[%add3A_27, %dma_start3A_28] : memref<65536x128xf32, #tpu.memory_space<hbm>> -> memref<256x128xf32, #tpu.memory_space<hbm>>
    %dma_start3A_30 = arith.constant 0 : i32
    %dma_start3A_31 = tpu.memref_slice %arg4[%add3A_27, %dma_start3A_30] : memref<65536x128xf32, #tpu.memory_space<hbm>> -> memref<256x128xf32, #tpu.memory_space<hbm>>
    tpu.enqueue_dma source(%arg7 : memref<256x128xf32, #tpu.memory_space<vmem>>) target(%dma_start3A_31 : memref<256x128xf32, #tpu.memory_space<hbm>>) target_semaphore(%arg13 : memref<!tpu.dma_semaphore, #tpu.memory_space<semaphore_mem>>)
    %dma_wait3A_32 = arith.constant 0 : i32
    %dma_wait3A_33 = tpu.memref_slice %arg4[%add3A_27, %dma_wait3A_32] : memref<65536x128xf32, #tpu.memory_space<hbm>> -> memref<256x128xf32, #tpu.memory_space<hbm>>
    %dma_wait3A_34 = arith.constant 0 : i32
    %dma_wait3A_35 = tpu.memref_slice %arg4[%add3A_27, %dma_wait3A_34] : memref<65536x128xf32, #tpu.memory_space<hbm>> -> memref<256x128xf32, #tpu.memory_space<hbm>>
    tpu.wait_dma2 semaphore(%arg13 : memref<!tpu.dma_semaphore, #tpu.memory_space<semaphore_mem>>) src(%arg7 : memref<256x128xf32, #tpu.memory_space<vmem>>) dst(%dma_wait3A_35 : memref<256x128xf32, #tpu.memory_space<hbm>>)
    %dma_start3A_36 = arith.constant 768 : i32
    %dma_start3A_37 = tpu.memref_slice %arg6[%dma_start3A_36] : memref<2048xi32, #tpu.memory_space<vmem>> -> memref<256xi32, #tpu.memory_space<vmem>>
    %dma_start3A_38 = arith.constant 0 : i32
    %dma_start3A_39 = arith.constant 0 : i32
    %dma_start3A_40 = tpu.memref_slice %arg3[%dma_start3A_38, %dma_start3A_39] : memref<32768x128xf32, #tpu.memory_space<hbm>> -> memref<32768x128xf32, #tpu.memory_space<hbm>>
    tpu.enqueue_indirect_dma source(%dma_start3A_40 : memref<32768x128xf32, #tpu.memory_space<hbm>>) target(%arg7 : memref<256x128xf32, #tpu.memory_space<vmem>>) offsets(%dma_start3A_37 : memref<256xi32, #tpu.memory_space<vmem>>) semaphore(%arg10 : memref<!tpu.dma_semaphore, #tpu.memory_space<semaphore_mem>>)
    %dma_wait3A_41 = arith.constant 256 : i32
    %dma_wait3A_42 = tpu.memref_slice %arg6[%dma_wait3A_41] : memref<2048xi32, #tpu.memory_space<vmem>> -> memref<256xi32, #tpu.memory_space<vmem>>
    %dma_wait3A_43 = arith.constant 0 : i32
    %dma_wait3A_44 = arith.constant 0 : i32
    %dma_wait3A_45 = tpu.memref_slice %arg3[%dma_wait3A_43, %dma_wait3A_44] : memref<32768x128xf32, #tpu.memory_space<hbm>> -> memref<32768x128xf32, #tpu.memory_space<hbm>>
    tpu.wait_indirect_dma semaphore(%arg11 : memref<!tpu.dma_semaphore, #tpu.memory_space<semaphore_mem>>) src(%dma_wait3A_45 : memref<32768x128xf32, #tpu.memory_space<hbm>>) dst(%arg8 : memref<256x128xf32, #tpu.memory_space<vmem>>)
    %add3A_46 = arith.constant 256 : i32
    %add3A_47 = arith.addi %mul3A_2, %add3A_46 : i32
    %dma_start3A_48 = arith.constant 0 : i32
    %dma_start3A_49 = tpu.memref_slice %arg4[%add3A_47, %dma_start3A_48] : memref<65536x128xf32, #tpu.memory_space<hbm>> -> memref<256x128xf32, #tpu.memory_space<hbm>>
    %dma_start3A_50 = arith.constant 0 : i32
    %dma_start3A_51 = tpu.memref_slice %arg4[%add3A_47, %dma_start3A_50] : memref<65536x128xf32, #tpu.memory_space<hbm>> -> memref<256x128xf32, #tpu.memory_space<hbm>>
    tpu.enqueue_dma source(%arg8 : memref<256x128xf32, #tpu.memory_space<vmem>>) target(%dma_start3A_51 : memref<256x128xf32, #tpu.memory_space<hbm>>) target_semaphore(%arg14 : memref<!tpu.dma_semaphore, #tpu.memory_space<semaphore_mem>>)
    %dma_wait3A_52 = arith.constant 0 : i32
    %dma_wait3A_53 = tpu.memref_slice %arg4[%add3A_47, %dma_wait3A_52] : memref<65536x128xf32, #tpu.memory_space<hbm>> -> memref<256x128xf32, #tpu.memory_space<hbm>>
    %dma_wait3A_54 = arith.constant 0 : i32
    %dma_wait3A_55 = tpu.memref_slice %arg4[%add3A_47, %dma_wait3A_54] : memref<65536x128xf32, #tpu.memory_space<hbm>> -> memref<256x128xf32, #tpu.memory_space<hbm>>
    tpu.wait_dma2 semaphore(%arg14 : memref<!tpu.dma_semaphore, #tpu.memory_space<semaphore_mem>>) src(%arg8 : memref<256x128xf32, #tpu.memory_space<vmem>>) dst(%dma_wait3A_55 : memref<256x128xf32, #tpu.memory_space<hbm>>)
    %dma_start3A_56 = arith.constant 1024 : i32
    %dma_start3A_57 = tpu.memref_slice %arg6[%dma_start3A_56] : memref<2048xi32, #tpu.memory_space<vmem>> -> memref<256xi32, #tpu.memory_space<vmem>>
    %dma_start3A_58 = arith.constant 0 : i32
    %dma_start3A_59 = arith.constant 0 : i32
    %dma_start3A_60 = tpu.memref_slice %arg3[%dma_start3A_58, %dma_start3A_59] : memref<32768x128xf32, #tpu.memory_space<hbm>> -> memref<32768x128xf32, #tpu.memory_space<hbm>>
    tpu.enqueue_indirect_dma source(%dma_start3A_60 : memref<32768x128xf32, #tpu.memory_space<hbm>>) target(%arg8 : memref<256x128xf32, #tpu.memory_space<vmem>>) offsets(%dma_start3A_57 : memref<256xi32, #tpu.memory_space<vmem>>) semaphore(%arg11 : memref<!tpu.dma_semaphore, #tpu.memory_space<semaphore_mem>>)
    %dma_wait3A_61 = arith.constant 512 : i32
    %dma_wait3A_62 = tpu.memref_slice %arg6[%dma_wait3A_61] : memref<2048xi32, #tpu.memory_space<vmem>> -> memref<256xi32, #tpu.memory_space<vmem>>
    %dma_wait3A_63 = arith.constant 0 : i32
    %dma_wait3A_64 = arith.constant 0 : i32
    %dma_wait3A_65 = tpu.memref_slice %arg3[%dma_wait3A_63, %dma_wait3A_64] : memref<32768x128xf32, #tpu.memory_space<hbm>> -> memref<32768x128xf32, #tpu.memory_space<hbm>>
    tpu.wait_indirect_dma semaphore(%arg12 : memref<!tpu.dma_semaphore, #tpu.memory_space<semaphore_mem>>) src(%dma_wait3A_65 : memref<32768x128xf32, #tpu.memory_space<hbm>>) dst(%arg9 : memref<256x128xf32, #tpu.memory_space<vmem>>)
    %add3A_66 = arith.constant 512 : i32
    %add3A_67 = arith.addi %mul3A_2, %add3A_66 : i32
    %dma_start3A_68 = arith.constant 0 : i32
    %dma_start3A_69 = tpu.memref_slice %arg4[%add3A_67, %dma_start3A_68] : memref<65536x128xf32, #tpu.memory_space<hbm>> -> memref<256x128xf32, #tpu.memory_space<hbm>>
    %dma_start3A_70 = arith.constant 0 : i32
    %dma_start3A_71 = tpu.memref_slice %arg4[%add3A_67, %dma_start3A_70] : memref<65536x128xf32, #tpu.memory_space<hbm>> -> memref<256x128xf32, #tpu.memory_space<hbm>>
    tpu.enqueue_dma source(%arg9 : memref<256x128xf32, #tpu.memory_space<vmem>>) target(%dma_start3A_71 : memref<256x128xf32, #tpu.memory_space<hbm>>) target_semaphore(%arg15 : memref<!tpu.dma_semaphore, #tpu.memory_space<semaphore_mem>>)
    %dma_wait3A_72 = arith.constant 0 : i32
    %dma_wait3A_73 = tpu.memref_slice %arg4[%add3A_67, %dma_wait3A_72] : memref<65536x128xf32, #tpu.memory_space<hbm>> -> memref<256x128xf32, #tpu.memory_space<hbm>>
    %dma_wait3A_74 = arith.constant 0 : i32
    %dma_wait3A_75 = tpu.memref_slice %arg4[%add3A_67, %dma_wait3A_74] : memref<65536x128xf32, #tpu.memory_space<hbm>> -> memref<256x128xf32, #tpu.memory_space<hbm>>
    tpu.wait_dma2 semaphore(%arg15 : memref<!tpu.dma_semaphore, #tpu.memory_space<semaphore_mem>>) src(%arg9 : memref<256x128xf32, #tpu.memory_space<vmem>>) dst(%dma_wait3A_75 : memref<256x128xf32, #tpu.memory_space<hbm>>)
    %dma_start3A_76 = arith.constant 1280 : i32
    %dma_start3A_77 = tpu.memref_slice %arg6[%dma_start3A_76] : memref<2048xi32, #tpu.memory_space<vmem>> -> memref<256xi32, #tpu.memory_space<vmem>>
    %dma_start3A_78 = arith.constant 0 : i32
    %dma_start3A_79 = arith.constant 0 : i32
    %dma_start3A_80 = tpu.memref_slice %arg3[%dma_start3A_78, %dma_start3A_79] : memref<32768x128xf32, #tpu.memory_space<hbm>> -> memref<32768x128xf32, #tpu.memory_space<hbm>>
    tpu.enqueue_indirect_dma source(%dma_start3A_80 : memref<32768x128xf32, #tpu.memory_space<hbm>>) target(%arg9 : memref<256x128xf32, #tpu.memory_space<vmem>>) offsets(%dma_start3A_77 : memref<256xi32, #tpu.memory_space<vmem>>) semaphore(%arg12 : memref<!tpu.dma_semaphore, #tpu.memory_space<semaphore_mem>>)
    %dma_wait3A_81 = arith.constant 768 : i32
    %dma_wait3A_82 = tpu.memref_slice %arg6[%dma_wait3A_81] : memref<2048xi32, #tpu.memory_space<vmem>> -> memref<256xi32, #tpu.memory_space<vmem>>
    %dma_wait3A_83 = arith.constant 0 : i32
    %dma_wait3A_84 = arith.constant 0 : i32
    %dma_wait3A_85 = tpu.memref_slice %arg3[%dma_wait3A_83, %dma_wait3A_84] : memref<32768x128xf32, #tpu.memory_space<hbm>> -> memref<32768x128xf32, #tpu.memory_space<hbm>>
    tpu.wait_indirect_dma semaphore(%arg10 : memref<!tpu.dma_semaphore, #tpu.memory_space<semaphore_mem>>) src(%dma_wait3A_85 : memref<32768x128xf32, #tpu.memory_space<hbm>>) dst(%arg7 : memref<256x128xf32, #tpu.memory_space<vmem>>)
    %add3A_86 = arith.constant 768 : i32
    %add3A_87 = arith.addi %mul3A_2, %add3A_86 : i32
    %dma_start3A_88 = arith.constant 0 : i32
    %dma_start3A_89 = tpu.memref_slice %arg4[%add3A_87, %dma_start3A_88] : memref<65536x128xf32, #tpu.memory_space<hbm>> -> memref<256x128xf32, #tpu.memory_space<hbm>>
    %dma_start3A_90 = arith.constant 0 : i32
    %dma_start3A_91 = tpu.memref_slice %arg4[%add3A_87, %dma_start3A_90] : memref<65536x128xf32, #tpu.memory_space<hbm>> -> memref<256x128xf32, #tpu.memory_space<hbm>>
    tpu.enqueue_dma source(%arg7 : memref<256x128xf32, #tpu.memory_space<vmem>>) target(%dma_start3A_91 : memref<256x128xf32, #tpu.memory_space<hbm>>) target_semaphore(%arg13 : memref<!tpu.dma_semaphore, #tpu.memory_space<semaphore_mem>>)
    %dma_wait3A_92 = arith.constant 0 : i32
    %dma_wait3A_93 = tpu.memref_slice %arg4[%add3A_87, %dma_wait3A_92] : memref<65536x128xf32, #tpu.memory_space<hbm>> -> memref<256x128xf32, #tpu.memory_space<hbm>>
    %dma_wait3A_94 = arith.constant 0 : i32
    %dma_wait3A_95 = tpu.memref_slice %arg4[%add3A_87, %dma_wait3A_94] : memref<65536x128xf32, #tpu.memory_space<hbm>> -> memref<256x128xf32, #tpu.memory_space<hbm>>
    tpu.wait_dma2 semaphore(%arg13 : memref<!tpu.dma_semaphore, #tpu.memory_space<semaphore_mem>>) src(%arg7 : memref<256x128xf32, #tpu.memory_space<vmem>>) dst(%dma_wait3A_95 : memref<256x128xf32, #tpu.memory_space<hbm>>)
    %dma_start3A_96 = arith.constant 1536 : i32
    %dma_start3A_97 = tpu.memref_slice %arg6[%dma_start3A_96] : memref<2048xi32, #tpu.memory_space<vmem>> -> memref<256xi32, #tpu.memory_space<vmem>>
    %dma_start3A_98 = arith.constant 0 : i32
    %dma_start3A_99 = arith.constant 0 : i32
    %dma_start3A_100 = tpu.memref_slice %arg3[%dma_start3A_98, %dma_start3A_99] : memref<32768x128xf32, #tpu.memory_space<hbm>> -> memref<32768x128xf32, #tpu.memory_space<hbm>>
    tpu.enqueue_indirect_dma source(%dma_start3A_100 : memref<32768x128xf32, #tpu.memory_space<hbm>>) target(%arg7 : memref<256x128xf32, #tpu.memory_space<vmem>>) offsets(%dma_start3A_97 : memref<256xi32, #tpu.memory_space<vmem>>) semaphore(%arg10 : memref<!tpu.dma_semaphore, #tpu.memory_space<semaphore_mem>>)
    %dma_wait3A_101 = arith.constant 1024 : i32
    %dma_wait3A_102 = tpu.memref_slice %arg6[%dma_wait3A_101] : memref<2048xi32, #tpu.memory_space<vmem>> -> memref<256xi32, #tpu.memory_space<vmem>>
    %dma_wait3A_103 = arith.constant 0 : i32
    %dma_wait3A_104 = arith.constant 0 : i32
    %dma_wait3A_105 = tpu.memref_slice %arg3[%dma_wait3A_103, %dma_wait3A_104] : memref<32768x128xf32, #tpu.memory_space<hbm>> -> memref<32768x128xf32, #tpu.memory_space<hbm>>
    tpu.wait_indirect_dma semaphore(%arg11 : memref<!tpu.dma_semaphore, #tpu.memory_space<semaphore_mem>>) src(%dma_wait3A_105 : memref<32768x128xf32, #tpu.memory_space<hbm>>) dst(%arg8 : memref<256x128xf32, #tpu.memory_space<vmem>>)
    %add3A_106 = arith.constant 1024 : i32
    %add3A_107 = arith.addi %mul3A_2, %add3A_106 : i32
    %dma_start3A_108 = arith.constant 0 : i32
    %dma_start3A_109 = tpu.memref_slice %arg4[%add3A_107, %dma_start3A_108] : memref<65536x128xf32, #tpu.memory_space<hbm>> -> memref<256x128xf32, #tpu.memory_space<hbm>>
    %dma_start3A_110 = arith.constant 0 : i32
    %dma_start3A_111 = tpu.memref_slice %arg4[%add3A_107, %dma_start3A_110] : memref<65536x128xf32, #tpu.memory_space<hbm>> -> memref<256x128xf32, #tpu.memory_space<hbm>>
    tpu.enqueue_dma source(%arg8 : memref<256x128xf32, #tpu.memory_space<vmem>>) target(%dma_start3A_111 : memref<256x128xf32, #tpu.memory_space<hbm>>) target_semaphore(%arg14 : memref<!tpu.dma_semaphore, #tpu.memory_space<semaphore_mem>>)
    %dma_wait3A_112 = arith.constant 0 : i32
    %dma_wait3A_113 = tpu.memref_slice %arg4[%add3A_107, %dma_wait3A_112] : memref<65536x128xf32, #tpu.memory_space<hbm>> -> memref<256x128xf32, #tpu.memory_space<hbm>>
    %dma_wait3A_114 = arith.constant 0 : i32
    %dma_wait3A_115 = tpu.memref_slice %arg4[%add3A_107, %dma_wait3A_114] : memref<65536x128xf32, #tpu.memory_space<hbm>> -> memref<256x128xf32, #tpu.memory_space<hbm>>
    tpu.wait_dma2 semaphore(%arg14 : memref<!tpu.dma_semaphore, #tpu.memory_space<semaphore_mem>>) src(%arg8 : memref<256x128xf32, #tpu.memory_space<vmem>>) dst(%dma_wait3A_115 : memref<256x128xf32, #tpu.memory_space<hbm>>)
    %dma_start3A_116 = arith.constant 1792 : i32
    %dma_start3A_117 = tpu.memref_slice %arg6[%dma_start3A_116] : memref<2048xi32, #tpu.memory_space<vmem>> -> memref<256xi32, #tpu.memory_space<vmem>>
    %dma_start3A_118 = arith.constant 0 : i32
    %dma_start3A_119 = arith.constant 0 : i32
    %dma_start3A_120 = tpu.memref_slice %arg3[%dma_start3A_118, %dma_start3A_119] : memref<32768x128xf32, #tpu.memory_space<hbm>> -> memref<32768x128xf32, #tpu.memory_space<hbm>>
    tpu.enqueue_indirect_dma source(%dma_start3A_120 : memref<32768x128xf32, #tpu.memory_space<hbm>>) target(%arg8 : memref<256x128xf32, #tpu.memory_space<vmem>>) offsets(%dma_start3A_117 : memref<256xi32, #tpu.memory_space<vmem>>) semaphore(%arg11 : memref<!tpu.dma_semaphore, #tpu.memory_space<semaphore_mem>>)
    %dma_wait3A_121 = arith.constant 1280 : i32
    %dma_wait3A_122 = tpu.memref_slice %arg6[%dma_wait3A_121] : memref<2048xi32, #tpu.memory_space<vmem>> -> memref<256xi32, #tpu.memory_space<vmem>>
    %dma_wait3A_123 = arith.constant 0 : i32
    %dma_wait3A_124 = arith.constant 0 : i32
    %dma_wait3A_125 = tpu.memref_slice %arg3[%dma_wait3A_123, %dma_wait3A_124] : memref<32768x128xf32, #tpu.memory_space<hbm>> -> memref<32768x128xf32, #tpu.memory_space<hbm>>
    tpu.wait_indirect_dma semaphore(%arg12 : memref<!tpu.dma_semaphore, #tpu.memory_space<semaphore_mem>>) src(%dma_wait3A_125 : memref<32768x128xf32, #tpu.memory_space<hbm>>) dst(%arg9 : memref<256x128xf32, #tpu.memory_space<vmem>>)
    %add3A_126 = arith.constant 1280 : i32
    %add3A_127 = arith.addi %mul3A_2, %add3A_126 : i32
    %dma_start3A_128 = arith.constant 0 : i32
    %dma_start3A_129 = tpu.memref_slice %arg4[%add3A_127, %dma_start3A_128] : memref<65536x128xf32, #tpu.memory_space<hbm>> -> memref<256x128xf32, #tpu.memory_space<hbm>>
    %dma_start3A_130 = arith.constant 0 : i32
    %dma_start3A_131 = tpu.memref_slice %arg4[%add3A_127, %dma_start3A_130] : memref<65536x128xf32, #tpu.memory_space<hbm>> -> memref<256x128xf32, #tpu.memory_space<hbm>>
    tpu.enqueue_dma source(%arg9 : memref<256x128xf32, #tpu.memory_space<vmem>>) target(%dma_start3A_131 : memref<256x128xf32, #tpu.memory_space<hbm>>) target_semaphore(%arg15 : memref<!tpu.dma_semaphore, #tpu.memory_space<semaphore_mem>>)
    %dma_wait3A_132 = arith.constant 1536 : i32
    %dma_wait3A_133 = tpu.memref_slice %arg6[%dma_wait3A_132] : memref<2048xi32, #tpu.memory_space<vmem>> -> memref<256xi32, #tpu.memory_space<vmem>>
    %dma_wait3A_134 = arith.constant 0 : i32
    %dma_wait3A_135 = arith.constant 0 : i32
    %dma_wait3A_136 = tpu.memref_slice %arg3[%dma_wait3A_134, %dma_wait3A_135] : memref<32768x128xf32, #tpu.memory_space<hbm>> -> memref<32768x128xf32, #tpu.memory_space<hbm>>
    tpu.wait_indirect_dma semaphore(%arg10 : memref<!tpu.dma_semaphore, #tpu.memory_space<semaphore_mem>>) src(%dma_wait3A_136 : memref<32768x128xf32, #tpu.memory_space<hbm>>) dst(%arg7 : memref<256x128xf32, #tpu.memory_space<vmem>>)
    %add3A_137 = arith.constant 1536 : i32
    %add3A_138 = arith.addi %mul3A_2, %add3A_137 : i32
    %dma_start3A_139 = arith.constant 0 : i32
    %dma_start3A_140 = tpu.memref_slice %arg4[%add3A_138, %dma_start3A_139] : memref<65536x128xf32, #tpu.memory_space<hbm>> -> memref<256x128xf32, #tpu.memory_space<hbm>>
    %dma_start3A_141 = arith.constant 0 : i32
    %dma_start3A_142 = tpu.memref_slice %arg4[%add3A_138, %dma_start3A_141] : memref<65536x128xf32, #tpu.memory_space<hbm>> -> memref<256x128xf32, #tpu.memory_space<hbm>>
    tpu.enqueue_dma source(%arg7 : memref<256x128xf32, #tpu.memory_space<vmem>>) target(%dma_start3A_142 : memref<256x128xf32, #tpu.memory_space<hbm>>) target_semaphore(%arg13 : memref<!tpu.dma_semaphore, #tpu.memory_space<semaphore_mem>>)
    %dma_wait3A_143 = arith.constant 1792 : i32
    %dma_wait3A_144 = tpu.memref_slice %arg6[%dma_wait3A_143] : memref<2048xi32, #tpu.memory_space<vmem>> -> memref<256xi32, #tpu.memory_space<vmem>>
    %dma_wait3A_145 = arith.constant 0 : i32
    %dma_wait3A_146 = arith.constant 0 : i32
    %dma_wait3A_147 = tpu.memref_slice %arg3[%dma_wait3A_145, %dma_wait3A_146] : memref<32768x128xf32, #tpu.memory_space<hbm>> -> memref<32768x128xf32, #tpu.memory_space<hbm>>
    tpu.wait_indirect_dma semaphore(%arg11 : memref<!tpu.dma_semaphore, #tpu.memory_space<semaphore_mem>>) src(%dma_wait3A_147 : memref<32768x128xf32, #tpu.memory_space<hbm>>) dst(%arg8 : memref<256x128xf32, #tpu.memory_space<vmem>>)
    %add3A_148 = arith.constant 1792 : i32
    %add3A_149 = arith.addi %mul3A_2, %add3A_148 : i32
    %dma_start3A_150 = arith.constant 0 : i32
    %dma_start3A_151 = tpu.memref_slice %arg4[%add3A_149, %dma_start3A_150] : memref<65536x128xf32, #tpu.memory_space<hbm>> -> memref<256x128xf32, #tpu.memory_space<hbm>>
    %dma_start3A_152 = arith.constant 0 : i32
    %dma_start3A_153 = tpu.memref_slice %arg4[%add3A_149, %dma_start3A_152] : memref<65536x128xf32, #tpu.memory_space<hbm>> -> memref<256x128xf32, #tpu.memory_space<hbm>>
    tpu.enqueue_dma source(%arg8 : memref<256x128xf32, #tpu.memory_space<vmem>>) target(%dma_start3A_153 : memref<256x128xf32, #tpu.memory_space<hbm>>) target_semaphore(%arg14 : memref<!tpu.dma_semaphore, #tpu.memory_space<semaphore_mem>>)
    %dma_wait3A_154 = arith.constant 0 : i32
    %dma_wait3A_155 = tpu.memref_slice %arg4[%add3A_127, %dma_wait3A_154] : memref<65536x128xf32, #tpu.memory_space<hbm>> -> memref<256x128xf32, #tpu.memory_space<hbm>>
    %dma_wait3A_156 = arith.constant 0 : i32
    %dma_wait3A_157 = tpu.memref_slice %arg4[%add3A_127, %dma_wait3A_156] : memref<65536x128xf32, #tpu.memory_space<hbm>> -> memref<256x128xf32, #tpu.memory_space<hbm>>
    tpu.wait_dma2 semaphore(%arg15 : memref<!tpu.dma_semaphore, #tpu.memory_space<semaphore_mem>>) src(%arg9 : memref<256x128xf32, #tpu.memory_space<vmem>>) dst(%dma_wait3A_157 : memref<256x128xf32, #tpu.memory_space<hbm>>)
    %dma_wait3A_158 = arith.constant 0 : i32
    %dma_wait3A_159 = tpu.memref_slice %arg4[%add3A_138, %dma_wait3A_158] : memref<65536x128xf32, #tpu.memory_space<hbm>> -> memref<256x128xf32, #tpu.memory_space<hbm>>
    %dma_wait3A_160 = arith.constant 0 : i32
    %dma_wait3A_161 = tpu.memref_slice %arg4[%add3A_138, %dma_wait3A_160] : memref<65536x128xf32, #tpu.memory_space<hbm>> -> memref<256x128xf32, #tpu.memory_space<hbm>>
    tpu.wait_dma2 semaphore(%arg13 : memref<!tpu.dma_semaphore, #tpu.memory_space<semaphore_mem>>) src(%arg7 : memref<256x128xf32, #tpu.memory_space<vmem>>) dst(%dma_wait3A_161 : memref<256x128xf32, #tpu.memory_space<hbm>>)
    %dma_wait3A_162 = arith.constant 0 : i32
    %dma_wait3A_163 = tpu.memref_slice %arg4[%add3A_149, %dma_wait3A_162] : memref<65536x128xf32, #tpu.memory_space<hbm>> -> memref<256x128xf32, #tpu.memory_space<hbm>>
    %dma_wait3A_164 = arith.constant 0 : i32
    %dma_wait3A_165 = tpu.memref_slice %arg4[%add3A_149, %dma_wait3A_164] : memref<65536x128xf32, #tpu.memory_space<hbm>> -> memref<256x128xf32, #tpu.memory_space<hbm>>
    tpu.wait_dma2 semaphore(%arg14 : memref<!tpu.dma_semaphore, #tpu.memory_space<semaphore_mem>>) src(%arg8 : memref<256x128xf32, #tpu.memory_space<vmem>>) dst(%dma_wait3A_165 : memref<256x128xf32, #tpu.memory_space<hbm>>)
    return
  }
}

module attributes {stable_mosaic.version = 14 : i64} {
  func.func @_tc_attn_body(%arg0: i32, %arg1: memref<4x2048x64xf32, #tpu.memory_space<vmem>>, %arg2: memref<8192x128xf32, #tpu.memory_space<vmem>>, %arg3: memref<2048x64xf32, #tpu.memory_space<vmem>>, %arg4: memref<64x2048xf32, #tpu.memory_space<vmem>>, %arg5: memref<1x2048xf32, #tpu.memory_space<vmem>>, %arg6: memref<1x2048xf32, #tpu.memory_space<vmem>>) attributes {dimension_semantics = [#tpu.dimension_semantics<arbitrary>], iteration_bounds = array<i64: 8>, scalar_prefetch = 0 : i64, scratch_operands = 3 : i64, tpu.core_type = #tpu.core_type<tc>, window_params = [{pipeline_mode = #tpu.pipeline_mode<synchronous>, transform_indices = @transform_0, window_bounds = array<i64: 4, 2048, 64>}, {transform_indices = @transform_1, window_bounds = array<i64: 8192, 128>}, {pipeline_mode = #tpu.pipeline_mode<synchronous>, transform_indices = @transform_2, window_bounds = array<i64: 2048, 64>}]} {
    %eq3A = arith.constant 0 : i32
    %eq3A_0 = arith.cmpi eq, %arg0, %eq3A : i32
    %convert_element_type3A = arith.extui %eq3A_0 : i1 to i32
    %cond3A = arith.constant 0 : i32
    %cond3A_1 = arith.cmpi ne, %convert_element_type3A, %cond3A : i32
    scf.if %cond3A_1 {
      %broadcast_in_dim3A_983 = arith.constant 0xFF800000 : f32
      %broadcast_in_dim3A_984 = vector.broadcast %broadcast_in_dim3A_983 : f32 to vector<1x2048xf32>
      %swap3A_985 = arith.constant 0 : index
      %swap3A_986 = arith.constant 0 : index
      %swap3A_987 = vector.load %arg5[%swap3A_985, %swap3A_986] : memref<1x2048xf32, #tpu.memory_space<vmem>>, vector<1x2048xf32>
      tpu.vector_store %arg5[%swap3A_985, %swap3A_986], %broadcast_in_dim3A_984 {strides = array<i32>} : memref<1x2048xf32, #tpu.memory_space<vmem>>, vector<1x2048xf32>,
      %broadcast_in_dim3A_988 = arith.constant 0.000000e+00 : f32
      %broadcast_in_dim3A_989 = vector.broadcast %broadcast_in_dim3A_988 : f32 to vector<1x2048xf32>
      %swap3A_990 = arith.constant 0 : index
      %swap3A_991 = arith.constant 0 : index
      %swap3A_992 = vector.load %arg6[%swap3A_990, %swap3A_991] : memref<1x2048xf32, #tpu.memory_space<vmem>>, vector<1x2048xf32>
      tpu.vector_store %arg6[%swap3A_990, %swap3A_991], %broadcast_in_dim3A_989 {strides = array<i32>} : memref<1x2048xf32, #tpu.memory_space<vmem>>, vector<1x2048xf32>,
      %broadcast_in_dim3A_993 = arith.constant 0.000000e+00 : f32
      %broadcast_in_dim3A_994 = vector.broadcast %broadcast_in_dim3A_993 : f32 to vector<64x2048xf32>
      %swap3A_995 = arith.constant 0 : index
      %swap3A_996 = arith.constant 0 : index
      %swap3A_997 = vector.load %arg4[%swap3A_995, %swap3A_996] : memref<64x2048xf32, #tpu.memory_space<vmem>>, vector<64x2048xf32>
      tpu.vector_store %arg4[%swap3A_995, %swap3A_996], %broadcast_in_dim3A_994 {strides = array<i32>} : memref<64x2048xf32, #tpu.memory_space<vmem>>, vector<64x2048xf32>,
    } else {
    }
    %iota3A = tpu.iota {dimensions = array<i32: 0>} : vector<512x128xi32>
    %jit3A = arith.constant 64 : i32
    %div3A = vector.broadcast %jit3A : i32 to vector<512x128xi32>
    %div3A_2 = arith.divsi %iota3A, %div3A : vector<512x128xi32>
    %sign3A = arith.constant 0 : i32
    %sign3A_3 = vector.broadcast %sign3A : i32 to vector<512x128xi32>
    %sign3A_4 = arith.cmpi sgt, %iota3A, %sign3A_3 : vector<512x128xi32>
    %sign3A_5 = arith.extui %sign3A_4 : vector<512x128xi1> to vector<512x128xi32>
    %sign3A_6 = arith.constant 0 : i32
    %sign3A_7 = vector.broadcast %sign3A_6 : i32 to vector<512x128xi32>
    %sign3A_8 = arith.cmpi slt, %iota3A, %sign3A_7 : vector<512x128xi32>
    %sign3A_9 = arith.extui %sign3A_8 : vector<512x128xi1> to vector<512x128xi32>
    %sign3A_10 = arith.subi %sign3A_5, %sign3A_9 : vector<512x128xi32>
    %sign3A_11 = arith.constant 0 : i32
    %sign3A_12 = arith.cmpi sgt, %jit3A, %sign3A_11 : i32
    %sign3A_13 = arith.extui %sign3A_12 : i1 to i32
    %sign3A_14 = arith.constant 0 : i32
    %sign3A_15 = arith.cmpi slt, %jit3A, %sign3A_14 : i32
    %sign3A_16 = arith.extui %sign3A_15 : i1 to i32
    %sign3A_17 = arith.subi %sign3A_13, %sign3A_16 : i32
    %ne3A = vector.broadcast %sign3A_17 : i32 to vector<512x128xi32>
    %ne3A_18 = arith.cmpi ne, %sign3A_10, %ne3A : vector<512x128xi32>
    %rem3A = vector.broadcast %jit3A : i32 to vector<512x128xi32>
    %rem3A_19 = arith.remsi %iota3A, %rem3A : vector<512x128xi32>
    %ne3A_20 = arith.constant 0 : i32
    %ne3A_21 = vector.broadcast %ne3A_20 : i32 to vector<512x128xi32>
    %ne3A_22 = arith.cmpi ne, %rem3A_19, %ne3A_21 : vector<512x128xi32>
    %and3A = arith.andi %ne3A_18, %ne3A_22 : vector<512x128xi1>
    %sub3A = arith.constant 1 : i32
    %sub3A_23 = vector.broadcast %sub3A : i32 to vector<512x128xi32>
    %sub3A_24 = arith.subi %div3A_2, %sub3A_23 : vector<512x128xi32>
    %select_n3A = arith.select %and3A, %sub3A_24, %div3A_2 : vector<512x128xi1>, vector<512x128xi32>
    %iota3A_25 = tpu.iota {dimensions = array<i32: 1>} : vector<512x128xi32>
    %jit3A_26 = arith.constant 16 : i32
    %div3A_27 = vector.broadcast %jit3A_26 : i32 to vector<512x128xi32>
    %div3A_28 = arith.divsi %iota3A_25, %div3A_27 : vector<512x128xi32>
    %sign3A_29 = arith.constant 0 : i32
    %sign3A_30 = vector.broadcast %sign3A_29 : i32 to vector<512x128xi32>
    %sign3A_31 = arith.cmpi sgt, %iota3A_25, %sign3A_30 : vector<512x128xi32>
    %sign3A_32 = arith.extui %sign3A_31 : vector<512x128xi1> to vector<512x128xi32>
    %sign3A_33 = arith.constant 0 : i32
    %sign3A_34 = vector.broadcast %sign3A_33 : i32 to vector<512x128xi32>
    %sign3A_35 = arith.cmpi slt, %iota3A_25, %sign3A_34 : vector<512x128xi32>
    %sign3A_36 = arith.extui %sign3A_35 : vector<512x128xi1> to vector<512x128xi32>
    %sign3A_37 = arith.subi %sign3A_32, %sign3A_36 : vector<512x128xi32>
    %sign3A_38 = arith.constant 0 : i32
    %sign3A_39 = arith.cmpi sgt, %jit3A_26, %sign3A_38 : i32
    %sign3A_40 = arith.extui %sign3A_39 : i1 to i32
    %sign3A_41 = arith.constant 0 : i32
    %sign3A_42 = arith.cmpi slt, %jit3A_26, %sign3A_41 : i32
    %sign3A_43 = arith.extui %sign3A_42 : i1 to i32
    %sign3A_44 = arith.subi %sign3A_40, %sign3A_43 : i32
    %ne3A_45 = vector.broadcast %sign3A_44 : i32 to vector<512x128xi32>
    %ne3A_46 = arith.cmpi ne, %sign3A_37, %ne3A_45 : vector<512x128xi32>
    %rem3A_47 = vector.broadcast %jit3A_26 : i32 to vector<512x128xi32>
    %rem3A_48 = arith.remsi %iota3A_25, %rem3A_47 : vector<512x128xi32>
    %ne3A_49 = arith.constant 0 : i32
    %ne3A_50 = vector.broadcast %ne3A_49 : i32 to vector<512x128xi32>
    %ne3A_51 = arith.cmpi ne, %rem3A_48, %ne3A_50 : vector<512x128xi32>
    %and3A_52 = arith.andi %ne3A_46, %ne3A_51 : vector<512x128xi1>
    %sub3A_53 = arith.constant 1 : i32
    %sub3A_54 = vector.broadcast %sub3A_53 : i32 to vector<512x128xi32>
    %sub3A_55 = arith.subi %div3A_28, %sub3A_54 : vector<512x128xi32>
    %select_n3A_56 = arith.select %and3A_52, %sub3A_55, %div3A_28 : vector<512x128xi1>, vector<512x128xi32>
    %eq3A_57 = arith.cmpi eq, %select_n3A, %select_n3A_56 : vector<512x128xi32>
    %rem3A_58 = arith.constant 4 : i32
    %rem3A_59 = arith.remsi %arg0, %rem3A_58 : i32
    %get3A = arith.index_cast %rem3A_59 : i32 to index
    %get3A_60 = arith.constant 0 : index
    %get3A_61 = arith.constant 0 : index
    %get3A_62 = vector.load %arg1[%get3A, %get3A_60, %get3A_61] : memref<4x2048x64xf32, #tpu.memory_space<vmem>>, vector<1x128x64xf32>
    %get3A_63 = vector.shape_cast %get3A_62 : vector<1x128x64xf32> to vector<128x64xf32>
    %get3A_64 = arith.constant 0 : index
    %get3A_65 = arith.constant 0 : index
    %get3A_66 = vector.load %arg2[%get3A_64, %get3A_65] : memref<8192x128xf32, #tpu.memory_space<vmem>>, vector<512x64xf32>
    %get3A_67 = arith.constant 0 : index
    %get3A_68 = arith.constant 64 : index
    %get3A_69 = vector.load %arg2[%get3A_67, %get3A_68] : memref<8192x128xf32, #tpu.memory_space<vmem>>, vector<512x64xf32>
    %dot_general3A = arith.constant dense<0.000000e+00> : vector<512x128xf32>
    %dot_general3A_70 = tpu.matmul %get3A_66, %get3A_63, %dot_general3A {dimension_numbers = #tpu.dot_dimension_numbers<[1], [1], [0], [0], [0, 0, 1, 0], [], []>, transpose_lhs_hint = false} : vector<512x64xf32>, vector<128x64xf32>, vector<512x128xf32> -> vector<512x128xf32>
    %jit3A_71 = arith.constant 0xFF800000 : f32
    %broadcast_in_dim3A = vector.broadcast %jit3A_71 : f32 to vector<512x128xf32>
    %select_n3A_72 = arith.select %eq3A_57, %dot_general3A_70, %broadcast_in_dim3A : vector<512x128xi1>, vector<512x128xf32>
    %reduce_max3A = arith.constant dense<0xFF800000> : vector<128xf32>
    %reduce_max3A_73 = vector.multi_reduction <maximumf>, %select_n3A_72, %reduce_max3A [0] : vector<512x128xf32> to vector<128xf32>
    %broadcast_in_dim3A_74 = vector.shape_cast %reduce_max3A_73 : vector<128xf32> to vector<1x128xf32>
    %sub3A_75 = vector.broadcast %broadcast_in_dim3A_74 : vector<1x128xf32> to vector<512x128xf32>
    %sub3A_76 = arith.subf %select_n3A_72, %sub3A_75 : vector<512x128xf32>
    %exp3A = math.exp %sub3A_76 : vector<512x128xf32>
    %reduce_sum3A = arith.constant dense<0.000000e+00> : vector<128xf32>
    %reduce_sum3A_77 = vector.multi_reduction <add>, %exp3A, %reduce_sum3A [0] : vector<512x128xf32> to vector<128xf32>
    %broadcast_in_dim3A_78 = vector.shape_cast %reduce_sum3A_77 : vector<128xf32> to vector<1x128xf32>
    %dot_general3A_79 = arith.constant dense<0.000000e+00> : vector<64x128xf32>
    %dot_general3A_80 = tpu.matmul %get3A_69, %exp3A, %dot_general3A_79 {dimension_numbers = #tpu.dot_dimension_numbers<[0], [0], [1], [1], [0, 1, 1, 1], [], []>, transpose_lhs_hint = false} : vector<512x64xf32>, vector<512x128xf32>, vector<64x128xf32> -> vector<64x128xf32>
    %get3A_81 = arith.constant 0 : index
    %get3A_82 = arith.constant 0 : index
    %get3A_83 = vector.load %arg5[%get3A_81, %get3A_82] : memref<1x2048xf32, #tpu.memory_space<vmem>>, vector<1x128xf32>
    %max3A = arith.maximumf %get3A_83, %broadcast_in_dim3A_74 : vector<1x128xf32>
    %sub3A_84 = arith.subf %get3A_83, %max3A : vector<1x128xf32>
    %exp3A_85 = math.exp %sub3A_84 : vector<1x128xf32>
    %sub3A_86 = arith.subf %broadcast_in_dim3A_74, %max3A : vector<1x128xf32>
    %exp3A_87 = math.exp %sub3A_86 : vector<1x128xf32>
    %get3A_88 = arith.constant 0 : index
    %get3A_89 = arith.constant 0 : index
    %get3A_90 = vector.load %arg4[%get3A_88, %get3A_89] : memref<64x2048xf32, #tpu.memory_space<vmem>>, vector<64x128xf32>
    %mul3A = vector.broadcast %exp3A_85 : vector<1x128xf32> to vector<64x128xf32>
    %mul3A_91 = arith.mulf %get3A_90, %mul3A : vector<64x128xf32>
    %mul3A_92 = vector.broadcast %exp3A_87 : vector<1x128xf32> to vector<64x128xf32>
    %mul3A_93 = arith.mulf %dot_general3A_80, %mul3A_92 : vector<64x128xf32>
    %add3A = arith.addf %mul3A_91, %mul3A_93 : vector<64x128xf32>
    %swap3A = arith.constant 0 : index
    %swap3A_94 = arith.constant 0 : index
    %swap3A_95 = vector.load %arg4[%swap3A, %swap3A_94] : memref<64x2048xf32, #tpu.memory_space<vmem>>, vector<64x128xf32>
    tpu.vector_store %arg4[%swap3A, %swap3A_94], %add3A {strides = array<i32>} : memref<64x2048xf32, #tpu.memory_space<vmem>>, vector<64x128xf32>,
    %get3A_96 = arith.constant 0 : index
    %get3A_97 = arith.constant 0 : index
    %get3A_98 = vector.load %arg6[%get3A_96, %get3A_97] : memref<1x2048xf32, #tpu.memory_space<vmem>>, vector<1x128xf32>
    %mul3A_99 = arith.mulf %get3A_98, %exp3A_85 : vector<1x128xf32>
    %mul3A_100 = arith.mulf %broadcast_in_dim3A_78, %exp3A_87 : vector<1x128xf32>
    %add3A_101 = arith.addf %mul3A_99, %mul3A_100 : vector<1x128xf32>
    %swap3A_102 = arith.constant 0 : index
    %swap3A_103 = arith.constant 0 : index
    %swap3A_104 = vector.load %arg6[%swap3A_102, %swap3A_103] : memref<1x2048xf32, #tpu.memory_space<vmem>>, vector<1x128xf32>
    tpu.vector_store %arg6[%swap3A_102, %swap3A_103], %add3A_101 {strides = array<i32>} : memref<1x2048xf32, #tpu.memory_space<vmem>>, vector<1x128xf32>,
    %swap3A_105 = arith.constant 0 : index
    %swap3A_106 = arith.constant 0 : index
    %swap3A_107 = vector.load %arg5[%swap3A_105, %swap3A_106] : memref<1x2048xf32, #tpu.memory_space<vmem>>, vector<1x128xf32>
    tpu.vector_store %arg5[%swap3A_105, %swap3A_106], %max3A {strides = array<i32>} : memref<1x2048xf32, #tpu.memory_space<vmem>>, vector<1x128xf32>,
    %get3A_108 = arith.index_cast %rem3A_59 : i32 to index
    %get3A_109 = arith.constant 128 : index
    %get3A_110 = arith.constant 0 : index
    %get3A_111 = vector.load %arg1[%get3A_108, %get3A_109, %get3A_110] : memref<4x2048x64xf32, #tpu.memory_space<vmem>>, vector<1x128x64xf32>
    %get3A_112 = vector.shape_cast %get3A_111 : vector<1x128x64xf32> to vector<128x64xf32>
    %get3A_113 = arith.constant 512 : index
    %get3A_114 = arith.constant 0 : index
    %get3A_115 = vector.load %arg2[%get3A_113, %get3A_114] : memref<8192x128xf32, #tpu.memory_space<vmem>>, vector<512x64xf32>
    %get3A_116 = arith.constant 512 : index
    %get3A_117 = arith.constant 64 : index
    %get3A_118 = vector.load %arg2[%get3A_116, %get3A_117] : memref<8192x128xf32, #tpu.memory_space<vmem>>, vector<512x64xf32>
    %dot_general3A_119 = arith.constant dense<0.000000e+00> : vector<512x128xf32>
    %dot_general3A_120 = tpu.matmul %get3A_115, %get3A_112, %dot_general3A_119 {dimension_numbers = #tpu.dot_dimension_numbers<[1], [1], [0], [0], [0, 0, 1, 0], [], []>, transpose_lhs_hint = false} : vector<512x64xf32>, vector<128x64xf32>, vector<512x128xf32> -> vector<512x128xf32>
    %jit3A_121 = arith.constant 0xFF800000 : f32
    %broadcast_in_dim3A_122 = vector.broadcast %jit3A_121 : f32 to vector<512x128xf32>
    %select_n3A_123 = arith.select %eq3A_57, %dot_general3A_120, %broadcast_in_dim3A_122 : vector<512x128xi1>, vector<512x128xf32>
    %reduce_max3A_124 = arith.constant dense<0xFF800000> : vector<128xf32>
    %reduce_max3A_125 = vector.multi_reduction <maximumf>, %select_n3A_123, %reduce_max3A_124 [0] : vector<512x128xf32> to vector<128xf32>
    %broadcast_in_dim3A_126 = vector.shape_cast %reduce_max3A_125 : vector<128xf32> to vector<1x128xf32>
    %sub3A_127 = vector.broadcast %broadcast_in_dim3A_126 : vector<1x128xf32> to vector<512x128xf32>
    %sub3A_128 = arith.subf %select_n3A_123, %sub3A_127 : vector<512x128xf32>
    %exp3A_129 = math.exp %sub3A_128 : vector<512x128xf32>
    %reduce_sum3A_130 = arith.constant dense<0.000000e+00> : vector<128xf32>
    %reduce_sum3A_131 = vector.multi_reduction <add>, %exp3A_129, %reduce_sum3A_130 [0] : vector<512x128xf32> to vector<128xf32>
    %broadcast_in_dim3A_132 = vector.shape_cast %reduce_sum3A_131 : vector<128xf32> to vector<1x128xf32>
    %dot_general3A_133 = arith.constant dense<0.000000e+00> : vector<64x128xf32>
    %dot_general3A_134 = tpu.matmul %get3A_118, %exp3A_129, %dot_general3A_133 {dimension_numbers = #tpu.dot_dimension_numbers<[0], [0], [1], [1], [0, 1, 1, 1], [], []>, transpose_lhs_hint = false} : vector<512x64xf32>, vector<512x128xf32>, vector<64x128xf32> -> vector<64x128xf32>
    %get3A_135 = arith.constant 0 : index
    %get3A_136 = arith.constant 128 : index
    %get3A_137 = vector.load %arg5[%get3A_135, %get3A_136] : memref<1x2048xf32, #tpu.memory_space<vmem>>, vector<1x128xf32>
    %max3A_138 = arith.maximumf %get3A_137, %broadcast_in_dim3A_126 : vector<1x128xf32>
    %sub3A_139 = arith.subf %get3A_137, %max3A_138 : vector<1x128xf32>
    %exp3A_140 = math.exp %sub3A_139 : vector<1x128xf32>
    %sub3A_141 = arith.subf %broadcast_in_dim3A_126, %max3A_138 : vector<1x128xf32>
    %exp3A_142 = math.exp %sub3A_141 : vector<1x128xf32>
    %get3A_143 = arith.constant 0 : index
    %get3A_144 = arith.constant 128 : index
    %get3A_145 = vector.load %arg4[%get3A_143, %get3A_144] : memref<64x2048xf32, #tpu.memory_space<vmem>>, vector<64x128xf32>
    %mul3A_146 = vector.broadcast %exp3A_140 : vector<1x128xf32> to vector<64x128xf32>
    %mul3A_147 = arith.mulf %get3A_145, %mul3A_146 : vector<64x128xf32>
    %mul3A_148 = vector.broadcast %exp3A_142 : vector<1x128xf32> to vector<64x128xf32>
    %mul3A_149 = arith.mulf %dot_general3A_134, %mul3A_148 : vector<64x128xf32>
    %add3A_150 = arith.addf %mul3A_147, %mul3A_149 : vector<64x128xf32>
    %swap3A_151 = arith.constant 0 : index
    %swap3A_152 = arith.constant 128 : index
    %swap3A_153 = vector.load %arg4[%swap3A_151, %swap3A_152] : memref<64x2048xf32, #tpu.memory_space<vmem>>, vector<64x128xf32>
    tpu.vector_store %arg4[%swap3A_151, %swap3A_152], %add3A_150 {strides = array<i32>} : memref<64x2048xf32, #tpu.memory_space<vmem>>, vector<64x128xf32>,
    %get3A_154 = arith.constant 0 : index
    %get3A_155 = arith.constant 128 : index
    %get3A_156 = vector.load %arg6[%get3A_154, %get3A_155] : memref<1x2048xf32, #tpu.memory_space<vmem>>, vector<1x128xf32>
    %mul3A_157 = arith.mulf %get3A_156, %exp3A_140 : vector<1x128xf32>
    %mul3A_158 = arith.mulf %broadcast_in_dim3A_132, %exp3A_142 : vector<1x128xf32>
    %add3A_159 = arith.addf %mul3A_157, %mul3A_158 : vector<1x128xf32>
    %swap3A_160 = arith.constant 0 : index
    %swap3A_161 = arith.constant 128 : index
    %swap3A_162 = vector.load %arg6[%swap3A_160, %swap3A_161] : memref<1x2048xf32, #tpu.memory_space<vmem>>, vector<1x128xf32>
    tpu.vector_store %arg6[%swap3A_160, %swap3A_161], %add3A_159 {strides = array<i32>} : memref<1x2048xf32, #tpu.memory_space<vmem>>, vector<1x128xf32>,
    %swap3A_163 = arith.constant 0 : index
    %swap3A_164 = arith.constant 128 : index
    %swap3A_165 = vector.load %arg5[%swap3A_163, %swap3A_164] : memref<1x2048xf32, #tpu.memory_space<vmem>>, vector<1x128xf32>
    tpu.vector_store %arg5[%swap3A_163, %swap3A_164], %max3A_138 {strides = array<i32>} : memref<1x2048xf32, #tpu.memory_space<vmem>>, vector<1x128xf32>,
    %get3A_166 = arith.index_cast %rem3A_59 : i32 to index
    %get3A_167 = arith.constant 256 : index
    %get3A_168 = arith.constant 0 : index
    %get3A_169 = vector.load %arg1[%get3A_166, %get3A_167, %get3A_168] : memref<4x2048x64xf32, #tpu.memory_space<vmem>>, vector<1x128x64xf32>
    %get3A_170 = vector.shape_cast %get3A_169 : vector<1x128x64xf32> to vector<128x64xf32>
    %get3A_171 = arith.constant 1024 : index
    %get3A_172 = arith.constant 0 : index
    %get3A_173 = vector.load %arg2[%get3A_171, %get3A_172] : memref<8192x128xf32, #tpu.memory_space<vmem>>, vector<512x64xf32>
    %get3A_174 = arith.constant 1024 : index
    %get3A_175 = arith.constant 64 : index
    %get3A_176 = vector.load %arg2[%get3A_174, %get3A_175] : memref<8192x128xf32, #tpu.memory_space<vmem>>, vector<512x64xf32>
    %dot_general3A_177 = arith.constant dense<0.000000e+00> : vector<512x128xf32>
    %dot_general3A_178 = tpu.matmul %get3A_173, %get3A_170, %dot_general3A_177 {dimension_numbers = #tpu.dot_dimension_numbers<[1], [1], [0], [0], [0, 0, 1, 0], [], []>, transpose_lhs_hint = false} : vector<512x64xf32>, vector<128x64xf32>, vector<512x128xf32> -> vector<512x128xf32>
    %jit3A_179 = arith.constant 0xFF800000 : f32
    %broadcast_in_dim3A_180 = vector.broadcast %jit3A_179 : f32 to vector<512x128xf32>
    %select_n3A_181 = arith.select %eq3A_57, %dot_general3A_178, %broadcast_in_dim3A_180 : vector<512x128xi1>, vector<512x128xf32>
    %reduce_max3A_182 = arith.constant dense<0xFF800000> : vector<128xf32>
    %reduce_max3A_183 = vector.multi_reduction <maximumf>, %select_n3A_181, %reduce_max3A_182 [0] : vector<512x128xf32> to vector<128xf32>
    %broadcast_in_dim3A_184 = vector.shape_cast %reduce_max3A_183 : vector<128xf32> to vector<1x128xf32>
    %sub3A_185 = vector.broadcast %broadcast_in_dim3A_184 : vector<1x128xf32> to vector<512x128xf32>
    %sub3A_186 = arith.subf %select_n3A_181, %sub3A_185 : vector<512x128xf32>
    %exp3A_187 = math.exp %sub3A_186 : vector<512x128xf32>
    %reduce_sum3A_188 = arith.constant dense<0.000000e+00> : vector<128xf32>
    %reduce_sum3A_189 = vector.multi_reduction <add>, %exp3A_187, %reduce_sum3A_188 [0] : vector<512x128xf32> to vector<128xf32>
    %broadcast_in_dim3A_190 = vector.shape_cast %reduce_sum3A_189 : vector<128xf32> to vector<1x128xf32>
    %dot_general3A_191 = arith.constant dense<0.000000e+00> : vector<64x128xf32>
    %dot_general3A_192 = tpu.matmul %get3A_176, %exp3A_187, %dot_general3A_191 {dimension_numbers = #tpu.dot_dimension_numbers<[0], [0], [1], [1], [0, 1, 1, 1], [], []>, transpose_lhs_hint = false} : vector<512x64xf32>, vector<512x128xf32>, vector<64x128xf32> -> vector<64x128xf32>
    %get3A_193 = arith.constant 0 : index
    %get3A_194 = arith.constant 256 : index
    %get3A_195 = vector.load %arg5[%get3A_193, %get3A_194] : memref<1x2048xf32, #tpu.memory_space<vmem>>, vector<1x128xf32>
    %max3A_196 = arith.maximumf %get3A_195, %broadcast_in_dim3A_184 : vector<1x128xf32>
    %sub3A_197 = arith.subf %get3A_195, %max3A_196 : vector<1x128xf32>
    %exp3A_198 = math.exp %sub3A_197 : vector<1x128xf32>
    %sub3A_199 = arith.subf %broadcast_in_dim3A_184, %max3A_196 : vector<1x128xf32>
    %exp3A_200 = math.exp %sub3A_199 : vector<1x128xf32>
    %get3A_201 = arith.constant 0 : index
    %get3A_202 = arith.constant 256 : index
    %get3A_203 = vector.load %arg4[%get3A_201, %get3A_202] : memref<64x2048xf32, #tpu.memory_space<vmem>>, vector<64x128xf32>
    %mul3A_204 = vector.broadcast %exp3A_198 : vector<1x128xf32> to vector<64x128xf32>
    %mul3A_205 = arith.mulf %get3A_203, %mul3A_204 : vector<64x128xf32>
    %mul3A_206 = vector.broadcast %exp3A_200 : vector<1x128xf32> to vector<64x128xf32>
    %mul3A_207 = arith.mulf %dot_general3A_192, %mul3A_206 : vector<64x128xf32>
    %add3A_208 = arith.addf %mul3A_205, %mul3A_207 : vector<64x128xf32>
    %swap3A_209 = arith.constant 0 : index
    %swap3A_210 = arith.constant 256 : index
    %swap3A_211 = vector.load %arg4[%swap3A_209, %swap3A_210] : memref<64x2048xf32, #tpu.memory_space<vmem>>, vector<64x128xf32>
    tpu.vector_store %arg4[%swap3A_209, %swap3A_210], %add3A_208 {strides = array<i32>} : memref<64x2048xf32, #tpu.memory_space<vmem>>, vector<64x128xf32>,
    %get3A_212 = arith.constant 0 : index
    %get3A_213 = arith.constant 256 : index
    %get3A_214 = vector.load %arg6[%get3A_212, %get3A_213] : memref<1x2048xf32, #tpu.memory_space<vmem>>, vector<1x128xf32>
    %mul3A_215 = arith.mulf %get3A_214, %exp3A_198 : vector<1x128xf32>
    %mul3A_216 = arith.mulf %broadcast_in_dim3A_190, %exp3A_200 : vector<1x128xf32>
    %add3A_217 = arith.addf %mul3A_215, %mul3A_216 : vector<1x128xf32>
    %swap3A_218 = arith.constant 0 : index
    %swap3A_219 = arith.constant 256 : index
    %swap3A_220 = vector.load %arg6[%swap3A_218, %swap3A_219] : memref<1x2048xf32, #tpu.memory_space<vmem>>, vector<1x128xf32>
    tpu.vector_store %arg6[%swap3A_218, %swap3A_219], %add3A_217 {strides = array<i32>} : memref<1x2048xf32, #tpu.memory_space<vmem>>, vector<1x128xf32>,
    %swap3A_221 = arith.constant 0 : index
    %swap3A_222 = arith.constant 256 : index
    %swap3A_223 = vector.load %arg5[%swap3A_221, %swap3A_222] : memref<1x2048xf32, #tpu.memory_space<vmem>>, vector<1x128xf32>
    tpu.vector_store %arg5[%swap3A_221, %swap3A_222], %max3A_196 {strides = array<i32>} : memref<1x2048xf32, #tpu.memory_space<vmem>>, vector<1x128xf32>,
    %get3A_224 = arith.index_cast %rem3A_59 : i32 to index
    %get3A_225 = arith.constant 384 : index
    %get3A_226 = arith.constant 0 : index
    %get3A_227 = vector.load %arg1[%get3A_224, %get3A_225, %get3A_226] : memref<4x2048x64xf32, #tpu.memory_space<vmem>>, vector<1x128x64xf32>
    %get3A_228 = vector.shape_cast %get3A_227 : vector<1x128x64xf32> to vector<128x64xf32>
    %get3A_229 = arith.constant 1536 : index
    %get3A_230 = arith.constant 0 : index
    %get3A_231 = vector.load %arg2[%get3A_229, %get3A_230] : memref<8192x128xf32, #tpu.memory_space<vmem>>, vector<512x64xf32>
    %get3A_232 = arith.constant 1536 : index
    %get3A_233 = arith.constant 64 : index
    %get3A_234 = vector.load %arg2[%get3A_232, %get3A_233] : memref<8192x128xf32, #tpu.memory_space<vmem>>, vector<512x64xf32>
    %dot_general3A_235 = arith.constant dense<0.000000e+00> : vector<512x128xf32>
    %dot_general3A_236 = tpu.matmul %get3A_231, %get3A_228, %dot_general3A_235 {dimension_numbers = #tpu.dot_dimension_numbers<[1], [1], [0], [0], [0, 0, 1, 0], [], []>, transpose_lhs_hint = false} : vector<512x64xf32>, vector<128x64xf32>, vector<512x128xf32> -> vector<512x128xf32>
    %jit3A_237 = arith.constant 0xFF800000 : f32
    %broadcast_in_dim3A_238 = vector.broadcast %jit3A_237 : f32 to vector<512x128xf32>
    %select_n3A_239 = arith.select %eq3A_57, %dot_general3A_236, %broadcast_in_dim3A_238 : vector<512x128xi1>, vector<512x128xf32>
    %reduce_max3A_240 = arith.constant dense<0xFF800000> : vector<128xf32>
    %reduce_max3A_241 = vector.multi_reduction <maximumf>, %select_n3A_239, %reduce_max3A_240 [0] : vector<512x128xf32> to vector<128xf32>
    %broadcast_in_dim3A_242 = vector.shape_cast %reduce_max3A_241 : vector<128xf32> to vector<1x128xf32>
    %sub3A_243 = vector.broadcast %broadcast_in_dim3A_242 : vector<1x128xf32> to vector<512x128xf32>
    %sub3A_244 = arith.subf %select_n3A_239, %sub3A_243 : vector<512x128xf32>
    %exp3A_245 = math.exp %sub3A_244 : vector<512x128xf32>
    %reduce_sum3A_246 = arith.constant dense<0.000000e+00> : vector<128xf32>
    %reduce_sum3A_247 = vector.multi_reduction <add>, %exp3A_245, %reduce_sum3A_246 [0] : vector<512x128xf32> to vector<128xf32>
    %broadcast_in_dim3A_248 = vector.shape_cast %reduce_sum3A_247 : vector<128xf32> to vector<1x128xf32>
    %dot_general3A_249 = arith.constant dense<0.000000e+00> : vector<64x128xf32>
    %dot_general3A_250 = tpu.matmul %get3A_234, %exp3A_245, %dot_general3A_249 {dimension_numbers = #tpu.dot_dimension_numbers<[0], [0], [1], [1], [0, 1, 1, 1], [], []>, transpose_lhs_hint = false} : vector<512x64xf32>, vector<512x128xf32>, vector<64x128xf32> -> vector<64x128xf32>
    %get3A_251 = arith.constant 0 : index
    %get3A_252 = arith.constant 384 : index
    %get3A_253 = vector.load %arg5[%get3A_251, %get3A_252] : memref<1x2048xf32, #tpu.memory_space<vmem>>, vector<1x128xf32>
    %max3A_254 = arith.maximumf %get3A_253, %broadcast_in_dim3A_242 : vector<1x128xf32>
    %sub3A_255 = arith.subf %get3A_253, %max3A_254 : vector<1x128xf32>
    %exp3A_256 = math.exp %sub3A_255 : vector<1x128xf32>
    %sub3A_257 = arith.subf %broadcast_in_dim3A_242, %max3A_254 : vector<1x128xf32>
    %exp3A_258 = math.exp %sub3A_257 : vector<1x128xf32>
    %get3A_259 = arith.constant 0 : index
    %get3A_260 = arith.constant 384 : index
    %get3A_261 = vector.load %arg4[%get3A_259, %get3A_260] : memref<64x2048xf32, #tpu.memory_space<vmem>>, vector<64x128xf32>
    %mul3A_262 = vector.broadcast %exp3A_256 : vector<1x128xf32> to vector<64x128xf32>
    %mul3A_263 = arith.mulf %get3A_261, %mul3A_262 : vector<64x128xf32>
    %mul3A_264 = vector.broadcast %exp3A_258 : vector<1x128xf32> to vector<64x128xf32>
    %mul3A_265 = arith.mulf %dot_general3A_250, %mul3A_264 : vector<64x128xf32>
    %add3A_266 = arith.addf %mul3A_263, %mul3A_265 : vector<64x128xf32>
    %swap3A_267 = arith.constant 0 : index
    %swap3A_268 = arith.constant 384 : index
    %swap3A_269 = vector.load %arg4[%swap3A_267, %swap3A_268] : memref<64x2048xf32, #tpu.memory_space<vmem>>, vector<64x128xf32>
    tpu.vector_store %arg4[%swap3A_267, %swap3A_268], %add3A_266 {strides = array<i32>} : memref<64x2048xf32, #tpu.memory_space<vmem>>, vector<64x128xf32>,
    %get3A_270 = arith.constant 0 : index
    %get3A_271 = arith.constant 384 : index
    %get3A_272 = vector.load %arg6[%get3A_270, %get3A_271] : memref<1x2048xf32, #tpu.memory_space<vmem>>, vector<1x128xf32>
    %mul3A_273 = arith.mulf %get3A_272, %exp3A_256 : vector<1x128xf32>
    %mul3A_274 = arith.mulf %broadcast_in_dim3A_248, %exp3A_258 : vector<1x128xf32>
    %add3A_275 = arith.addf %mul3A_273, %mul3A_274 : vector<1x128xf32>
    %swap3A_276 = arith.constant 0 : index
    %swap3A_277 = arith.constant 384 : index
    %swap3A_278 = vector.load %arg6[%swap3A_276, %swap3A_277] : memref<1x2048xf32, #tpu.memory_space<vmem>>, vector<1x128xf32>
    tpu.vector_store %arg6[%swap3A_276, %swap3A_277], %add3A_275 {strides = array<i32>} : memref<1x2048xf32, #tpu.memory_space<vmem>>, vector<1x128xf32>,
    %swap3A_279 = arith.constant 0 : index
    %swap3A_280 = arith.constant 384 : index
    %swap3A_281 = vector.load %arg5[%swap3A_279, %swap3A_280] : memref<1x2048xf32, #tpu.memory_space<vmem>>, vector<1x128xf32>
    tpu.vector_store %arg5[%swap3A_279, %swap3A_280], %max3A_254 {strides = array<i32>} : memref<1x2048xf32, #tpu.memory_space<vmem>>, vector<1x128xf32>,
    %get3A_282 = arith.index_cast %rem3A_59 : i32 to index
    %get3A_283 = arith.constant 512 : index
    %get3A_284 = arith.constant 0 : index
    %get3A_285 = vector.load %arg1[%get3A_282, %get3A_283, %get3A_284] : memref<4x2048x64xf32, #tpu.memory_space<vmem>>, vector<1x128x64xf32>
    %get3A_286 = vector.shape_cast %get3A_285 : vector<1x128x64xf32> to vector<128x64xf32>
    %get3A_287 = arith.constant 2048 : index
    %get3A_288 = arith.constant 0 : index
    %get3A_289 = vector.load %arg2[%get3A_287, %get3A_288] : memref<8192x128xf32, #tpu.memory_space<vmem>>, vector<512x64xf32>
    %get3A_290 = arith.constant 2048 : index
    %get3A_291 = arith.constant 64 : index
    %get3A_292 = vector.load %arg2[%get3A_290, %get3A_291] : memref<8192x128xf32, #tpu.memory_space<vmem>>, vector<512x64xf32>
    %dot_general3A_293 = arith.constant dense<0.000000e+00> : vector<512x128xf32>
    %dot_general3A_294 = tpu.matmul %get3A_289, %get3A_286, %dot_general3A_293 {dimension_numbers = #tpu.dot_dimension_numbers<[1], [1], [0], [0], [0, 0, 1, 0], [], []>, transpose_lhs_hint = false} : vector<512x64xf32>, vector<128x64xf32>, vector<512x128xf32> -> vector<512x128xf32>
    %jit3A_295 = arith.constant 0xFF800000 : f32
    %broadcast_in_dim3A_296 = vector.broadcast %jit3A_295 : f32 to vector<512x128xf32>
    %select_n3A_297 = arith.select %eq3A_57, %dot_general3A_294, %broadcast_in_dim3A_296 : vector<512x128xi1>, vector<512x128xf32>
    %reduce_max3A_298 = arith.constant dense<0xFF800000> : vector<128xf32>
    %reduce_max3A_299 = vector.multi_reduction <maximumf>, %select_n3A_297, %reduce_max3A_298 [0] : vector<512x128xf32> to vector<128xf32>
    %broadcast_in_dim3A_300 = vector.shape_cast %reduce_max3A_299 : vector<128xf32> to vector<1x128xf32>
    %sub3A_301 = vector.broadcast %broadcast_in_dim3A_300 : vector<1x128xf32> to vector<512x128xf32>
    %sub3A_302 = arith.subf %select_n3A_297, %sub3A_301 : vector<512x128xf32>
    %exp3A_303 = math.exp %sub3A_302 : vector<512x128xf32>
    %reduce_sum3A_304 = arith.constant dense<0.000000e+00> : vector<128xf32>
    %reduce_sum3A_305 = vector.multi_reduction <add>, %exp3A_303, %reduce_sum3A_304 [0] : vector<512x128xf32> to vector<128xf32>
    %broadcast_in_dim3A_306 = vector.shape_cast %reduce_sum3A_305 : vector<128xf32> to vector<1x128xf32>
    %dot_general3A_307 = arith.constant dense<0.000000e+00> : vector<64x128xf32>
    %dot_general3A_308 = tpu.matmul %get3A_292, %exp3A_303, %dot_general3A_307 {dimension_numbers = #tpu.dot_dimension_numbers<[0], [0], [1], [1], [0, 1, 1, 1], [], []>, transpose_lhs_hint = false} : vector<512x64xf32>, vector<512x128xf32>, vector<64x128xf32> -> vector<64x128xf32>
    %get3A_309 = arith.constant 0 : index
    %get3A_310 = arith.constant 512 : index
    %get3A_311 = vector.load %arg5[%get3A_309, %get3A_310] : memref<1x2048xf32, #tpu.memory_space<vmem>>, vector<1x128xf32>
    %max3A_312 = arith.maximumf %get3A_311, %broadcast_in_dim3A_300 : vector<1x128xf32>
    %sub3A_313 = arith.subf %get3A_311, %max3A_312 : vector<1x128xf32>
    %exp3A_314 = math.exp %sub3A_313 : vector<1x128xf32>
    %sub3A_315 = arith.subf %broadcast_in_dim3A_300, %max3A_312 : vector<1x128xf32>
    %exp3A_316 = math.exp %sub3A_315 : vector<1x128xf32>
    %get3A_317 = arith.constant 0 : index
    %get3A_318 = arith.constant 512 : index
    %get3A_319 = vector.load %arg4[%get3A_317, %get3A_318] : memref<64x2048xf32, #tpu.memory_space<vmem>>, vector<64x128xf32>
    %mul3A_320 = vector.broadcast %exp3A_314 : vector<1x128xf32> to vector<64x128xf32>
    %mul3A_321 = arith.mulf %get3A_319, %mul3A_320 : vector<64x128xf32>
    %mul3A_322 = vector.broadcast %exp3A_316 : vector<1x128xf32> to vector<64x128xf32>
    %mul3A_323 = arith.mulf %dot_general3A_308, %mul3A_322 : vector<64x128xf32>
    %add3A_324 = arith.addf %mul3A_321, %mul3A_323 : vector<64x128xf32>
    %swap3A_325 = arith.constant 0 : index
    %swap3A_326 = arith.constant 512 : index
    %swap3A_327 = vector.load %arg4[%swap3A_325, %swap3A_326] : memref<64x2048xf32, #tpu.memory_space<vmem>>, vector<64x128xf32>
    tpu.vector_store %arg4[%swap3A_325, %swap3A_326], %add3A_324 {strides = array<i32>} : memref<64x2048xf32, #tpu.memory_space<vmem>>, vector<64x128xf32>,
    %get3A_328 = arith.constant 0 : index
    %get3A_329 = arith.constant 512 : index
    %get3A_330 = vector.load %arg6[%get3A_328, %get3A_329] : memref<1x2048xf32, #tpu.memory_space<vmem>>, vector<1x128xf32>
    %mul3A_331 = arith.mulf %get3A_330, %exp3A_314 : vector<1x128xf32>
    %mul3A_332 = arith.mulf %broadcast_in_dim3A_306, %exp3A_316 : vector<1x128xf32>
    %add3A_333 = arith.addf %mul3A_331, %mul3A_332 : vector<1x128xf32>
    %swap3A_334 = arith.constant 0 : index
    %swap3A_335 = arith.constant 512 : index
    %swap3A_336 = vector.load %arg6[%swap3A_334, %swap3A_335] : memref<1x2048xf32, #tpu.memory_space<vmem>>, vector<1x128xf32>
    tpu.vector_store %arg6[%swap3A_334, %swap3A_335], %add3A_333 {strides = array<i32>} : memref<1x2048xf32, #tpu.memory_space<vmem>>, vector<1x128xf32>,
    %swap3A_337 = arith.constant 0 : index
    %swap3A_338 = arith.constant 512 : index
    %swap3A_339 = vector.load %arg5[%swap3A_337, %swap3A_338] : memref<1x2048xf32, #tpu.memory_space<vmem>>, vector<1x128xf32>
    tpu.vector_store %arg5[%swap3A_337, %swap3A_338], %max3A_312 {strides = array<i32>} : memref<1x2048xf32, #tpu.memory_space<vmem>>, vector<1x128xf32>,
    %get3A_340 = arith.index_cast %rem3A_59 : i32 to index
    %get3A_341 = arith.constant 640 : index
    %get3A_342 = arith.constant 0 : index
    %get3A_343 = vector.load %arg1[%get3A_340, %get3A_341, %get3A_342] : memref<4x2048x64xf32, #tpu.memory_space<vmem>>, vector<1x128x64xf32>
    %get3A_344 = vector.shape_cast %get3A_343 : vector<1x128x64xf32> to vector<128x64xf32>
    %get3A_345 = arith.constant 2560 : index
    %get3A_346 = arith.constant 0 : index
    %get3A_347 = vector.load %arg2[%get3A_345, %get3A_346] : memref<8192x128xf32, #tpu.memory_space<vmem>>, vector<512x64xf32>
    %get3A_348 = arith.constant 2560 : index
    %get3A_349 = arith.constant 64 : index
    %get3A_350 = vector.load %arg2[%get3A_348, %get3A_349] : memref<8192x128xf32, #tpu.memory_space<vmem>>, vector<512x64xf32>
    %dot_general3A_351 = arith.constant dense<0.000000e+00> : vector<512x128xf32>
    %dot_general3A_352 = tpu.matmul %get3A_347, %get3A_344, %dot_general3A_351 {dimension_numbers = #tpu.dot_dimension_numbers<[1], [1], [0], [0], [0, 0, 1, 0], [], []>, transpose_lhs_hint = false} : vector<512x64xf32>, vector<128x64xf32>, vector<512x128xf32> -> vector<512x128xf32>
    %jit3A_353 = arith.constant 0xFF800000 : f32
    %broadcast_in_dim3A_354 = vector.broadcast %jit3A_353 : f32 to vector<512x128xf32>
    %select_n3A_355 = arith.select %eq3A_57, %dot_general3A_352, %broadcast_in_dim3A_354 : vector<512x128xi1>, vector<512x128xf32>
    %reduce_max3A_356 = arith.constant dense<0xFF800000> : vector<128xf32>
    %reduce_max3A_357 = vector.multi_reduction <maximumf>, %select_n3A_355, %reduce_max3A_356 [0] : vector<512x128xf32> to vector<128xf32>
    %broadcast_in_dim3A_358 = vector.shape_cast %reduce_max3A_357 : vector<128xf32> to vector<1x128xf32>
    %sub3A_359 = vector.broadcast %broadcast_in_dim3A_358 : vector<1x128xf32> to vector<512x128xf32>
    %sub3A_360 = arith.subf %select_n3A_355, %sub3A_359 : vector<512x128xf32>
    %exp3A_361 = math.exp %sub3A_360 : vector<512x128xf32>
    %reduce_sum3A_362 = arith.constant dense<0.000000e+00> : vector<128xf32>
    %reduce_sum3A_363 = vector.multi_reduction <add>, %exp3A_361, %reduce_sum3A_362 [0] : vector<512x128xf32> to vector<128xf32>
    %broadcast_in_dim3A_364 = vector.shape_cast %reduce_sum3A_363 : vector<128xf32> to vector<1x128xf32>
    %dot_general3A_365 = arith.constant dense<0.000000e+00> : vector<64x128xf32>
    %dot_general3A_366 = tpu.matmul %get3A_350, %exp3A_361, %dot_general3A_365 {dimension_numbers = #tpu.dot_dimension_numbers<[0], [0], [1], [1], [0, 1, 1, 1], [], []>, transpose_lhs_hint = false} : vector<512x64xf32>, vector<512x128xf32>, vector<64x128xf32> -> vector<64x128xf32>
    %get3A_367 = arith.constant 0 : index
    %get3A_368 = arith.constant 640 : index
    %get3A_369 = vector.load %arg5[%get3A_367, %get3A_368] : memref<1x2048xf32, #tpu.memory_space<vmem>>, vector<1x128xf32>
    %max3A_370 = arith.maximumf %get3A_369, %broadcast_in_dim3A_358 : vector<1x128xf32>
    %sub3A_371 = arith.subf %get3A_369, %max3A_370 : vector<1x128xf32>
    %exp3A_372 = math.exp %sub3A_371 : vector<1x128xf32>
    %sub3A_373 = arith.subf %broadcast_in_dim3A_358, %max3A_370 : vector<1x128xf32>
    %exp3A_374 = math.exp %sub3A_373 : vector<1x128xf32>
    %get3A_375 = arith.constant 0 : index
    %get3A_376 = arith.constant 640 : index
    %get3A_377 = vector.load %arg4[%get3A_375, %get3A_376] : memref<64x2048xf32, #tpu.memory_space<vmem>>, vector<64x128xf32>
    %mul3A_378 = vector.broadcast %exp3A_372 : vector<1x128xf32> to vector<64x128xf32>
    %mul3A_379 = arith.mulf %get3A_377, %mul3A_378 : vector<64x128xf32>
    %mul3A_380 = vector.broadcast %exp3A_374 : vector<1x128xf32> to vector<64x128xf32>
    %mul3A_381 = arith.mulf %dot_general3A_366, %mul3A_380 : vector<64x128xf32>
    %add3A_382 = arith.addf %mul3A_379, %mul3A_381 : vector<64x128xf32>
    %swap3A_383 = arith.constant 0 : index
    %swap3A_384 = arith.constant 640 : index
    %swap3A_385 = vector.load %arg4[%swap3A_383, %swap3A_384] : memref<64x2048xf32, #tpu.memory_space<vmem>>, vector<64x128xf32>
    tpu.vector_store %arg4[%swap3A_383, %swap3A_384], %add3A_382 {strides = array<i32>} : memref<64x2048xf32, #tpu.memory_space<vmem>>, vector<64x128xf32>,
    %get3A_386 = arith.constant 0 : index
    %get3A_387 = arith.constant 640 : index
    %get3A_388 = vector.load %arg6[%get3A_386, %get3A_387] : memref<1x2048xf32, #tpu.memory_space<vmem>>, vector<1x128xf32>
    %mul3A_389 = arith.mulf %get3A_388, %exp3A_372 : vector<1x128xf32>
    %mul3A_390 = arith.mulf %broadcast_in_dim3A_364, %exp3A_374 : vector<1x128xf32>
    %add3A_391 = arith.addf %mul3A_389, %mul3A_390 : vector<1x128xf32>
    %swap3A_392 = arith.constant 0 : index
    %swap3A_393 = arith.constant 640 : index
    %swap3A_394 = vector.load %arg6[%swap3A_392, %swap3A_393] : memref<1x2048xf32, #tpu.memory_space<vmem>>, vector<1x128xf32>
    tpu.vector_store %arg6[%swap3A_392, %swap3A_393], %add3A_391 {strides = array<i32>} : memref<1x2048xf32, #tpu.memory_space<vmem>>, vector<1x128xf32>,
    %swap3A_395 = arith.constant 0 : index
    %swap3A_396 = arith.constant 640 : index
    %swap3A_397 = vector.load %arg5[%swap3A_395, %swap3A_396] : memref<1x2048xf32, #tpu.memory_space<vmem>>, vector<1x128xf32>
    tpu.vector_store %arg5[%swap3A_395, %swap3A_396], %max3A_370 {strides = array<i32>} : memref<1x2048xf32, #tpu.memory_space<vmem>>, vector<1x128xf32>,
    %get3A_398 = arith.index_cast %rem3A_59 : i32 to index
    %get3A_399 = arith.constant 768 : index
    %get3A_400 = arith.constant 0 : index
    %get3A_401 = vector.load %arg1[%get3A_398, %get3A_399, %get3A_400] : memref<4x2048x64xf32, #tpu.memory_space<vmem>>, vector<1x128x64xf32>
    %get3A_402 = vector.shape_cast %get3A_401 : vector<1x128x64xf32> to vector<128x64xf32>
    %get3A_403 = arith.constant 3072 : index
    %get3A_404 = arith.constant 0 : index
    %get3A_405 = vector.load %arg2[%get3A_403, %get3A_404] : memref<8192x128xf32, #tpu.memory_space<vmem>>, vector<512x64xf32>
    %get3A_406 = arith.constant 3072 : index
    %get3A_407 = arith.constant 64 : index
    %get3A_408 = vector.load %arg2[%get3A_406, %get3A_407] : memref<8192x128xf32, #tpu.memory_space<vmem>>, vector<512x64xf32>
    %dot_general3A_409 = arith.constant dense<0.000000e+00> : vector<512x128xf32>
    %dot_general3A_410 = tpu.matmul %get3A_405, %get3A_402, %dot_general3A_409 {dimension_numbers = #tpu.dot_dimension_numbers<[1], [1], [0], [0], [0, 0, 1, 0], [], []>, transpose_lhs_hint = false} : vector<512x64xf32>, vector<128x64xf32>, vector<512x128xf32> -> vector<512x128xf32>
    %jit3A_411 = arith.constant 0xFF800000 : f32
    %broadcast_in_dim3A_412 = vector.broadcast %jit3A_411 : f32 to vector<512x128xf32>
    %select_n3A_413 = arith.select %eq3A_57, %dot_general3A_410, %broadcast_in_dim3A_412 : vector<512x128xi1>, vector<512x128xf32>
    %reduce_max3A_414 = arith.constant dense<0xFF800000> : vector<128xf32>
    %reduce_max3A_415 = vector.multi_reduction <maximumf>, %select_n3A_413, %reduce_max3A_414 [0] : vector<512x128xf32> to vector<128xf32>
    %broadcast_in_dim3A_416 = vector.shape_cast %reduce_max3A_415 : vector<128xf32> to vector<1x128xf32>
    %sub3A_417 = vector.broadcast %broadcast_in_dim3A_416 : vector<1x128xf32> to vector<512x128xf32>
    %sub3A_418 = arith.subf %select_n3A_413, %sub3A_417 : vector<512x128xf32>
    %exp3A_419 = math.exp %sub3A_418 : vector<512x128xf32>
    %reduce_sum3A_420 = arith.constant dense<0.000000e+00> : vector<128xf32>
    %reduce_sum3A_421 = vector.multi_reduction <add>, %exp3A_419, %reduce_sum3A_420 [0] : vector<512x128xf32> to vector<128xf32>
    %broadcast_in_dim3A_422 = vector.shape_cast %reduce_sum3A_421 : vector<128xf32> to vector<1x128xf32>
    %dot_general3A_423 = arith.constant dense<0.000000e+00> : vector<64x128xf32>
    %dot_general3A_424 = tpu.matmul %get3A_408, %exp3A_419, %dot_general3A_423 {dimension_numbers = #tpu.dot_dimension_numbers<[0], [0], [1], [1], [0, 1, 1, 1], [], []>, transpose_lhs_hint = false} : vector<512x64xf32>, vector<512x128xf32>, vector<64x128xf32> -> vector<64x128xf32>
    %get3A_425 = arith.constant 0 : index
    %get3A_426 = arith.constant 768 : index
    %get3A_427 = vector.load %arg5[%get3A_425, %get3A_426] : memref<1x2048xf32, #tpu.memory_space<vmem>>, vector<1x128xf32>
    %max3A_428 = arith.maximumf %get3A_427, %broadcast_in_dim3A_416 : vector<1x128xf32>
    %sub3A_429 = arith.subf %get3A_427, %max3A_428 : vector<1x128xf32>
    %exp3A_430 = math.exp %sub3A_429 : vector<1x128xf32>
    %sub3A_431 = arith.subf %broadcast_in_dim3A_416, %max3A_428 : vector<1x128xf32>
    %exp3A_432 = math.exp %sub3A_431 : vector<1x128xf32>
    %get3A_433 = arith.constant 0 : index
    %get3A_434 = arith.constant 768 : index
    %get3A_435 = vector.load %arg4[%get3A_433, %get3A_434] : memref<64x2048xf32, #tpu.memory_space<vmem>>, vector<64x128xf32>
    %mul3A_436 = vector.broadcast %exp3A_430 : vector<1x128xf32> to vector<64x128xf32>
    %mul3A_437 = arith.mulf %get3A_435, %mul3A_436 : vector<64x128xf32>
    %mul3A_438 = vector.broadcast %exp3A_432 : vector<1x128xf32> to vector<64x128xf32>
    %mul3A_439 = arith.mulf %dot_general3A_424, %mul3A_438 : vector<64x128xf32>
    %add3A_440 = arith.addf %mul3A_437, %mul3A_439 : vector<64x128xf32>
    %swap3A_441 = arith.constant 0 : index
    %swap3A_442 = arith.constant 768 : index
    %swap3A_443 = vector.load %arg4[%swap3A_441, %swap3A_442] : memref<64x2048xf32, #tpu.memory_space<vmem>>, vector<64x128xf32>
    tpu.vector_store %arg4[%swap3A_441, %swap3A_442], %add3A_440 {strides = array<i32>} : memref<64x2048xf32, #tpu.memory_space<vmem>>, vector<64x128xf32>,
    %get3A_444 = arith.constant 0 : index
    %get3A_445 = arith.constant 768 : index
    %get3A_446 = vector.load %arg6[%get3A_444, %get3A_445] : memref<1x2048xf32, #tpu.memory_space<vmem>>, vector<1x128xf32>
    %mul3A_447 = arith.mulf %get3A_446, %exp3A_430 : vector<1x128xf32>
    %mul3A_448 = arith.mulf %broadcast_in_dim3A_422, %exp3A_432 : vector<1x128xf32>
    %add3A_449 = arith.addf %mul3A_447, %mul3A_448 : vector<1x128xf32>
    %swap3A_450 = arith.constant 0 : index
    %swap3A_451 = arith.constant 768 : index
    %swap3A_452 = vector.load %arg6[%swap3A_450, %swap3A_451] : memref<1x2048xf32, #tpu.memory_space<vmem>>, vector<1x128xf32>
    tpu.vector_store %arg6[%swap3A_450, %swap3A_451], %add3A_449 {strides = array<i32>} : memref<1x2048xf32, #tpu.memory_space<vmem>>, vector<1x128xf32>,
    %swap3A_453 = arith.constant 0 : index
    %swap3A_454 = arith.constant 768 : index
    %swap3A_455 = vector.load %arg5[%swap3A_453, %swap3A_454] : memref<1x2048xf32, #tpu.memory_space<vmem>>, vector<1x128xf32>
    tpu.vector_store %arg5[%swap3A_453, %swap3A_454], %max3A_428 {strides = array<i32>} : memref<1x2048xf32, #tpu.memory_space<vmem>>, vector<1x128xf32>,
    %get3A_456 = arith.index_cast %rem3A_59 : i32 to index
    %get3A_457 = arith.constant 896 : index
    %get3A_458 = arith.constant 0 : index
    %get3A_459 = vector.load %arg1[%get3A_456, %get3A_457, %get3A_458] : memref<4x2048x64xf32, #tpu.memory_space<vmem>>, vector<1x128x64xf32>
    %get3A_460 = vector.shape_cast %get3A_459 : vector<1x128x64xf32> to vector<128x64xf32>
    %get3A_461 = arith.constant 3584 : index
    %get3A_462 = arith.constant 0 : index
    %get3A_463 = vector.load %arg2[%get3A_461, %get3A_462] : memref<8192x128xf32, #tpu.memory_space<vmem>>, vector<512x64xf32>
    %get3A_464 = arith.constant 3584 : index
    %get3A_465 = arith.constant 64 : index
    %get3A_466 = vector.load %arg2[%get3A_464, %get3A_465] : memref<8192x128xf32, #tpu.memory_space<vmem>>, vector<512x64xf32>
    %dot_general3A_467 = arith.constant dense<0.000000e+00> : vector<512x128xf32>
    %dot_general3A_468 = tpu.matmul %get3A_463, %get3A_460, %dot_general3A_467 {dimension_numbers = #tpu.dot_dimension_numbers<[1], [1], [0], [0], [0, 0, 1, 0], [], []>, transpose_lhs_hint = false} : vector<512x64xf32>, vector<128x64xf32>, vector<512x128xf32> -> vector<512x128xf32>
    %jit3A_469 = arith.constant 0xFF800000 : f32
    %broadcast_in_dim3A_470 = vector.broadcast %jit3A_469 : f32 to vector<512x128xf32>
    %select_n3A_471 = arith.select %eq3A_57, %dot_general3A_468, %broadcast_in_dim3A_470 : vector<512x128xi1>, vector<512x128xf32>
    %reduce_max3A_472 = arith.constant dense<0xFF800000> : vector<128xf32>
    %reduce_max3A_473 = vector.multi_reduction <maximumf>, %select_n3A_471, %reduce_max3A_472 [0] : vector<512x128xf32> to vector<128xf32>
    %broadcast_in_dim3A_474 = vector.shape_cast %reduce_max3A_473 : vector<128xf32> to vector<1x128xf32>
    %sub3A_475 = vector.broadcast %broadcast_in_dim3A_474 : vector<1x128xf32> to vector<512x128xf32>
    %sub3A_476 = arith.subf %select_n3A_471, %sub3A_475 : vector<512x128xf32>
    %exp3A_477 = math.exp %sub3A_476 : vector<512x128xf32>
    %reduce_sum3A_478 = arith.constant dense<0.000000e+00> : vector<128xf32>
    %reduce_sum3A_479 = vector.multi_reduction <add>, %exp3A_477, %reduce_sum3A_478 [0] : vector<512x128xf32> to vector<128xf32>
    %broadcast_in_dim3A_480 = vector.shape_cast %reduce_sum3A_479 : vector<128xf32> to vector<1x128xf32>
    %dot_general3A_481 = arith.constant dense<0.000000e+00> : vector<64x128xf32>
    %dot_general3A_482 = tpu.matmul %get3A_466, %exp3A_477, %dot_general3A_481 {dimension_numbers = #tpu.dot_dimension_numbers<[0], [0], [1], [1], [0, 1, 1, 1], [], []>, transpose_lhs_hint = false} : vector<512x64xf32>, vector<512x128xf32>, vector<64x128xf32> -> vector<64x128xf32>
    %get3A_483 = arith.constant 0 : index
    %get3A_484 = arith.constant 896 : index
    %get3A_485 = vector.load %arg5[%get3A_483, %get3A_484] : memref<1x2048xf32, #tpu.memory_space<vmem>>, vector<1x128xf32>
    %max3A_486 = arith.maximumf %get3A_485, %broadcast_in_dim3A_474 : vector<1x128xf32>
    %sub3A_487 = arith.subf %get3A_485, %max3A_486 : vector<1x128xf32>
    %exp3A_488 = math.exp %sub3A_487 : vector<1x128xf32>
    %sub3A_489 = arith.subf %broadcast_in_dim3A_474, %max3A_486 : vector<1x128xf32>
    %exp3A_490 = math.exp %sub3A_489 : vector<1x128xf32>
    %get3A_491 = arith.constant 0 : index
    %get3A_492 = arith.constant 896 : index
    %get3A_493 = vector.load %arg4[%get3A_491, %get3A_492] : memref<64x2048xf32, #tpu.memory_space<vmem>>, vector<64x128xf32>
    %mul3A_494 = vector.broadcast %exp3A_488 : vector<1x128xf32> to vector<64x128xf32>
    %mul3A_495 = arith.mulf %get3A_493, %mul3A_494 : vector<64x128xf32>
    %mul3A_496 = vector.broadcast %exp3A_490 : vector<1x128xf32> to vector<64x128xf32>
    %mul3A_497 = arith.mulf %dot_general3A_482, %mul3A_496 : vector<64x128xf32>
    %add3A_498 = arith.addf %mul3A_495, %mul3A_497 : vector<64x128xf32>
    %swap3A_499 = arith.constant 0 : index
    %swap3A_500 = arith.constant 896 : index
    %swap3A_501 = vector.load %arg4[%swap3A_499, %swap3A_500] : memref<64x2048xf32, #tpu.memory_space<vmem>>, vector<64x128xf32>
    tpu.vector_store %arg4[%swap3A_499, %swap3A_500], %add3A_498 {strides = array<i32>} : memref<64x2048xf32, #tpu.memory_space<vmem>>, vector<64x128xf32>,
    %get3A_502 = arith.constant 0 : index
    %get3A_503 = arith.constant 896 : index
    %get3A_504 = vector.load %arg6[%get3A_502, %get3A_503] : memref<1x2048xf32, #tpu.memory_space<vmem>>, vector<1x128xf32>
    %mul3A_505 = arith.mulf %get3A_504, %exp3A_488 : vector<1x128xf32>
    %mul3A_506 = arith.mulf %broadcast_in_dim3A_480, %exp3A_490 : vector<1x128xf32>
    %add3A_507 = arith.addf %mul3A_505, %mul3A_506 : vector<1x128xf32>
    %swap3A_508 = arith.constant 0 : index
    %swap3A_509 = arith.constant 896 : index
    %swap3A_510 = vector.load %arg6[%swap3A_508, %swap3A_509] : memref<1x2048xf32, #tpu.memory_space<vmem>>, vector<1x128xf32>
    tpu.vector_store %arg6[%swap3A_508, %swap3A_509], %add3A_507 {strides = array<i32>} : memref<1x2048xf32, #tpu.memory_space<vmem>>, vector<1x128xf32>,
    %swap3A_511 = arith.constant 0 : index
    %swap3A_512 = arith.constant 896 : index
    %swap3A_513 = vector.load %arg5[%swap3A_511, %swap3A_512] : memref<1x2048xf32, #tpu.memory_space<vmem>>, vector<1x128xf32>
    tpu.vector_store %arg5[%swap3A_511, %swap3A_512], %max3A_486 {strides = array<i32>} : memref<1x2048xf32, #tpu.memory_space<vmem>>, vector<1x128xf32>,
    %get3A_514 = arith.index_cast %rem3A_59 : i32 to index
    %get3A_515 = arith.constant 1024 : index
    %get3A_516 = arith.constant 0 : index
    %get3A_517 = vector.load %arg1[%get3A_514, %get3A_515, %get3A_516] : memref<4x2048x64xf32, #tpu.memory_space<vmem>>, vector<1x128x64xf32>
    %get3A_518 = vector.shape_cast %get3A_517 : vector<1x128x64xf32> to vector<128x64xf32>
    %get3A_519 = arith.constant 4096 : index
    %get3A_520 = arith.constant 0 : index
    %get3A_521 = vector.load %arg2[%get3A_519, %get3A_520] : memref<8192x128xf32, #tpu.memory_space<vmem>>, vector<512x64xf32>
    %get3A_522 = arith.constant 4096 : index
    %get3A_523 = arith.constant 64 : index
    %get3A_524 = vector.load %arg2[%get3A_522, %get3A_523] : memref<8192x128xf32, #tpu.memory_space<vmem>>, vector<512x64xf32>
    %dot_general3A_525 = arith.constant dense<0.000000e+00> : vector<512x128xf32>
    %dot_general3A_526 = tpu.matmul %get3A_521, %get3A_518, %dot_general3A_525 {dimension_numbers = #tpu.dot_dimension_numbers<[1], [1], [0], [0], [0, 0, 1, 0], [], []>, transpose_lhs_hint = false} : vector<512x64xf32>, vector<128x64xf32>, vector<512x128xf32> -> vector<512x128xf32>
    %jit3A_527 = arith.constant 0xFF800000 : f32
    %broadcast_in_dim3A_528 = vector.broadcast %jit3A_527 : f32 to vector<512x128xf32>
    %select_n3A_529 = arith.select %eq3A_57, %dot_general3A_526, %broadcast_in_dim3A_528 : vector<512x128xi1>, vector<512x128xf32>
    %reduce_max3A_530 = arith.constant dense<0xFF800000> : vector<128xf32>
    %reduce_max3A_531 = vector.multi_reduction <maximumf>, %select_n3A_529, %reduce_max3A_530 [0] : vector<512x128xf32> to vector<128xf32>
    %broadcast_in_dim3A_532 = vector.shape_cast %reduce_max3A_531 : vector<128xf32> to vector<1x128xf32>
    %sub3A_533 = vector.broadcast %broadcast_in_dim3A_532 : vector<1x128xf32> to vector<512x128xf32>
    %sub3A_534 = arith.subf %select_n3A_529, %sub3A_533 : vector<512x128xf32>
    %exp3A_535 = math.exp %sub3A_534 : vector<512x128xf32>
    %reduce_sum3A_536 = arith.constant dense<0.000000e+00> : vector<128xf32>
    %reduce_sum3A_537 = vector.multi_reduction <add>, %exp3A_535, %reduce_sum3A_536 [0] : vector<512x128xf32> to vector<128xf32>
    %broadcast_in_dim3A_538 = vector.shape_cast %reduce_sum3A_537 : vector<128xf32> to vector<1x128xf32>
    %dot_general3A_539 = arith.constant dense<0.000000e+00> : vector<64x128xf32>
    %dot_general3A_540 = tpu.matmul %get3A_524, %exp3A_535, %dot_general3A_539 {dimension_numbers = #tpu.dot_dimension_numbers<[0], [0], [1], [1], [0, 1, 1, 1], [], []>, transpose_lhs_hint = false} : vector<512x64xf32>, vector<512x128xf32>, vector<64x128xf32> -> vector<64x128xf32>
    %get3A_541 = arith.constant 0 : index
    %get3A_542 = arith.constant 1024 : index
    %get3A_543 = vector.load %arg5[%get3A_541, %get3A_542] : memref<1x2048xf32, #tpu.memory_space<vmem>>, vector<1x128xf32>
    %max3A_544 = arith.maximumf %get3A_543, %broadcast_in_dim3A_532 : vector<1x128xf32>
    %sub3A_545 = arith.subf %get3A_543, %max3A_544 : vector<1x128xf32>
    %exp3A_546 = math.exp %sub3A_545 : vector<1x128xf32>
    %sub3A_547 = arith.subf %broadcast_in_dim3A_532, %max3A_544 : vector<1x128xf32>
    %exp3A_548 = math.exp %sub3A_547 : vector<1x128xf32>
    %get3A_549 = arith.constant 0 : index
    %get3A_550 = arith.constant 1024 : index
    %get3A_551 = vector.load %arg4[%get3A_549, %get3A_550] : memref<64x2048xf32, #tpu.memory_space<vmem>>, vector<64x128xf32>
    %mul3A_552 = vector.broadcast %exp3A_546 : vector<1x128xf32> to vector<64x128xf32>
    %mul3A_553 = arith.mulf %get3A_551, %mul3A_552 : vector<64x128xf32>
    %mul3A_554 = vector.broadcast %exp3A_548 : vector<1x128xf32> to vector<64x128xf32>
    %mul3A_555 = arith.mulf %dot_general3A_540, %mul3A_554 : vector<64x128xf32>
    %add3A_556 = arith.addf %mul3A_553, %mul3A_555 : vector<64x128xf32>
    %swap3A_557 = arith.constant 0 : index
    %swap3A_558 = arith.constant 1024 : index
    %swap3A_559 = vector.load %arg4[%swap3A_557, %swap3A_558] : memref<64x2048xf32, #tpu.memory_space<vmem>>, vector<64x128xf32>
    tpu.vector_store %arg4[%swap3A_557, %swap3A_558], %add3A_556 {strides = array<i32>} : memref<64x2048xf32, #tpu.memory_space<vmem>>, vector<64x128xf32>,
    %get3A_560 = arith.constant 0 : index
    %get3A_561 = arith.constant 1024 : index
    %get3A_562 = vector.load %arg6[%get3A_560, %get3A_561] : memref<1x2048xf32, #tpu.memory_space<vmem>>, vector<1x128xf32>
    %mul3A_563 = arith.mulf %get3A_562, %exp3A_546 : vector<1x128xf32>
    %mul3A_564 = arith.mulf %broadcast_in_dim3A_538, %exp3A_548 : vector<1x128xf32>
    %add3A_565 = arith.addf %mul3A_563, %mul3A_564 : vector<1x128xf32>
    %swap3A_566 = arith.constant 0 : index
    %swap3A_567 = arith.constant 1024 : index
    %swap3A_568 = vector.load %arg6[%swap3A_566, %swap3A_567] : memref<1x2048xf32, #tpu.memory_space<vmem>>, vector<1x128xf32>
    tpu.vector_store %arg6[%swap3A_566, %swap3A_567], %add3A_565 {strides = array<i32>} : memref<1x2048xf32, #tpu.memory_space<vmem>>, vector<1x128xf32>,
    %swap3A_569 = arith.constant 0 : index
    %swap3A_570 = arith.constant 1024 : index
    %swap3A_571 = vector.load %arg5[%swap3A_569, %swap3A_570] : memref<1x2048xf32, #tpu.memory_space<vmem>>, vector<1x128xf32>
    tpu.vector_store %arg5[%swap3A_569, %swap3A_570], %max3A_544 {strides = array<i32>} : memref<1x2048xf32, #tpu.memory_space<vmem>>, vector<1x128xf32>,
    %get3A_572 = arith.index_cast %rem3A_59 : i32 to index
    %get3A_573 = arith.constant 1152 : index
    %get3A_574 = arith.constant 0 : index
    %get3A_575 = vector.load %arg1[%get3A_572, %get3A_573, %get3A_574] : memref<4x2048x64xf32, #tpu.memory_space<vmem>>, vector<1x128x64xf32>
    %get3A_576 = vector.shape_cast %get3A_575 : vector<1x128x64xf32> to vector<128x64xf32>
    %get3A_577 = arith.constant 4608 : index
    %get3A_578 = arith.constant 0 : index
    %get3A_579 = vector.load %arg2[%get3A_577, %get3A_578] : memref<8192x128xf32, #tpu.memory_space<vmem>>, vector<512x64xf32>
    %get3A_580 = arith.constant 4608 : index
    %get3A_581 = arith.constant 64 : index
    %get3A_582 = vector.load %arg2[%get3A_580, %get3A_581] : memref<8192x128xf32, #tpu.memory_space<vmem>>, vector<512x64xf32>
    %dot_general3A_583 = arith.constant dense<0.000000e+00> : vector<512x128xf32>
    %dot_general3A_584 = tpu.matmul %get3A_579, %get3A_576, %dot_general3A_583 {dimension_numbers = #tpu.dot_dimension_numbers<[1], [1], [0], [0], [0, 0, 1, 0], [], []>, transpose_lhs_hint = false} : vector<512x64xf32>, vector<128x64xf32>, vector<512x128xf32> -> vector<512x128xf32>
    %jit3A_585 = arith.constant 0xFF800000 : f32
    %broadcast_in_dim3A_586 = vector.broadcast %jit3A_585 : f32 to vector<512x128xf32>
    %select_n3A_587 = arith.select %eq3A_57, %dot_general3A_584, %broadcast_in_dim3A_586 : vector<512x128xi1>, vector<512x128xf32>
    %reduce_max3A_588 = arith.constant dense<0xFF800000> : vector<128xf32>
    %reduce_max3A_589 = vector.multi_reduction <maximumf>, %select_n3A_587, %reduce_max3A_588 [0] : vector<512x128xf32> to vector<128xf32>
    %broadcast_in_dim3A_590 = vector.shape_cast %reduce_max3A_589 : vector<128xf32> to vector<1x128xf32>
    %sub3A_591 = vector.broadcast %broadcast_in_dim3A_590 : vector<1x128xf32> to vector<512x128xf32>
    %sub3A_592 = arith.subf %select_n3A_587, %sub3A_591 : vector<512x128xf32>
    %exp3A_593 = math.exp %sub3A_592 : vector<512x128xf32>
    %reduce_sum3A_594 = arith.constant dense<0.000000e+00> : vector<128xf32>
    %reduce_sum3A_595 = vector.multi_reduction <add>, %exp3A_593, %reduce_sum3A_594 [0] : vector<512x128xf32> to vector<128xf32>
    %broadcast_in_dim3A_596 = vector.shape_cast %reduce_sum3A_595 : vector<128xf32> to vector<1x128xf32>
    %dot_general3A_597 = arith.constant dense<0.000000e+00> : vector<64x128xf32>
    %dot_general3A_598 = tpu.matmul %get3A_582, %exp3A_593, %dot_general3A_597 {dimension_numbers = #tpu.dot_dimension_numbers<[0], [0], [1], [1], [0, 1, 1, 1], [], []>, transpose_lhs_hint = false} : vector<512x64xf32>, vector<512x128xf32>, vector<64x128xf32> -> vector<64x128xf32>
    %get3A_599 = arith.constant 0 : index
    %get3A_600 = arith.constant 1152 : index
    %get3A_601 = vector.load %arg5[%get3A_599, %get3A_600] : memref<1x2048xf32, #tpu.memory_space<vmem>>, vector<1x128xf32>
    %max3A_602 = arith.maximumf %get3A_601, %broadcast_in_dim3A_590 : vector<1x128xf32>
    %sub3A_603 = arith.subf %get3A_601, %max3A_602 : vector<1x128xf32>
    %exp3A_604 = math.exp %sub3A_603 : vector<1x128xf32>
    %sub3A_605 = arith.subf %broadcast_in_dim3A_590, %max3A_602 : vector<1x128xf32>
    %exp3A_606 = math.exp %sub3A_605 : vector<1x128xf32>
    %get3A_607 = arith.constant 0 : index
    %get3A_608 = arith.constant 1152 : index
    %get3A_609 = vector.load %arg4[%get3A_607, %get3A_608] : memref<64x2048xf32, #tpu.memory_space<vmem>>, vector<64x128xf32>
    %mul3A_610 = vector.broadcast %exp3A_604 : vector<1x128xf32> to vector<64x128xf32>
    %mul3A_611 = arith.mulf %get3A_609, %mul3A_610 : vector<64x128xf32>
    %mul3A_612 = vector.broadcast %exp3A_606 : vector<1x128xf32> to vector<64x128xf32>
    %mul3A_613 = arith.mulf %dot_general3A_598, %mul3A_612 : vector<64x128xf32>
    %add3A_614 = arith.addf %mul3A_611, %mul3A_613 : vector<64x128xf32>
    %swap3A_615 = arith.constant 0 : index
    %swap3A_616 = arith.constant 1152 : index
    %swap3A_617 = vector.load %arg4[%swap3A_615, %swap3A_616] : memref<64x2048xf32, #tpu.memory_space<vmem>>, vector<64x128xf32>
    tpu.vector_store %arg4[%swap3A_615, %swap3A_616], %add3A_614 {strides = array<i32>} : memref<64x2048xf32, #tpu.memory_space<vmem>>, vector<64x128xf32>,
    %get3A_618 = arith.constant 0 : index
    %get3A_619 = arith.constant 1152 : index
    %get3A_620 = vector.load %arg6[%get3A_618, %get3A_619] : memref<1x2048xf32, #tpu.memory_space<vmem>>, vector<1x128xf32>
    %mul3A_621 = arith.mulf %get3A_620, %exp3A_604 : vector<1x128xf32>
    %mul3A_622 = arith.mulf %broadcast_in_dim3A_596, %exp3A_606 : vector<1x128xf32>
    %add3A_623 = arith.addf %mul3A_621, %mul3A_622 : vector<1x128xf32>
    %swap3A_624 = arith.constant 0 : index
    %swap3A_625 = arith.constant 1152 : index
    %swap3A_626 = vector.load %arg6[%swap3A_624, %swap3A_625] : memref<1x2048xf32, #tpu.memory_space<vmem>>, vector<1x128xf32>
    tpu.vector_store %arg6[%swap3A_624, %swap3A_625], %add3A_623 {strides = array<i32>} : memref<1x2048xf32, #tpu.memory_space<vmem>>, vector<1x128xf32>,
    %swap3A_627 = arith.constant 0 : index
    %swap3A_628 = arith.constant 1152 : index
    %swap3A_629 = vector.load %arg5[%swap3A_627, %swap3A_628] : memref<1x2048xf32, #tpu.memory_space<vmem>>, vector<1x128xf32>
    tpu.vector_store %arg5[%swap3A_627, %swap3A_628], %max3A_602 {strides = array<i32>} : memref<1x2048xf32, #tpu.memory_space<vmem>>, vector<1x128xf32>,
    %get3A_630 = arith.index_cast %rem3A_59 : i32 to index
    %get3A_631 = arith.constant 1280 : index
    %get3A_632 = arith.constant 0 : index
    %get3A_633 = vector.load %arg1[%get3A_630, %get3A_631, %get3A_632] : memref<4x2048x64xf32, #tpu.memory_space<vmem>>, vector<1x128x64xf32>
    %get3A_634 = vector.shape_cast %get3A_633 : vector<1x128x64xf32> to vector<128x64xf32>
    %get3A_635 = arith.constant 5120 : index
    %get3A_636 = arith.constant 0 : index
    %get3A_637 = vector.load %arg2[%get3A_635, %get3A_636] : memref<8192x128xf32, #tpu.memory_space<vmem>>, vector<512x64xf32>
    %get3A_638 = arith.constant 5120 : index
    %get3A_639 = arith.constant 64 : index
    %get3A_640 = vector.load %arg2[%get3A_638, %get3A_639] : memref<8192x128xf32, #tpu.memory_space<vmem>>, vector<512x64xf32>
    %dot_general3A_641 = arith.constant dense<0.000000e+00> : vector<512x128xf32>
    %dot_general3A_642 = tpu.matmul %get3A_637, %get3A_634, %dot_general3A_641 {dimension_numbers = #tpu.dot_dimension_numbers<[1], [1], [0], [0], [0, 0, 1, 0], [], []>, transpose_lhs_hint = false} : vector<512x64xf32>, vector<128x64xf32>, vector<512x128xf32> -> vector<512x128xf32>
    %jit3A_643 = arith.constant 0xFF800000 : f32
    %broadcast_in_dim3A_644 = vector.broadcast %jit3A_643 : f32 to vector<512x128xf32>
    %select_n3A_645 = arith.select %eq3A_57, %dot_general3A_642, %broadcast_in_dim3A_644 : vector<512x128xi1>, vector<512x128xf32>
    %reduce_max3A_646 = arith.constant dense<0xFF800000> : vector<128xf32>
    %reduce_max3A_647 = vector.multi_reduction <maximumf>, %select_n3A_645, %reduce_max3A_646 [0] : vector<512x128xf32> to vector<128xf32>
    %broadcast_in_dim3A_648 = vector.shape_cast %reduce_max3A_647 : vector<128xf32> to vector<1x128xf32>
    %sub3A_649 = vector.broadcast %broadcast_in_dim3A_648 : vector<1x128xf32> to vector<512x128xf32>
    %sub3A_650 = arith.subf %select_n3A_645, %sub3A_649 : vector<512x128xf32>
    %exp3A_651 = math.exp %sub3A_650 : vector<512x128xf32>
    %reduce_sum3A_652 = arith.constant dense<0.000000e+00> : vector<128xf32>
    %reduce_sum3A_653 = vector.multi_reduction <add>, %exp3A_651, %reduce_sum3A_652 [0] : vector<512x128xf32> to vector<128xf32>
    %broadcast_in_dim3A_654 = vector.shape_cast %reduce_sum3A_653 : vector<128xf32> to vector<1x128xf32>
    %dot_general3A_655 = arith.constant dense<0.000000e+00> : vector<64x128xf32>
    %dot_general3A_656 = tpu.matmul %get3A_640, %exp3A_651, %dot_general3A_655 {dimension_numbers = #tpu.dot_dimension_numbers<[0], [0], [1], [1], [0, 1, 1, 1], [], []>, transpose_lhs_hint = false} : vector<512x64xf32>, vector<512x128xf32>, vector<64x128xf32> -> vector<64x128xf32>
    %get3A_657 = arith.constant 0 : index
    %get3A_658 = arith.constant 1280 : index
    %get3A_659 = vector.load %arg5[%get3A_657, %get3A_658] : memref<1x2048xf32, #tpu.memory_space<vmem>>, vector<1x128xf32>
    %max3A_660 = arith.maximumf %get3A_659, %broadcast_in_dim3A_648 : vector<1x128xf32>
    %sub3A_661 = arith.subf %get3A_659, %max3A_660 : vector<1x128xf32>
    %exp3A_662 = math.exp %sub3A_661 : vector<1x128xf32>
    %sub3A_663 = arith.subf %broadcast_in_dim3A_648, %max3A_660 : vector<1x128xf32>
    %exp3A_664 = math.exp %sub3A_663 : vector<1x128xf32>
    %get3A_665 = arith.constant 0 : index
    %get3A_666 = arith.constant 1280 : index
    %get3A_667 = vector.load %arg4[%get3A_665, %get3A_666] : memref<64x2048xf32, #tpu.memory_space<vmem>>, vector<64x128xf32>
    %mul3A_668 = vector.broadcast %exp3A_662 : vector<1x128xf32> to vector<64x128xf32>
    %mul3A_669 = arith.mulf %get3A_667, %mul3A_668 : vector<64x128xf32>
    %mul3A_670 = vector.broadcast %exp3A_664 : vector<1x128xf32> to vector<64x128xf32>
    %mul3A_671 = arith.mulf %dot_general3A_656, %mul3A_670 : vector<64x128xf32>
    %add3A_672 = arith.addf %mul3A_669, %mul3A_671 : vector<64x128xf32>
    %swap3A_673 = arith.constant 0 : index
    %swap3A_674 = arith.constant 1280 : index
    %swap3A_675 = vector.load %arg4[%swap3A_673, %swap3A_674] : memref<64x2048xf32, #tpu.memory_space<vmem>>, vector<64x128xf32>
    tpu.vector_store %arg4[%swap3A_673, %swap3A_674], %add3A_672 {strides = array<i32>} : memref<64x2048xf32, #tpu.memory_space<vmem>>, vector<64x128xf32>,
    %get3A_676 = arith.constant 0 : index
    %get3A_677 = arith.constant 1280 : index
    %get3A_678 = vector.load %arg6[%get3A_676, %get3A_677] : memref<1x2048xf32, #tpu.memory_space<vmem>>, vector<1x128xf32>
    %mul3A_679 = arith.mulf %get3A_678, %exp3A_662 : vector<1x128xf32>
    %mul3A_680 = arith.mulf %broadcast_in_dim3A_654, %exp3A_664 : vector<1x128xf32>
    %add3A_681 = arith.addf %mul3A_679, %mul3A_680 : vector<1x128xf32>
    %swap3A_682 = arith.constant 0 : index
    %swap3A_683 = arith.constant 1280 : index
    %swap3A_684 = vector.load %arg6[%swap3A_682, %swap3A_683] : memref<1x2048xf32, #tpu.memory_space<vmem>>, vector<1x128xf32>
    tpu.vector_store %arg6[%swap3A_682, %swap3A_683], %add3A_681 {strides = array<i32>} : memref<1x2048xf32, #tpu.memory_space<vmem>>, vector<1x128xf32>,
    %swap3A_685 = arith.constant 0 : index
    %swap3A_686 = arith.constant 1280 : index
    %swap3A_687 = vector.load %arg5[%swap3A_685, %swap3A_686] : memref<1x2048xf32, #tpu.memory_space<vmem>>, vector<1x128xf32>
    tpu.vector_store %arg5[%swap3A_685, %swap3A_686], %max3A_660 {strides = array<i32>} : memref<1x2048xf32, #tpu.memory_space<vmem>>, vector<1x128xf32>,
    %get3A_688 = arith.index_cast %rem3A_59 : i32 to index
    %get3A_689 = arith.constant 1408 : index
    %get3A_690 = arith.constant 0 : index
    %get3A_691 = vector.load %arg1[%get3A_688, %get3A_689, %get3A_690] : memref<4x2048x64xf32, #tpu.memory_space<vmem>>, vector<1x128x64xf32>
    %get3A_692 = vector.shape_cast %get3A_691 : vector<1x128x64xf32> to vector<128x64xf32>
    %get3A_693 = arith.constant 5632 : index
    %get3A_694 = arith.constant 0 : index
    %get3A_695 = vector.load %arg2[%get3A_693, %get3A_694] : memref<8192x128xf32, #tpu.memory_space<vmem>>, vector<512x64xf32>
    %get3A_696 = arith.constant 5632 : index
    %get3A_697 = arith.constant 64 : index
    %get3A_698 = vector.load %arg2[%get3A_696, %get3A_697] : memref<8192x128xf32, #tpu.memory_space<vmem>>, vector<512x64xf32>
    %dot_general3A_699 = arith.constant dense<0.000000e+00> : vector<512x128xf32>
    %dot_general3A_700 = tpu.matmul %get3A_695, %get3A_692, %dot_general3A_699 {dimension_numbers = #tpu.dot_dimension_numbers<[1], [1], [0], [0], [0, 0, 1, 0], [], []>, transpose_lhs_hint = false} : vector<512x64xf32>, vector<128x64xf32>, vector<512x128xf32> -> vector<512x128xf32>
    %jit3A_701 = arith.constant 0xFF800000 : f32
    %broadcast_in_dim3A_702 = vector.broadcast %jit3A_701 : f32 to vector<512x128xf32>
    %select_n3A_703 = arith.select %eq3A_57, %dot_general3A_700, %broadcast_in_dim3A_702 : vector<512x128xi1>, vector<512x128xf32>
    %reduce_max3A_704 = arith.constant dense<0xFF800000> : vector<128xf32>
    %reduce_max3A_705 = vector.multi_reduction <maximumf>, %select_n3A_703, %reduce_max3A_704 [0] : vector<512x128xf32> to vector<128xf32>
    %broadcast_in_dim3A_706 = vector.shape_cast %reduce_max3A_705 : vector<128xf32> to vector<1x128xf32>
    %sub3A_707 = vector.broadcast %broadcast_in_dim3A_706 : vector<1x128xf32> to vector<512x128xf32>
    %sub3A_708 = arith.subf %select_n3A_703, %sub3A_707 : vector<512x128xf32>
    %exp3A_709 = math.exp %sub3A_708 : vector<512x128xf32>
    %reduce_sum3A_710 = arith.constant dense<0.000000e+00> : vector<128xf32>
    %reduce_sum3A_711 = vector.multi_reduction <add>, %exp3A_709, %reduce_sum3A_710 [0] : vector<512x128xf32> to vector<128xf32>
    %broadcast_in_dim3A_712 = vector.shape_cast %reduce_sum3A_711 : vector<128xf32> to vector<1x128xf32>
    %dot_general3A_713 = arith.constant dense<0.000000e+00> : vector<64x128xf32>
    %dot_general3A_714 = tpu.matmul %get3A_698, %exp3A_709, %dot_general3A_713 {dimension_numbers = #tpu.dot_dimension_numbers<[0], [0], [1], [1], [0, 1, 1, 1], [], []>, transpose_lhs_hint = false} : vector<512x64xf32>, vector<512x128xf32>, vector<64x128xf32> -> vector<64x128xf32>
    %get3A_715 = arith.constant 0 : index
    %get3A_716 = arith.constant 1408 : index
    %get3A_717 = vector.load %arg5[%get3A_715, %get3A_716] : memref<1x2048xf32, #tpu.memory_space<vmem>>, vector<1x128xf32>
    %max3A_718 = arith.maximumf %get3A_717, %broadcast_in_dim3A_706 : vector<1x128xf32>
    %sub3A_719 = arith.subf %get3A_717, %max3A_718 : vector<1x128xf32>
    %exp3A_720 = math.exp %sub3A_719 : vector<1x128xf32>
    %sub3A_721 = arith.subf %broadcast_in_dim3A_706, %max3A_718 : vector<1x128xf32>
    %exp3A_722 = math.exp %sub3A_721 : vector<1x128xf32>
    %get3A_723 = arith.constant 0 : index
    %get3A_724 = arith.constant 1408 : index
    %get3A_725 = vector.load %arg4[%get3A_723, %get3A_724] : memref<64x2048xf32, #tpu.memory_space<vmem>>, vector<64x128xf32>
    %mul3A_726 = vector.broadcast %exp3A_720 : vector<1x128xf32> to vector<64x128xf32>
    %mul3A_727 = arith.mulf %get3A_725, %mul3A_726 : vector<64x128xf32>
    %mul3A_728 = vector.broadcast %exp3A_722 : vector<1x128xf32> to vector<64x128xf32>
    %mul3A_729 = arith.mulf %dot_general3A_714, %mul3A_728 : vector<64x128xf32>
    %add3A_730 = arith.addf %mul3A_727, %mul3A_729 : vector<64x128xf32>
    %swap3A_731 = arith.constant 0 : index
    %swap3A_732 = arith.constant 1408 : index
    %swap3A_733 = vector.load %arg4[%swap3A_731, %swap3A_732] : memref<64x2048xf32, #tpu.memory_space<vmem>>, vector<64x128xf32>
    tpu.vector_store %arg4[%swap3A_731, %swap3A_732], %add3A_730 {strides = array<i32>} : memref<64x2048xf32, #tpu.memory_space<vmem>>, vector<64x128xf32>,
    %get3A_734 = arith.constant 0 : index
    %get3A_735 = arith.constant 1408 : index
    %get3A_736 = vector.load %arg6[%get3A_734, %get3A_735] : memref<1x2048xf32, #tpu.memory_space<vmem>>, vector<1x128xf32>
    %mul3A_737 = arith.mulf %get3A_736, %exp3A_720 : vector<1x128xf32>
    %mul3A_738 = arith.mulf %broadcast_in_dim3A_712, %exp3A_722 : vector<1x128xf32>
    %add3A_739 = arith.addf %mul3A_737, %mul3A_738 : vector<1x128xf32>
    %swap3A_740 = arith.constant 0 : index
    %swap3A_741 = arith.constant 1408 : index
    %swap3A_742 = vector.load %arg6[%swap3A_740, %swap3A_741] : memref<1x2048xf32, #tpu.memory_space<vmem>>, vector<1x128xf32>
    tpu.vector_store %arg6[%swap3A_740, %swap3A_741], %add3A_739 {strides = array<i32>} : memref<1x2048xf32, #tpu.memory_space<vmem>>, vector<1x128xf32>,
    %swap3A_743 = arith.constant 0 : index
    %swap3A_744 = arith.constant 1408 : index
    %swap3A_745 = vector.load %arg5[%swap3A_743, %swap3A_744] : memref<1x2048xf32, #tpu.memory_space<vmem>>, vector<1x128xf32>
    tpu.vector_store %arg5[%swap3A_743, %swap3A_744], %max3A_718 {strides = array<i32>} : memref<1x2048xf32, #tpu.memory_space<vmem>>, vector<1x128xf32>,
    %get3A_746 = arith.index_cast %rem3A_59 : i32 to index
    %get3A_747 = arith.constant 1536 : index
    %get3A_748 = arith.constant 0 : index
    %get3A_749 = vector.load %arg1[%get3A_746, %get3A_747, %get3A_748] : memref<4x2048x64xf32, #tpu.memory_space<vmem>>, vector<1x128x64xf32>
    %get3A_750 = vector.shape_cast %get3A_749 : vector<1x128x64xf32> to vector<128x64xf32>
    %get3A_751 = arith.constant 6144 : index
    %get3A_752 = arith.constant 0 : index
    %get3A_753 = vector.load %arg2[%get3A_751, %get3A_752] : memref<8192x128xf32, #tpu.memory_space<vmem>>, vector<512x64xf32>
    %get3A_754 = arith.constant 6144 : index
    %get3A_755 = arith.constant 64 : index
    %get3A_756 = vector.load %arg2[%get3A_754, %get3A_755] : memref<8192x128xf32, #tpu.memory_space<vmem>>, vector<512x64xf32>
    %dot_general3A_757 = arith.constant dense<0.000000e+00> : vector<512x128xf32>
    %dot_general3A_758 = tpu.matmul %get3A_753, %get3A_750, %dot_general3A_757 {dimension_numbers = #tpu.dot_dimension_numbers<[1], [1], [0], [0], [0, 0, 1, 0], [], []>, transpose_lhs_hint = false} : vector<512x64xf32>, vector<128x64xf32>, vector<512x128xf32> -> vector<512x128xf32>
    %jit3A_759 = arith.constant 0xFF800000 : f32
    %broadcast_in_dim3A_760 = vector.broadcast %jit3A_759 : f32 to vector<512x128xf32>
    %select_n3A_761 = arith.select %eq3A_57, %dot_general3A_758, %broadcast_in_dim3A_760 : vector<512x128xi1>, vector<512x128xf32>
    %reduce_max3A_762 = arith.constant dense<0xFF800000> : vector<128xf32>
    %reduce_max3A_763 = vector.multi_reduction <maximumf>, %select_n3A_761, %reduce_max3A_762 [0] : vector<512x128xf32> to vector<128xf32>
    %broadcast_in_dim3A_764 = vector.shape_cast %reduce_max3A_763 : vector<128xf32> to vector<1x128xf32>
    %sub3A_765 = vector.broadcast %broadcast_in_dim3A_764 : vector<1x128xf32> to vector<512x128xf32>
    %sub3A_766 = arith.subf %select_n3A_761, %sub3A_765 : vector<512x128xf32>
    %exp3A_767 = math.exp %sub3A_766 : vector<512x128xf32>
    %reduce_sum3A_768 = arith.constant dense<0.000000e+00> : vector<128xf32>
    %reduce_sum3A_769 = vector.multi_reduction <add>, %exp3A_767, %reduce_sum3A_768 [0] : vector<512x128xf32> to vector<128xf32>
    %broadcast_in_dim3A_770 = vector.shape_cast %reduce_sum3A_769 : vector<128xf32> to vector<1x128xf32>
    %dot_general3A_771 = arith.constant dense<0.000000e+00> : vector<64x128xf32>
    %dot_general3A_772 = tpu.matmul %get3A_756, %exp3A_767, %dot_general3A_771 {dimension_numbers = #tpu.dot_dimension_numbers<[0], [0], [1], [1], [0, 1, 1, 1], [], []>, transpose_lhs_hint = false} : vector<512x64xf32>, vector<512x128xf32>, vector<64x128xf32> -> vector<64x128xf32>
    %get3A_773 = arith.constant 0 : index
    %get3A_774 = arith.constant 1536 : index
    %get3A_775 = vector.load %arg5[%get3A_773, %get3A_774] : memref<1x2048xf32, #tpu.memory_space<vmem>>, vector<1x128xf32>
    %max3A_776 = arith.maximumf %get3A_775, %broadcast_in_dim3A_764 : vector<1x128xf32>
    %sub3A_777 = arith.subf %get3A_775, %max3A_776 : vector<1x128xf32>
    %exp3A_778 = math.exp %sub3A_777 : vector<1x128xf32>
    %sub3A_779 = arith.subf %broadcast_in_dim3A_764, %max3A_776 : vector<1x128xf32>
    %exp3A_780 = math.exp %sub3A_779 : vector<1x128xf32>
    %get3A_781 = arith.constant 0 : index
    %get3A_782 = arith.constant 1536 : index
    %get3A_783 = vector.load %arg4[%get3A_781, %get3A_782] : memref<64x2048xf32, #tpu.memory_space<vmem>>, vector<64x128xf32>
    %mul3A_784 = vector.broadcast %exp3A_778 : vector<1x128xf32> to vector<64x128xf32>
    %mul3A_785 = arith.mulf %get3A_783, %mul3A_784 : vector<64x128xf32>
    %mul3A_786 = vector.broadcast %exp3A_780 : vector<1x128xf32> to vector<64x128xf32>
    %mul3A_787 = arith.mulf %dot_general3A_772, %mul3A_786 : vector<64x128xf32>
    %add3A_788 = arith.addf %mul3A_785, %mul3A_787 : vector<64x128xf32>
    %swap3A_789 = arith.constant 0 : index
    %swap3A_790 = arith.constant 1536 : index
    %swap3A_791 = vector.load %arg4[%swap3A_789, %swap3A_790] : memref<64x2048xf32, #tpu.memory_space<vmem>>, vector<64x128xf32>
    tpu.vector_store %arg4[%swap3A_789, %swap3A_790], %add3A_788 {strides = array<i32>} : memref<64x2048xf32, #tpu.memory_space<vmem>>, vector<64x128xf32>,
    %get3A_792 = arith.constant 0 : index
    %get3A_793 = arith.constant 1536 : index
    %get3A_794 = vector.load %arg6[%get3A_792, %get3A_793] : memref<1x2048xf32, #tpu.memory_space<vmem>>, vector<1x128xf32>
    %mul3A_795 = arith.mulf %get3A_794, %exp3A_778 : vector<1x128xf32>
    %mul3A_796 = arith.mulf %broadcast_in_dim3A_770, %exp3A_780 : vector<1x128xf32>
    %add3A_797 = arith.addf %mul3A_795, %mul3A_796 : vector<1x128xf32>
    %swap3A_798 = arith.constant 0 : index
    %swap3A_799 = arith.constant 1536 : index
    %swap3A_800 = vector.load %arg6[%swap3A_798, %swap3A_799] : memref<1x2048xf32, #tpu.memory_space<vmem>>, vector<1x128xf32>
    tpu.vector_store %arg6[%swap3A_798, %swap3A_799], %add3A_797 {strides = array<i32>} : memref<1x2048xf32, #tpu.memory_space<vmem>>, vector<1x128xf32>,
    %swap3A_801 = arith.constant 0 : index
    %swap3A_802 = arith.constant 1536 : index
    %swap3A_803 = vector.load %arg5[%swap3A_801, %swap3A_802] : memref<1x2048xf32, #tpu.memory_space<vmem>>, vector<1x128xf32>
    tpu.vector_store %arg5[%swap3A_801, %swap3A_802], %max3A_776 {strides = array<i32>} : memref<1x2048xf32, #tpu.memory_space<vmem>>, vector<1x128xf32>,
    %get3A_804 = arith.index_cast %rem3A_59 : i32 to index
    %get3A_805 = arith.constant 1664 : index
    %get3A_806 = arith.constant 0 : index
    %get3A_807 = vector.load %arg1[%get3A_804, %get3A_805, %get3A_806] : memref<4x2048x64xf32, #tpu.memory_space<vmem>>, vector<1x128x64xf32>
    %get3A_808 = vector.shape_cast %get3A_807 : vector<1x128x64xf32> to vector<128x64xf32>
    %get3A_809 = arith.constant 6656 : index
    %get3A_810 = arith.constant 0 : index
    %get3A_811 = vector.load %arg2[%get3A_809, %get3A_810] : memref<8192x128xf32, #tpu.memory_space<vmem>>, vector<512x64xf32>
    %get3A_812 = arith.constant 6656 : index
    %get3A_813 = arith.constant 64 : index
    %get3A_814 = vector.load %arg2[%get3A_812, %get3A_813] : memref<8192x128xf32, #tpu.memory_space<vmem>>, vector<512x64xf32>
    %dot_general3A_815 = arith.constant dense<0.000000e+00> : vector<512x128xf32>
    %dot_general3A_816 = tpu.matmul %get3A_811, %get3A_808, %dot_general3A_815 {dimension_numbers = #tpu.dot_dimension_numbers<[1], [1], [0], [0], [0, 0, 1, 0], [], []>, transpose_lhs_hint = false} : vector<512x64xf32>, vector<128x64xf32>, vector<512x128xf32> -> vector<512x128xf32>
    %jit3A_817 = arith.constant 0xFF800000 : f32
    %broadcast_in_dim3A_818 = vector.broadcast %jit3A_817 : f32 to vector<512x128xf32>
    %select_n3A_819 = arith.select %eq3A_57, %dot_general3A_816, %broadcast_in_dim3A_818 : vector<512x128xi1>, vector<512x128xf32>
    %reduce_max3A_820 = arith.constant dense<0xFF800000> : vector<128xf32>
    %reduce_max3A_821 = vector.multi_reduction <maximumf>, %select_n3A_819, %reduce_max3A_820 [0] : vector<512x128xf32> to vector<128xf32>
    %broadcast_in_dim3A_822 = vector.shape_cast %reduce_max3A_821 : vector<128xf32> to vector<1x128xf32>
    %sub3A_823 = vector.broadcast %broadcast_in_dim3A_822 : vector<1x128xf32> to vector<512x128xf32>
    %sub3A_824 = arith.subf %select_n3A_819, %sub3A_823 : vector<512x128xf32>
    %exp3A_825 = math.exp %sub3A_824 : vector<512x128xf32>
    %reduce_sum3A_826 = arith.constant dense<0.000000e+00> : vector<128xf32>
    %reduce_sum3A_827 = vector.multi_reduction <add>, %exp3A_825, %reduce_sum3A_826 [0] : vector<512x128xf32> to vector<128xf32>
    %broadcast_in_dim3A_828 = vector.shape_cast %reduce_sum3A_827 : vector<128xf32> to vector<1x128xf32>
    %dot_general3A_829 = arith.constant dense<0.000000e+00> : vector<64x128xf32>
    %dot_general3A_830 = tpu.matmul %get3A_814, %exp3A_825, %dot_general3A_829 {dimension_numbers = #tpu.dot_dimension_numbers<[0], [0], [1], [1], [0, 1, 1, 1], [], []>, transpose_lhs_hint = false} : vector<512x64xf32>, vector<512x128xf32>, vector<64x128xf32> -> vector<64x128xf32>
    %get3A_831 = arith.constant 0 : index
    %get3A_832 = arith.constant 1664 : index
    %get3A_833 = vector.load %arg5[%get3A_831, %get3A_832] : memref<1x2048xf32, #tpu.memory_space<vmem>>, vector<1x128xf32>
    %max3A_834 = arith.maximumf %get3A_833, %broadcast_in_dim3A_822 : vector<1x128xf32>
    %sub3A_835 = arith.subf %get3A_833, %max3A_834 : vector<1x128xf32>
    %exp3A_836 = math.exp %sub3A_835 : vector<1x128xf32>
    %sub3A_837 = arith.subf %broadcast_in_dim3A_822, %max3A_834 : vector<1x128xf32>
    %exp3A_838 = math.exp %sub3A_837 : vector<1x128xf32>
    %get3A_839 = arith.constant 0 : index
    %get3A_840 = arith.constant 1664 : index
    %get3A_841 = vector.load %arg4[%get3A_839, %get3A_840] : memref<64x2048xf32, #tpu.memory_space<vmem>>, vector<64x128xf32>
    %mul3A_842 = vector.broadcast %exp3A_836 : vector<1x128xf32> to vector<64x128xf32>
    %mul3A_843 = arith.mulf %get3A_841, %mul3A_842 : vector<64x128xf32>
    %mul3A_844 = vector.broadcast %exp3A_838 : vector<1x128xf32> to vector<64x128xf32>
    %mul3A_845 = arith.mulf %dot_general3A_830, %mul3A_844 : vector<64x128xf32>
    %add3A_846 = arith.addf %mul3A_843, %mul3A_845 : vector<64x128xf32>
    %swap3A_847 = arith.constant 0 : index
    %swap3A_848 = arith.constant 1664 : index
    %swap3A_849 = vector.load %arg4[%swap3A_847, %swap3A_848] : memref<64x2048xf32, #tpu.memory_space<vmem>>, vector<64x128xf32>
    tpu.vector_store %arg4[%swap3A_847, %swap3A_848], %add3A_846 {strides = array<i32>} : memref<64x2048xf32, #tpu.memory_space<vmem>>, vector<64x128xf32>,
    %get3A_850 = arith.constant 0 : index
    %get3A_851 = arith.constant 1664 : index
    %get3A_852 = vector.load %arg6[%get3A_850, %get3A_851] : memref<1x2048xf32, #tpu.memory_space<vmem>>, vector<1x128xf32>
    %mul3A_853 = arith.mulf %get3A_852, %exp3A_836 : vector<1x128xf32>
    %mul3A_854 = arith.mulf %broadcast_in_dim3A_828, %exp3A_838 : vector<1x128xf32>
    %add3A_855 = arith.addf %mul3A_853, %mul3A_854 : vector<1x128xf32>
    %swap3A_856 = arith.constant 0 : index
    %swap3A_857 = arith.constant 1664 : index
    %swap3A_858 = vector.load %arg6[%swap3A_856, %swap3A_857] : memref<1x2048xf32, #tpu.memory_space<vmem>>, vector<1x128xf32>
    tpu.vector_store %arg6[%swap3A_856, %swap3A_857], %add3A_855 {strides = array<i32>} : memref<1x2048xf32, #tpu.memory_space<vmem>>, vector<1x128xf32>,
    %swap3A_859 = arith.constant 0 : index
    %swap3A_860 = arith.constant 1664 : index
    %swap3A_861 = vector.load %arg5[%swap3A_859, %swap3A_860] : memref<1x2048xf32, #tpu.memory_space<vmem>>, vector<1x128xf32>
    tpu.vector_store %arg5[%swap3A_859, %swap3A_860], %max3A_834 {strides = array<i32>} : memref<1x2048xf32, #tpu.memory_space<vmem>>, vector<1x128xf32>,
    %get3A_862 = arith.index_cast %rem3A_59 : i32 to index
    %get3A_863 = arith.constant 1792 : index
    %get3A_864 = arith.constant 0 : index
    %get3A_865 = vector.load %arg1[%get3A_862, %get3A_863, %get3A_864] : memref<4x2048x64xf32, #tpu.memory_space<vmem>>, vector<1x128x64xf32>
    %get3A_866 = vector.shape_cast %get3A_865 : vector<1x128x64xf32> to vector<128x64xf32>
    %get3A_867 = arith.constant 7168 : index
    %get3A_868 = arith.constant 0 : index
    %get3A_869 = vector.load %arg2[%get3A_867, %get3A_868] : memref<8192x128xf32, #tpu.memory_space<vmem>>, vector<512x64xf32>
    %get3A_870 = arith.constant 7168 : index
    %get3A_871 = arith.constant 64 : index
    %get3A_872 = vector.load %arg2[%get3A_870, %get3A_871] : memref<8192x128xf32, #tpu.memory_space<vmem>>, vector<512x64xf32>
    %dot_general3A_873 = arith.constant dense<0.000000e+00> : vector<512x128xf32>
    %dot_general3A_874 = tpu.matmul %get3A_869, %get3A_866, %dot_general3A_873 {dimension_numbers = #tpu.dot_dimension_numbers<[1], [1], [0], [0], [0, 0, 1, 0], [], []>, transpose_lhs_hint = false} : vector<512x64xf32>, vector<128x64xf32>, vector<512x128xf32> -> vector<512x128xf32>
    %jit3A_875 = arith.constant 0xFF800000 : f32
    %broadcast_in_dim3A_876 = vector.broadcast %jit3A_875 : f32 to vector<512x128xf32>
    %select_n3A_877 = arith.select %eq3A_57, %dot_general3A_874, %broadcast_in_dim3A_876 : vector<512x128xi1>, vector<512x128xf32>
    %reduce_max3A_878 = arith.constant dense<0xFF800000> : vector<128xf32>
    %reduce_max3A_879 = vector.multi_reduction <maximumf>, %select_n3A_877, %reduce_max3A_878 [0] : vector<512x128xf32> to vector<128xf32>
    %broadcast_in_dim3A_880 = vector.shape_cast %reduce_max3A_879 : vector<128xf32> to vector<1x128xf32>
    %sub3A_881 = vector.broadcast %broadcast_in_dim3A_880 : vector<1x128xf32> to vector<512x128xf32>
    %sub3A_882 = arith.subf %select_n3A_877, %sub3A_881 : vector<512x128xf32>
    %exp3A_883 = math.exp %sub3A_882 : vector<512x128xf32>
    %reduce_sum3A_884 = arith.constant dense<0.000000e+00> : vector<128xf32>
    %reduce_sum3A_885 = vector.multi_reduction <add>, %exp3A_883, %reduce_sum3A_884 [0] : vector<512x128xf32> to vector<128xf32>
    %broadcast_in_dim3A_886 = vector.shape_cast %reduce_sum3A_885 : vector<128xf32> to vector<1x128xf32>
    %dot_general3A_887 = arith.constant dense<0.000000e+00> : vector<64x128xf32>
    %dot_general3A_888 = tpu.matmul %get3A_872, %exp3A_883, %dot_general3A_887 {dimension_numbers = #tpu.dot_dimension_numbers<[0], [0], [1], [1], [0, 1, 1, 1], [], []>, transpose_lhs_hint = false} : vector<512x64xf32>, vector<512x128xf32>, vector<64x128xf32> -> vector<64x128xf32>
    %get3A_889 = arith.constant 0 : index
    %get3A_890 = arith.constant 1792 : index
    %get3A_891 = vector.load %arg5[%get3A_889, %get3A_890] : memref<1x2048xf32, #tpu.memory_space<vmem>>, vector<1x128xf32>
    %max3A_892 = arith.maximumf %get3A_891, %broadcast_in_dim3A_880 : vector<1x128xf32>
    %sub3A_893 = arith.subf %get3A_891, %max3A_892 : vector<1x128xf32>
    %exp3A_894 = math.exp %sub3A_893 : vector<1x128xf32>
    %sub3A_895 = arith.subf %broadcast_in_dim3A_880, %max3A_892 : vector<1x128xf32>
    %exp3A_896 = math.exp %sub3A_895 : vector<1x128xf32>
    %get3A_897 = arith.constant 0 : index
    %get3A_898 = arith.constant 1792 : index
    %get3A_899 = vector.load %arg4[%get3A_897, %get3A_898] : memref<64x2048xf32, #tpu.memory_space<vmem>>, vector<64x128xf32>
    %mul3A_900 = vector.broadcast %exp3A_894 : vector<1x128xf32> to vector<64x128xf32>
    %mul3A_901 = arith.mulf %get3A_899, %mul3A_900 : vector<64x128xf32>
    %mul3A_902 = vector.broadcast %exp3A_896 : vector<1x128xf32> to vector<64x128xf32>
    %mul3A_903 = arith.mulf %dot_general3A_888, %mul3A_902 : vector<64x128xf32>
    %add3A_904 = arith.addf %mul3A_901, %mul3A_903 : vector<64x128xf32>
    %swap3A_905 = arith.constant 0 : index
    %swap3A_906 = arith.constant 1792 : index
    %swap3A_907 = vector.load %arg4[%swap3A_905, %swap3A_906] : memref<64x2048xf32, #tpu.memory_space<vmem>>, vector<64x128xf32>
    tpu.vector_store %arg4[%swap3A_905, %swap3A_906], %add3A_904 {strides = array<i32>} : memref<64x2048xf32, #tpu.memory_space<vmem>>, vector<64x128xf32>,
    %get3A_908 = arith.constant 0 : index
    %get3A_909 = arith.constant 1792 : index
    %get3A_910 = vector.load %arg6[%get3A_908, %get3A_909] : memref<1x2048xf32, #tpu.memory_space<vmem>>, vector<1x128xf32>
    %mul3A_911 = arith.mulf %get3A_910, %exp3A_894 : vector<1x128xf32>
    %mul3A_912 = arith.mulf %broadcast_in_dim3A_886, %exp3A_896 : vector<1x128xf32>
    %add3A_913 = arith.addf %mul3A_911, %mul3A_912 : vector<1x128xf32>
    %swap3A_914 = arith.constant 0 : index
    %swap3A_915 = arith.constant 1792 : index
    %swap3A_916 = vector.load %arg6[%swap3A_914, %swap3A_915] : memref<1x2048xf32, #tpu.memory_space<vmem>>, vector<1x128xf32>
    tpu.vector_store %arg6[%swap3A_914, %swap3A_915], %add3A_913 {strides = array<i32>} : memref<1x2048xf32, #tpu.memory_space<vmem>>, vector<1x128xf32>,
    %swap3A_917 = arith.constant 0 : index
    %swap3A_918 = arith.constant 1792 : index
    %swap3A_919 = vector.load %arg5[%swap3A_917, %swap3A_918] : memref<1x2048xf32, #tpu.memory_space<vmem>>, vector<1x128xf32>
    tpu.vector_store %arg5[%swap3A_917, %swap3A_918], %max3A_892 {strides = array<i32>} : memref<1x2048xf32, #tpu.memory_space<vmem>>, vector<1x128xf32>,
    %get3A_920 = arith.index_cast %rem3A_59 : i32 to index
    %get3A_921 = arith.constant 1920 : index
    %get3A_922 = arith.constant 0 : index
    %get3A_923 = vector.load %arg1[%get3A_920, %get3A_921, %get3A_922] : memref<4x2048x64xf32, #tpu.memory_space<vmem>>, vector<1x128x64xf32>
    %get3A_924 = vector.shape_cast %get3A_923 : vector<1x128x64xf32> to vector<128x64xf32>
    %get3A_925 = arith.constant 7680 : index
    %get3A_926 = arith.constant 0 : index
    %get3A_927 = vector.load %arg2[%get3A_925, %get3A_926] : memref<8192x128xf32, #tpu.memory_space<vmem>>, vector<512x64xf32>
    %get3A_928 = arith.constant 7680 : index
    %get3A_929 = arith.constant 64 : index
    %get3A_930 = vector.load %arg2[%get3A_928, %get3A_929] : memref<8192x128xf32, #tpu.memory_space<vmem>>, vector<512x64xf32>
    %dot_general3A_931 = arith.constant dense<0.000000e+00> : vector<512x128xf32>
    %dot_general3A_932 = tpu.matmul %get3A_927, %get3A_924, %dot_general3A_931 {dimension_numbers = #tpu.dot_dimension_numbers<[1], [1], [0], [0], [0, 0, 1, 0], [], []>, transpose_lhs_hint = false} : vector<512x64xf32>, vector<128x64xf32>, vector<512x128xf32> -> vector<512x128xf32>
    %jit3A_933 = arith.constant 0xFF800000 : f32
    %broadcast_in_dim3A_934 = vector.broadcast %jit3A_933 : f32 to vector<512x128xf32>
    %select_n3A_935 = arith.select %eq3A_57, %dot_general3A_932, %broadcast_in_dim3A_934 : vector<512x128xi1>, vector<512x128xf32>
    %reduce_max3A_936 = arith.constant dense<0xFF800000> : vector<128xf32>
    %reduce_max3A_937 = vector.multi_reduction <maximumf>, %select_n3A_935, %reduce_max3A_936 [0] : vector<512x128xf32> to vector<128xf32>
    %broadcast_in_dim3A_938 = vector.shape_cast %reduce_max3A_937 : vector<128xf32> to vector<1x128xf32>
    %sub3A_939 = vector.broadcast %broadcast_in_dim3A_938 : vector<1x128xf32> to vector<512x128xf32>
    %sub3A_940 = arith.subf %select_n3A_935, %sub3A_939 : vector<512x128xf32>
    %exp3A_941 = math.exp %sub3A_940 : vector<512x128xf32>
    %reduce_sum3A_942 = arith.constant dense<0.000000e+00> : vector<128xf32>
    %reduce_sum3A_943 = vector.multi_reduction <add>, %exp3A_941, %reduce_sum3A_942 [0] : vector<512x128xf32> to vector<128xf32>
    %broadcast_in_dim3A_944 = vector.shape_cast %reduce_sum3A_943 : vector<128xf32> to vector<1x128xf32>
    %dot_general3A_945 = arith.constant dense<0.000000e+00> : vector<64x128xf32>
    %dot_general3A_946 = tpu.matmul %get3A_930, %exp3A_941, %dot_general3A_945 {dimension_numbers = #tpu.dot_dimension_numbers<[0], [0], [1], [1], [0, 1, 1, 1], [], []>, transpose_lhs_hint = false} : vector<512x64xf32>, vector<512x128xf32>, vector<64x128xf32> -> vector<64x128xf32>
    %get3A_947 = arith.constant 0 : index
    %get3A_948 = arith.constant 1920 : index
    %get3A_949 = vector.load %arg5[%get3A_947, %get3A_948] : memref<1x2048xf32, #tpu.memory_space<vmem>>, vector<1x128xf32>
    %max3A_950 = arith.maximumf %get3A_949, %broadcast_in_dim3A_938 : vector<1x128xf32>
    %sub3A_951 = arith.subf %get3A_949, %max3A_950 : vector<1x128xf32>
    %exp3A_952 = math.exp %sub3A_951 : vector<1x128xf32>
    %sub3A_953 = arith.subf %broadcast_in_dim3A_938, %max3A_950 : vector<1x128xf32>
    %exp3A_954 = math.exp %sub3A_953 : vector<1x128xf32>
    %get3A_955 = arith.constant 0 : index
    %get3A_956 = arith.constant 1920 : index
    %get3A_957 = vector.load %arg4[%get3A_955, %get3A_956] : memref<64x2048xf32, #tpu.memory_space<vmem>>, vector<64x128xf32>
    %mul3A_958 = vector.broadcast %exp3A_952 : vector<1x128xf32> to vector<64x128xf32>
    %mul3A_959 = arith.mulf %get3A_957, %mul3A_958 : vector<64x128xf32>
    %mul3A_960 = vector.broadcast %exp3A_954 : vector<1x128xf32> to vector<64x128xf32>
    %mul3A_961 = arith.mulf %dot_general3A_946, %mul3A_960 : vector<64x128xf32>
    %add3A_962 = arith.addf %mul3A_959, %mul3A_961 : vector<64x128xf32>
    %swap3A_963 = arith.constant 0 : index
    %swap3A_964 = arith.constant 1920 : index
    %swap3A_965 = vector.load %arg4[%swap3A_963, %swap3A_964] : memref<64x2048xf32, #tpu.memory_space<vmem>>, vector<64x128xf32>
    tpu.vector_store %arg4[%swap3A_963, %swap3A_964], %add3A_962 {strides = array<i32>} : memref<64x2048xf32, #tpu.memory_space<vmem>>, vector<64x128xf32>,
    %get3A_966 = arith.constant 0 : index
    %get3A_967 = arith.constant 1920 : index
    %get3A_968 = vector.load %arg6[%get3A_966, %get3A_967] : memref<1x2048xf32, #tpu.memory_space<vmem>>, vector<1x128xf32>
    %mul3A_969 = arith.mulf %get3A_968, %exp3A_952 : vector<1x128xf32>
    %mul3A_970 = arith.mulf %broadcast_in_dim3A_944, %exp3A_954 : vector<1x128xf32>
    %add3A_971 = arith.addf %mul3A_969, %mul3A_970 : vector<1x128xf32>
    %swap3A_972 = arith.constant 0 : index
    %swap3A_973 = arith.constant 1920 : index
    %swap3A_974 = vector.load %arg6[%swap3A_972, %swap3A_973] : memref<1x2048xf32, #tpu.memory_space<vmem>>, vector<1x128xf32>
    tpu.vector_store %arg6[%swap3A_972, %swap3A_973], %add3A_971 {strides = array<i32>} : memref<1x2048xf32, #tpu.memory_space<vmem>>, vector<1x128xf32>,
    %swap3A_975 = arith.constant 0 : index
    %swap3A_976 = arith.constant 1920 : index
    %swap3A_977 = vector.load %arg5[%swap3A_975, %swap3A_976] : memref<1x2048xf32, #tpu.memory_space<vmem>>, vector<1x128xf32>
    tpu.vector_store %arg5[%swap3A_975, %swap3A_976], %max3A_950 {strides = array<i32>} : memref<1x2048xf32, #tpu.memory_space<vmem>>, vector<1x128xf32>,
    %eq3A_978 = arith.constant 7 : i32
    %eq3A_979 = arith.cmpi eq, %arg0, %eq3A_978 : i32
    %convert_element_type3A_980 = arith.extui %eq3A_979 : i1 to i32
    %cond3A_981 = arith.constant 0 : i32
    %cond3A_982 = arith.cmpi ne, %convert_element_type3A_980, %cond3A_981 : i32
    scf.if %cond3A_982 {
      %get3A_983 = arith.constant 0 : index
      %get3A_984 = arith.constant 0 : index
      %get3A_985 = vector.load %arg4[%get3A_983, %get3A_984] : memref<64x2048xf32, #tpu.memory_space<vmem>>, vector<64x2048xf32>
      %get3A_986 = arith.constant 0 : index
      %get3A_987 = arith.constant 0 : index
      %get3A_988 = vector.load %arg6[%get3A_986, %get3A_987] : memref<1x2048xf32, #tpu.memory_space<vmem>>, vector<1x2048xf32>
      %div3A_989 = vector.broadcast %get3A_988 : vector<1x2048xf32> to vector<64x2048xf32>
      %div3A_990 = arith.divf %get3A_985, %div3A_989 : vector<64x2048xf32>
      %transpose3A = tpu.transpose %div3A_990, [1, 0] : vector<64x2048xf32> -> vector<2048x64xf32>
      %swap3A_991 = arith.constant 0 : index
      %swap3A_992 = arith.constant 0 : index
      %swap3A_993 = vector.load %arg3[%swap3A_991, %swap3A_992] : memref<2048x64xf32, #tpu.memory_space<vmem>>, vector<2048x64xf32>
      tpu.vector_store %arg3[%swap3A_991, %swap3A_992], %transpose3A {strides = array<i32>} : memref<2048x64xf32, #tpu.memory_space<vmem>>, vector<2048x64xf32>,
    } else {
    }
    return
  }
  func.func @transform_0(%arg0: i32) -> (i32, i32, i32) {
    %c0_i32 = arith.constant 0 : i32
    %c0_i32_0 = arith.constant 0 : i32
    %c0_i32_1 = arith.constant 0 : i32
    %c0_i32_2 = arith.constant 0 : i32
    return %c0_i32, %c0_i32_0, %c0_i32_1 : i32, i32, i32
  }
  func.func @transform_1(%arg0: i32) -> (i32, i32) {
    %c0_i32 = arith.constant 0 : i32
    %c0_i32_0 = arith.constant 0 : i32
    return %arg0, %c0_i32 : i32, i32
  }
  func.func @transform_2(%arg0: i32) -> (i32, i32) {
    %c0_i32 = arith.constant 0 : i32
    %c0_i32_0 = arith.constant 0 : i32
    %c0_i32_1 = arith.constant 0 : i32
    return %c0_i32, %c0_i32_0 : i32, i32
  }
}

</mosaic_0001>

<sc_bundles>
// kernel: kernel.10.cloned.1.call-start
scs
__scs_entry_jumppad:
0x0: {  	(pc) =	sbr.rel $0x88, $3  }
0x1: {  	(tag) =	ssettag $0x0;
	lr =	simm.s32 $0x1  }
0x2: {  	[smem:$0x3F9D] =	sst lr;
	_ =	strace $0xD0000000  }
0x3: {  	_ = 	snop  }
0x4: {  	_ = 	snop  }
0x5: {  	_ = 	snop  }
0x6: {  	_ = 	snop  }
0x7: {  	_ = 	snop  }
__scs_overlays_trampoline_lowered:
0x8: {  	[smem:$0x3FAC] =	sst s0  }
0x9: {  	[smem:$0x3FAD] =	sst s1  }
0xa: {  	[smem:$0x3FAE] =	sst s2  }
0xb: {  	[smem:$0x3FAF] =	sst s3  }
0xc: {  	[smem:$0x3FB0] =	sst s4  }
0xd: {  	[smem:$0x3FB1] =	sst s5  }
0xe: {  	[smem:$0x3FB2] =	sst s6  }
0xf: {  	[smem:$0x3FB3] =	sst s7  }
0x10: {  	[smem:$0x3FB4] =	sst s8  }
0x11: {  	[smem:$0x3FB5] =	sst s9;
	s0 =	simm.s32 @!p0 $0x0  }
0x12: {  	s1 =	sld [smem:$0x3F9B];
	s0 =	simm.s32 @p0 $0x1  }
0x13: {  	[smem:$0x3FB6] =	sst s0;
	s0 =	simm.s32 @!p1 $0x0  }
0x14: {  	s2 =	sld [smem:$0x3F9A];
	s0 =	simm.s32 @p1 $0x1  }
0x15: {  	[smem:$0x3FB7] =	sst s0;
	s0 =	simm.s32 @!p2 $0x0  }
0x16: {  	s3 =	sld [smem:$0x3FDB];
	s0 =	simm.s32 @p2 $0x1  }
0x17: {  	s4 =	simm.s32 $0x1BF5;
	[smem:$0x3FB9] =	sst s0  }
0x18: {  	s0 =	sld [smem:$0x3F9C];
	_ =	swait.ge [sflag:s4], $0x0  }
0x19: {  	s7 =	sld [smem:$0x3F9D]  }
0x1a: {  	s8 =	sadd.s32 $0xFFFFE003, lr  }
0x1b: {  	s9 =	sadd.s32 $0xFFFFFEF7, lr;
	s5 =	simm.s32 $0xFFFFFFFF;
	p2 =	slt.u32 s8, $0xFFFFF086  }
0x1c: {  	p1 =	slt.u32 s9, $0xF7A;
	s5 =	simm.s32 @!p2 $0x0  }
0x1d: {  	s5 =	simm.s32 @p1 $0x1;
	p0 =	seq.s32 s7, s2  }
0x1e: {  	s7 =	smul.u32 @!p0 $0xF7A, s2;
	p2 =	seq.s32 @!p0 s5, $0x0  }
0x1f: {  	s9 =	smul.u32 $0xF7A, s1;
	s8 =	simm.s32 @!p0 $0x1BF5;
	p2 =	por !p2, p0  }
0x20: {  	[sflag:s8] =	ssyncset.s32 @!p0 $0xFFFFF086;
	s6 =	sadd.s32 @!p0 s3, s7;
	s7 =	simm.s32 @!p0 $0x108  }
0x21: {  	s3 =	sadd.s32 s3, s9;
	s6 =	sadd.s32 @!p0 $0x88, s6;
	s7 =	simm.s32 @p2 $0x1082  }
0x22: {  	[simem:s7], [sflag:s8] =	dma.local @!p0 [hbm:s6], $0xF7A  }
0x23: {  	s9 =	sor.u32 $0xD0000000, s2;
	s6 =	simm.s32 $0x108;
	_ =	swait.ge @!p0 [sflag:s8], $0x0  }
0x24: {  	s3 =	sadd.s32 $0x88, s3;
	s6 =	simm.s32 @!p1 $0x1082;
	[sflag:s4] =	ssyncset.s32 $0xFFFFF086  }
0x25: {  	[simem:s6], [sflag:s4] =	dma.local [hbm:s3], $0xF7A  }
0x26: {  	[smem:$0x3F9D] =	sst s1;
	(tag) =	ssettag s2;
	_ =	strace s9  }
0x27: {  	s1 =	sld [smem:$0x3FAD]  }
0x28: {  	s2 =	sld [smem:$0x3FAE]  }
0x29: {  	s4 =	sld [smem:$0x3FB0]  }
0x2a: {  	p0 =	seq.s32 s5, $0x0;
	s5 =	sld [smem:$0x3FB1]  }
0x2b: {  	s6 =	sld [smem:$0x3FB2]  }
0x2c: {  	s7 =	sld [smem:$0x3FB3]  }
0x2d: {  	s3 =	simm.s32 $0x108;
	s8 =	sld [smem:$0x3FB4]  }
0x2e: {  	s3 =	simm.s32 @!p0 $0x1082;
	s9 =	sld [smem:$0x3FB5]  }
0x2f: {  	lr =	sadd.s32 s0, s3;
	s0 =	sld [smem:$0x3FAC]  }
0x30: {  	s3 =	sld [smem:$0x3FAF]  }
0x31: {  	[smem:$0x3FB8] =	sst s10  }
0x32: {  	s10 =	sld [smem:$0x3FB6];
	_ =	sdelay $0x3  }
0x33: {  	p0 =	seq.s32 s10, $0x1;
	s10 =	sld [smem:$0x3FB8];
	_ =	sdelay $0x3  }
0x34: {  	[smem:$0x3FB8] =	sst s10  }
0x35: {  	s10 =	sld [smem:$0x3FB7];
	_ =	sdelay $0x3  }
0x36: {  	p1 =	seq.s32 s10, $0x1;
	s10 =	sld [smem:$0x3FB8];
	_ =	sdelay $0x3  }
0x37: {  	[smem:$0x3FB8] =	sst s10  }
0x38: {  	s10 =	sld [smem:$0x3FB9]  }
0x39: {  	_ = 	snop;
	(pc) =	sbr.ind lr, $3  }
0x3a: {  	_ = 	snop  }
0x3b: {  	_ = 	snop  }
0x3c: {  	p2 =	seq.s32 s10, $0x1;
	s10 =	sld [smem:$0x3FB8]  }
0x3d: {  	_ =	shalt  }
0x3e: {  	_ =	shalt  }
0x3f: {  	_ =	shalt  }
0x40: {  	_ =	shalt  }
0x41: {  	_ =	shalt  }
0x42: {  	_ =	shalt  }
0x43: {  	_ =	shalt  }
0x44: {  	_ =	shalt  }
0x45: {  	_ =	shalt  }
0x46: {  	_ =	shalt  }
0x47: {  	_ =	shalt  }
0x48: {  	_ =	shalt  }
0x49: {  	_ =	shalt  }
0x4a: {  	_ =	shalt  }
0x4b: {  	_ =	shalt  }
0x4c: {  	_ =	shalt  }
0x4d: {  	_ =	shalt  }
0x4e: {  	_ =	shalt  }
0x4f: {  	_ =	shalt  }
0x50: {  	_ =	shalt  }
0x51: {  	_ =	shalt  }
0x52: {  	_ =	shalt  }
0x53: {  	_ =	shalt  }
0x54: {  	_ =	shalt  }
0x55: {  	_ =	shalt  }
0x56: {  	_ =	shalt  }
0x57: {  	_ =	shalt  }
0x58: {  	_ =	shalt  }
0x59: {  	_ =	shalt  }
0x5a: {  	_ =	shalt  }
0x5b: {  	_ =	shalt  }
0x5c: {  	_ =	shalt  }
0x5d: {  	_ =	shalt  }
0x5e: {  	_ =	shalt  }
0x5f: {  	_ =	shalt  }
0x60: {  	_ =	shalt  }
0x61: {  	_ =	shalt  }
0x62: {  	_ =	shalt  }
0x63: {  	_ =	shalt  }
0x64: {  	_ =	shalt  }
0x65: {  	_ =	shalt  }
0x66: {  	_ =	shalt  }
0x67: {  	_ =	shalt  }
0x68: {  	_ =	shalt  }
0x69: {  	_ =	shalt  }
0x6a: {  	_ =	shalt  }
0x6b: {  	_ =	shalt  }
0x6c: {  	_ =	shalt  }
0x6d: {  	_ =	shalt  }
0x6e: {  	_ =	shalt  }
0x6f: {  	_ =	shalt  }
0x70: {  	_ =	shalt  }
0x71: {  	_ =	shalt  }
0x72: {  	_ =	shalt  }
0x73: {  	_ =	shalt  }
0x74: {  	_ =	shalt  }
0x75: {  	_ =	shalt  }
0x76: {  	_ =	shalt  }
0x77: {  	_ =	shalt  }
0x78: {  	_ =	shalt  }
0x79: {  	_ =	shalt  }
0x7a: {  	_ =	shalt  }
0x7b: {  	_ =	shalt  }
0x7c: {  	_ =	shalt  }
0x7d: {  	_ =	shalt  }
0x7e: {  	_ =	shalt  }
0x7f: {  	_ =	shalt  }
0x80: {  	_ =	shalt  }
0x81: {  	_ =	shalt  }
0x82: {  	_ =	shalt  }
0x83: {  	_ =	shalt  }
0x84: {  	_ =	shalt  }
0x85: {  	_ =	shalt  }
0x86: {  	_ =	shalt  }
0x87: {  	_ =	shalt  }
.Lfunc_end0:
.L_simem_size_0:
called_computation_lowered:
.L_overlay_start_0:
0x88: {  	s2 =	sld [smem:$0x3FD9]  }
0x89: {  	s3 =	sld [smem:$0x3FFE];
	_ =	sdelay $0x1  }
0x8a: {  	s1 =	srdreg.scid  }
0x8b: {  	s0 =	sand.u32 $0x1, s1  }
0x8c: {  	s17 =	sshll.u32 s0, $0xA;
	s2 =	sadd.s32 s3, s2  }
0x8d: {  	s2 =	sadd.s32 s2, s17  }
0x8e: {  	[smem:$0x3FC4] =	sst s2  }
0x8f: {  	_ = 	snop  }
0x90: {  	s18 =	sld [smem:$0x3FD0];
	(tm) =	ssettm $0x1  }
0x91: {  	s19 =	sld [smem:$0x3FFB];
	_ =	sdelay $0x3  }
0x92: {  	_ =	strace s19  }
0x93: {  	s2 =	sld [smem:$0x3FFC];
	_ =	sdelay $0x3  }
0x94: {  	_ =	strace s2  }
0x95: {  	s2 =	sld [smem:$0x3FFD];
	_ =	sdelay $0x3  }
0x96: {  	_ =	strace s2  }
0x97: {  	_ =	strace $0x8FFFFFFF  }
0x98: {  	s20 =	sld [smem:$0x3FDB];
	_ =	sdelay $0x1  }
0x99: {  	s4 =	simm.s32 $_scs_section_size  }
0x9a: {  	s5 =	simm.s32 $_size__tile_overlayer_lowered;
	s6 =	simm.s32 $_tile_overlayer_lowered  }
0x9b: {  	s7 =	simm.s32 $0x1BFF;
	s21 =	sshll.u32 s6, $0x1;
	s4 =	sadd.s32 s4, s20  }
0x9c: {  	s22 =	simm.s32 $0x0;
	s5 =	sshll.u32 s5, $0x1;
	s6 =	sadd.s32 s21, s4  }
0x9d: {  	[timem:s22], [sflag:s7] =	dma.local [hbm:s6], s5  }
0x9e: {  	_ =	swait.ge [sflag:s7], s5  }
0x9f: {  	s5 =	ssub.s32 $0x0, s5;
	[sflag:s7] =	ssyncset.done $0x0  }
0xa0: {  	[sflag:s7] =	ssyncadd.s32 s5;
	_ =	sdelay $0x1  }
0xa1: {  	s23 =	simm.s32 $0x1B8B  }
0xa2: {  	_ =	swait.ge [sflag:s23], $0x1  }
0xa3: {  	[sflag:s23] =	ssyncset.done $0x0  }
0xa4: {  	[sflag:s23] =	ssyncadd.s32 $0xFFFFFFFF  }
0xa5: {  	s5 =	sld [smem:$0x0]  }
0xa6: {  	s6 =	sand.u32 $0xFFFFFFFE, s1  }
0xa7: {  	p0 =	sne.s32 s1, s6  }
0xa8: {  	s6 =	sshll.u32 @p0 s6, $0xE  }
0xa9: {  	s6 =	sadd.s32 @p0 $0x11B8D, s6;
	s7 =	sshll.u32 @p0 s5, $0x11  }
0xaa: {  	s6 =	sor.u32 @p0 s7, s6  }
0xab: {  	[sflag:s6] =	ssyncadd.remote.s32 @p0 $0x1;
	_ =	sdelay $0x1  }
0xac: {  	s6 =	simm.s32 @p0 $0x1B8D  }
0xad: {  	_ =	swait.eq @p0 [sflag:s6], $0x1  }
0xae: {  	[sflag:s6] =	ssyncadd.s32 @p0 $0xFFFFFFFF  }
0xaf: {  	s7 =	sshll.u32 @!p0 s1, $0xE  }
0xb0: {  	s7 =	sor.u32 @!p0 $0x4000, s7;
	s6 =	simm.s32 @!p0 $0x1B8D  }
0xb1: {  	s5 =	sshll.u32 @!p0 s5, $0x11;
	s7 =	sadd.s32 @!p0 $0x11B8D, s7;
	_ =	swait.eq @!p0 [sflag:s6], $0x1  }
0xb2: {  	s5 =	sor.u32 @!p0 s5, s7;
	[sflag:s6] =	ssyncadd.s32 @!p0 $0xFFFFFFFF  }
0xb3: {  	s25 =	simm.s32 $0x1B8E;
	s24 =	sld [smem:$0x3FFE];
	[sflag:s5] =	ssyncadd.remote.s32 @!p0 $0x1  }
0xb4: {  	s26 =	simm.s32 $execute0_lowered;
	[smem:$0x3FD2] =	sst s25  }
0xb5: {  	s6 =	sshll.u32 s26, $0x1;
	_ =	strace $0x8000004F;
	[dreg:$0x1] =	wrdreg $0xFFFFFFFF  }
0xb6: {  	s28 =	simm.s32 $_size_execute0_lowered;
	s4 =	sadd.s32 s4, s6;
	[dreg:$0x0] =	wrdreg $0x0  }
0xb7: {  	s6 =	sshll.u32 s28, $0x1;
	[dreg:$0x2] =	wrdreg s4  }
0xb8: {  	[dreg:$0x3] =	wrdreg s6  }
0xb9: {  	[dreg:$0x4] =	wrdreg $0xC0  }
0xba: {  	_ =	task [dreg:s22], $0x5FFFF  }
0xbb: {  	[dreg:$0x1] =	wrdreg $0xFFFFFFFF  }
0xbc: {  	[dreg:$0x0] =	wrdreg $0x60  }
0xbd: {  	[dreg:$0x2] =	wrdreg s18  }
0xbe: {  	[dreg:$0x3] =	wrdreg s24  }
0xbf: {  	[dreg:$0x4] =	wrdreg $0x9  }
0xc0: {  	_ =	task.clear_ibuf [dreg:s22], $0x5FFFF;
	_ =	strace $0x9000004F  }
0xc1: {  	s29 =	simm.s32 $0x9;
	_ =	strace $0x80000051  }
0xc2: {  	_ =	swait.ge [sflag:s29], $0x1  }
0xc3: {  	[sflag:s29] =	ssyncadd.s32 $0xFFFFFFFF  }
0xc4: {  	_ =	strace $0x90000051  }
0xc5: {  	_ =	sfence  }
0xc6: {  	s30 =	sld [smem:$0x0];
	_ =	sdelay $0x2  }
0xc7: {  	s31 =	sshll.u32 s1, $0xD;
	s1 =	sshrl.u32 s1, $0x2  }
0xc8: {  	s4 =	sand.u32 $0x4000, s31;
	s1 =	sadd.s32 s1, s30  }
0xc9: {  	s0 =	sor.u32 s4, s0;
	s1 =	sshll.u32 s1, $0x11  }
0xca: {  	s0 =	sor.u32 s1, s0  }
0xcb: {  	s0 =	sadd.s32 $0x8F2B, s0  }
0xcc: {  	[sflag:s0] =	ssyncadd.remote.s32 $0x1  }
0xcd: {  	_ =	sfence.sel $0xFFFF  }
0xce: {  	[dreg:$0x0] =	wrdreg $0xFFFFFFFF;
	(pc) =	sbr.abs _section_cstart, $3  }
0xcf: {  	[dreg:$0x1] =	wrdreg $0xFFFFFFFF  }
0xd0: {  	_ =	task.clear_ibuf [dreg:s22], $0x2FFFF;
	_ =	strace $0x9FFFFFFF  }
0xd1: {  	(tm) =	ssettm $0x7FFFFFFF  }
tec
execute0_lowered:
.L_overlay_start_1:
0x0: {  	(tag) =	ssettag $0x1  }
0x1: {  	s0 =	rddreg [dreg:$0x0]  }
0x2: {  	s1 =	rddreg [dreg:$0x1]  }
0x3: {  	s2 =	srdreg.scid;
	s3 =	stileid.u32;
	s14 =	simm.s32 $0x7  }
0x4: {  	s15 =	simm.s32 $0x100;
	s17 =	simm.s32 $0x1000;
	s19 =	simm.s32 $0x9000  }
0x5: {  	s21 =	simm.s32 $0x11000;
	s22 =	simm.s32 $0x1;
	s23 =	simm.s32 $0x4  }
0x6: {  	s25 =	simm.s32 $0x2;
	s26 =	simm.s32 $0x5;
	s28 =	simm.s32 $0xC00  }
0x7: {  	s29 =	simm.s32 $0x3;
	s30 =	simm.s32 $0x6;
	s4 =	sand.u32 $0x1, s2  }
0x8: {  	s31 =	simm.s32 $0xD00;
	s3 =	sshll.u32 s3, $0xC;
	s5 =	sshll.u32 s4, $0xB  }
0x9: {  	s16 =	simm.s32 $0x0;
	s2 =	simm.s32 $0x0;
	s8 =	sor.u32 s5, s3  }
0xa: {  	[smem:$0x7FF] =	sst s2;
	s6 =	ssub.s32 $0x2, s4;
	s5 =	sshll.u32 s8, $0x4  }
0xb: {  	s3 =	sadd.s32 $0x7400, s1;
	s7 =	sshrl.u32 s6, $0x1;
	s1 =	sadd.s32 s5, s1  }
0xc: {  	_ =	strace $0x80000050;
	s13 =	ssub.s32 s6, s7;
	s4 =	sadd.s32 $0x387400, s1  }
0xd: {  	s10 =	sshrl.u32 s8, $0x3;
	s5 =	sadd.s32 $0x388400, s1;
	s6 =	sadd.s32 $0x389400, s1  }
0xe: {  	s10 =	sadd.s32 s0, s10;
	s7 =	sadd.s32 $0x38A400, s1;
	s8 =	sadd.s32 $0x38B400, s1  }
0xf: {  	s13 =	smax.u32 s13, $0x1;
	s9 =	sadd.s32 $0x38C400, s1;
	s11 =	sadd.s32 $0x38D400, s1  }
0x10: {  	s0 =	simm.s32 $0xE00;
	s12 =	sadd.s32 $0x38E400, s1;
	s1 =	simm.s32 $0xF00  }
.LBB2_1:
0x11: {  	[tilespmem:s2], [sflag:$0x7] =	stream.linear.gather [hbm4b:s10+s2], $0x800, $0x38;
	[tilespmem:$0x19000] =	vst v63  }
0x12: {  	_ =	swait.ge [sflag:s14], $0x800  }
0x13: {  	[sflag:s14] =	ssyncset.done $0x0  }
0x14: {  	s18 =	simm.s32 $0x0;
	[sflag:s14] =	ssyncadd.s32 $0xFFFFF800  }
0x15: {  	s20 =	simm.s32 $0x40;
	v0 =	vld [tilespmem:s18+$0x0]  }
.LBB2_2:
0x16: {  	p0 =	sne.s32 s20, $0x1FC0  }
.Ltmp0:
0x17: {  	_ = 	snop;
	(pc) =	sbr.rel @p0 .LBB2_2-.Ltmp0, $3  }
0x18: {  	_ =	sdelay $0x1  }
0x19: {  	s24 =	sshra.s32 s20, $0x2;
	s20 =	sadd.s32 $0x40, s20;
	v1 =	vand.u32 $0x1FFF, v0  }
0x1a: {  	v0 =	vld [tilespmem:s24+$0x0];
	[tilespmem:s18+$0x800] =	vst v1;
	s18 =	smov.u32 s24  }
0x1b: {  	_ =	sdelay $0x3  }
0x1c: {  	v0 =	vand.u32 $0x1FFF, v0  }
0x1d: {  	s20 =	simm.s32 $0x800;
	[tilespmem:s18+$0x800] =	vst v0  }
0x1e: {  	[tilespmem:s17], [sflag:$0x1] =	stream.indirect.gather [hbm4b:s3+s15], $0x80, s20, s15, $0xb8;
	[tilespmem:$0x19000] =	vst v63  }
0x1f: {  	s24 =	simm.s32 $0x900  }
0x20: {  	[tilespmem:s19], [sflag:$0x2] =	stream.indirect.gather [hbm4b:s3+s15], $0x80, s24, s15, $0xb8;
	[tilespmem:$0x19000] =	vst v63  }
0x21: {  	s20 =	simm.s32 $0xA00  }
0x22: {  	[tilespmem:s21], [sflag:$0x3] =	stream.indirect.gather [hbm4b:s3+s15], $0x80, s20, s15, $0xb8;
	[tilespmem:$0x19000] =	vst v63  }
0x23: {  	_ =	swait.ge [sflag:s22], $0x8000  }
0x24: {  	[sflag:s22] =	ssyncset.done $0x0  }
0x25: {  	[sflag:s22] =	ssyncadd.s32 $0xFFFF8000  }
0x26: {  	[hbm4b:s4+s2] =	stream.linear.scatter [tilespmem:s17], [sflag:$0x4], $0x8000, $0x38;
	[tilespmem:$0x19000] =	vst v63  }
0x27: {  	_ =	swait.ge [sflag:s23], $0x8000  }
0x28: {  	[sflag:s23] =	ssyncset.done $0x0  }
0x29: {  	s24 =	simm.s32 $0xB00;
	[sflag:s23] =	ssyncadd.s32 $0xFFFF8000  }
0x2a: {  	[tilespmem:s17], [sflag:$0x1] =	stream.indirect.gather [hbm4b:s3+s15], $0x80, s24, s15, $0xb8;
	[tilespmem:$0x19000] =	vst v63  }
0x2b: {  	_ =	swait.ge [sflag:s25], $0x8000  }
0x2c: {  	[sflag:s25] =	ssyncset.done $0x0  }
0x2d: {  	[sflag:s25] =	ssyncadd.s32 $0xFFFF8000  }
0x2e: {  	[hbm4b:s5+s2] =	stream.linear.scatter [tilespmem:s19], [sflag:$0x5], $0x8000, $0x38;
	[tilespmem:$0x19000] =	vst v63  }
0x2f: {  	_ =	swait.ge [sflag:s26], $0x8000  }
0x30: {  	[sflag:s26] =	ssyncset.done $0x0  }
0x31: {  	[sflag:s26] =	ssyncadd.s32 $0xFFFF8000  }
0x32: {  	[tilespmem:s19], [sflag:$0x2] =	stream.indirect.gather [hbm4b:s3+s15], $0x80, s28, s15, $0xb8;
	[tilespmem:$0x19000] =	vst v63  }
0x33: {  	_ =	swait.ge [sflag:s29], $0x8000  }
0x34: {  	[sflag:s29] =	ssyncset.done $0x0  }
0x35: {  	[sflag:s29] =	ssyncadd.s32 $0xFFFF8000  }
0x36: {  	[hbm4b:s6+s2] =	stream.linear.scatter [tilespmem:s21], [sflag:$0x6], $0x8000, $0x38;
	[tilespmem:$0x19000] =	vst v63  }
0x37: {  	_ =	swait.ge [sflag:s30], $0x8000  }
0x38: {  	[sflag:s30] =	ssyncset.done $0x0  }
0x39: {  	[sflag:s30] =	ssyncadd.s32 $0xFFFF8000  }
0x3a: {  	[tilespmem:s21], [sflag:$0x3] =	stream.indirect.gather [hbm4b:s3+s15], $0x80, s31, s15, $0xb8;
	[tilespmem:$0x19000] =	vst v63  }
0x3b: {  	_ =	swait.ge [sflag:s22], $0x8000  }
0x3c: {  	[sflag:s22] =	ssyncset.done $0x0  }
0x3d: {  	[sflag:s22] =	ssyncadd.s32 $0xFFFF8000  }
0x3e: {  	[hbm4b:s7+s2] =	stream.linear.scatter [tilespmem:s17], [sflag:$0x4], $0x8000, $0x38;
	[tilespmem:$0x19000] =	vst v63  }
0x3f: {  	_ =	swait.ge [sflag:s23], $0x8000  }
0x40: {  	[sflag:s23] =	ssyncset.done $0x0  }
0x41: {  	[sflag:s23] =	ssyncadd.s32 $0xFFFF8000  }
0x42: {  	[tilespmem:s17], [sflag:$0x1] =	stream.indirect.gather [hbm4b:s3+s15], $0x80, s0, s15, $0xb8;
	[tilespmem:$0x19000] =	vst v63  }
0x43: {  	_ =	swait.ge [sflag:s25], $0x8000  }
0x44: {  	[sflag:s25] =	ssyncset.done $0x0  }
0x45: {  	[sflag:s25] =	ssyncadd.s32 $0xFFFF8000  }
0x46: {  	[hbm4b:s8+s2] =	stream.linear.scatter [tilespmem:s19], [sflag:$0x5], $0x8000, $0x38;
	[tilespmem:$0x19000] =	vst v63  }
0x47: {  	_ =	swait.ge [sflag:s26], $0x8000  }
0x48: {  	[sflag:s26] =	ssyncset.done $0x0  }
0x49: {  	[sflag:s26] =	ssyncadd.s32 $0xFFFF8000  }
0x4a: {  	[tilespmem:s19], [sflag:$0x2] =	stream.indirect.gather [hbm4b:s3+s15], $0x80, s1, s15, $0xb8;
	[tilespmem:$0x19000] =	vst v63  }
0x4b: {  	_ =	swait.ge [sflag:s29], $0x8000  }
0x4c: {  	[sflag:s29] =	ssyncset.done $0x0  }
0x4d: {  	[sflag:s29] =	ssyncadd.s32 $0xFFFF8000  }
0x4e: {  	[hbm4b:s9+s2] =	stream.linear.scatter [tilespmem:s21], [sflag:$0x6], $0x8000, $0x38;
	[tilespmem:$0x19000] =	vst v63  }
0x4f: {  	_ =	swait.ge [sflag:s22], $0x8000  }
0x50: {  	[sflag:s22] =	ssyncset.done $0x0  }
0x51: {  	[sflag:s22] =	ssyncadd.s32 $0xFFFF8000  }
0x52: {  	[hbm4b:s11+s2] =	stream.linear.scatter [tilespmem:s17], [sflag:$0x4], $0x8000, $0x38;
	[tilespmem:$0x19000] =	vst v63  }
0x53: {  	_ =	swait.ge [sflag:s25], $0x8000  }
0x54: {  	[sflag:s25] =	ssyncset.done $0x0  }
0x55: {  	[sflag:s25] =	ssyncadd.s32 $0xFFFF8000  }
0x56: {  	[hbm4b:s12+s2] =	stream.linear.scatter [tilespmem:s19], [sflag:$0x5], $0x8000, $0x38;
	[tilespmem:$0x19000] =	vst v63  }
0x57: {  	_ =	swait.ge [sflag:s30], $0x8000  }
0x58: {  	[sflag:s30] =	ssyncset.done $0x0  }
0x59: {  	s16 =	sadd.s32 $0x1, s16;
	[sflag:s30] =	ssyncadd.s32 $0xFFFF8000  }
0x5a: {  	p0 =	sne.s32 s16, s13;
	_ =	swait.ge [sflag:s23], $0x8000  }
.Ltmp1:
0x5b: {  	[sflag:s23] =	ssyncset.done $0x0;
	(pc) =	sbr.rel @p0 .LBB2_1-.Ltmp1, $4  }
0x5c: {  	[sflag:s23] =	ssyncadd.s32 $0xFFFF8000  }
0x5d: {  	_ =	swait.ge [sflag:s26], $0x8000  }
0x5e: {  	[sflag:s26] =	ssyncset.done $0x0  }
0x5f: {  	[sflag:s26] =	ssyncadd.s32 $0xFFFF8000  }
0x60: {  	_ =	sfence.sel $0x180000  }
0x61: {  	[bflag:$0x0] =	sbarrier.arrive $0xFFFF  }
0x62: {  	_ =	strace $0x90000050  }
0x63: {  	s0 =	stileid.u32;
	[bflag:$0x2] =	sbarrier.arrive $0xFFFF  }
0x64: {  	p0 =	sne.s32 s0, $0x0;
	s0 =	rddreg [dreg:$0x2]  }
0x65: {  	s0 =	sadd.s32 @!p0 $0x100000, s0  }
0x66: {  	[sflag:s0] =	ssyncadd.tile.s32 @!p0 $0x1;
	_ =	shalt  }
.Lfunc_end2:
_tile_overlayer_lowered:
.L_overlay_start_2:
0x67: {  	(tag) =	ssettag $0x2  }
0x68: {  	s0 =	rddreg [dreg:$0x0];
	s2 =	stileid.u32  }
0x69: {  	s1 =	rddreg [dreg:$0x1];
	p0 =	sne.s32 s2, $0x0  }
0x6a: {  	s3 =	rddreg [dreg:$0x2];
	[bflag:$0x3] =	sbarrier.arrive $0xFFFF;
	s2 =	simm.s32 @!p0 $0x1C07  }
0x6b: {  	[timem:s3], [sflag:s2] =	dma.local @!p0 [hbm:s0], s1  }
0x6c: {  	s0 =	simm.s32 @!p0 $0x7  }
0x6d: {  	_ =	swait.ge @!p0 [sflag:s0], s1  }
0x6e: {  	s1 =	ssub.s32 @!p0 $0x0, s1;
	[sflag:s0] =	ssyncset.done @!p0 $0x0  }
0x6f: {  	[sflag:s0] =	ssyncadd.s32 @!p0 s1  }
0x70: {  	[bflag:$0x3] =	sbarrier.arrive $0xFFFF  }
0x71: {  	_ =	shalt  }

// kernel: kernel.13.cloned.1.call-start
scs
__scs_entry_jumppad:
0x0: {  	(pc) =	sbr.rel $0x88, $3  }
0x1: {  	(tag) =	ssettag $0x0;
	lr =	simm.s32 $0x1  }
0x2: {  	[smem:$0x3F9D] =	sst lr;
	_ =	strace $0xD0000000  }
0x3: {  	_ = 	snop  }
0x4: {  	_ = 	snop  }
0x5: {  	_ = 	snop  }
0x6: {  	_ = 	snop  }
0x7: {  	_ = 	snop  }
__scs_overlays_trampoline_lowered:
0x8: {  	[smem:$0x3FAC] =	sst s0  }
0x9: {  	[smem:$0x3FAD] =	sst s1  }
0xa: {  	[smem:$0x3FAE] =	sst s2  }
0xb: {  	[smem:$0x3FAF] =	sst s3  }
0xc: {  	[smem:$0x3FB0] =	sst s4  }
0xd: {  	[smem:$0x3FB1] =	sst s5  }
0xe: {  	[smem:$0x3FB2] =	sst s6  }
0xf: {  	[smem:$0x3FB3] =	sst s7  }
0x10: {  	[smem:$0x3FB4] =	sst s8  }
0x11: {  	[smem:$0x3FB5] =	sst s9;
	s0 =	simm.s32 @!p0 $0x0  }
0x12: {  	s1 =	sld [smem:$0x3F9B];
	s0 =	simm.s32 @p0 $0x1  }
0x13: {  	[smem:$0x3FB6] =	sst s0;
	s0 =	simm.s32 @!p1 $0x0  }
0x14: {  	s2 =	sld [smem:$0x3F9A];
	s0 =	simm.s32 @p1 $0x1  }
0x15: {  	[smem:$0x3FB7] =	sst s0;
	s0 =	simm.s32 @!p2 $0x0  }
0x16: {  	s3 =	sld [smem:$0x3FDB];
	s0 =	simm.s32 @p2 $0x1  }
0x17: {  	s4 =	simm.s32 $0x1BF5;
	[smem:$0x3FB9] =	sst s0  }
0x18: {  	s0 =	sld [smem:$0x3F9C];
	_ =	swait.ge [sflag:s4], $0x0  }
0x19: {  	s7 =	sld [smem:$0x3F9D]  }
0x1a: {  	s8 =	sadd.s32 $0xFFFFE003, lr  }
0x1b: {  	s9 =	sadd.s32 $0xFFFFFEF7, lr;
	s5 =	simm.s32 $0xFFFFFFFF;
	p2 =	slt.u32 s8, $0xFFFFF086  }
0x1c: {  	p1 =	slt.u32 s9, $0xF7A;
	s5 =	simm.s32 @!p2 $0x0  }
0x1d: {  	s5 =	simm.s32 @p1 $0x1;
	p0 =	seq.s32 s7, s2  }
0x1e: {  	s7 =	smul.u32 @!p0 $0xF7A, s2;
	p2 =	seq.s32 @!p0 s5, $0x0  }
0x1f: {  	s9 =	smul.u32 $0xF7A, s1;
	s8 =	simm.s32 @!p0 $0x1BF5;
	p2 =	por !p2, p0  }
0x20: {  	[sflag:s8] =	ssyncset.s32 @!p0 $0xFFFFF086;
	s6 =	sadd.s32 @!p0 s3, s7;
	s7 =	simm.s32 @!p0 $0x108  }
0x21: {  	s3 =	sadd.s32 s3, s9;
	s6 =	sadd.s32 @!p0 $0x88, s6;
	s7 =	simm.s32 @p2 $0x1082  }
0x22: {  	[simem:s7], [sflag:s8] =	dma.local @!p0 [hbm:s6], $0xF7A  }
0x23: {  	s9 =	sor.u32 $0xD0000000, s2;
	s6 =	simm.s32 $0x108;
	_ =	swait.ge @!p0 [sflag:s8], $0x0  }
0x24: {  	s3 =	sadd.s32 $0x88, s3;
	s6 =	simm.s32 @!p1 $0x1082;
	[sflag:s4] =	ssyncset.s32 $0xFFFFF086  }
0x25: {  	[simem:s6], [sflag:s4] =	dma.local [hbm:s3], $0xF7A  }
0x26: {  	[smem:$0x3F9D] =	sst s1;
	(tag) =	ssettag s2;
	_ =	strace s9  }
0x27: {  	s1 =	sld [smem:$0x3FAD]  }
0x28: {  	s2 =	sld [smem:$0x3FAE]  }
0x29: {  	s4 =	sld [smem:$0x3FB0]  }
0x2a: {  	p0 =	seq.s32 s5, $0x0;
	s5 =	sld [smem:$0x3FB1]  }
0x2b: {  	s6 =	sld [smem:$0x3FB2]  }
0x2c: {  	s7 =	sld [smem:$0x3FB3]  }
0x2d: {  	s3 =	simm.s32 $0x108;
	s8 =	sld [smem:$0x3FB4]  }
0x2e: {  	s3 =	simm.s32 @!p0 $0x1082;
	s9 =	sld [smem:$0x3FB5]  }
0x2f: {  	lr =	sadd.s32 s0, s3;
	s0 =	sld [smem:$0x3FAC]  }
0x30: {  	s3 =	sld [smem:$0x3FAF]  }
0x31: {  	[smem:$0x3FB8] =	sst s10  }
0x32: {  	s10 =	sld [smem:$0x3FB6];
	_ =	sdelay $0x3  }
0x33: {  	p0 =	seq.s32 s10, $0x1;
	s10 =	sld [smem:$0x3FB8];
	_ =	sdelay $0x3  }
0x34: {  	[smem:$0x3FB8] =	sst s10  }
0x35: {  	s10 =	sld [smem:$0x3FB7];
	_ =	sdelay $0x3  }
0x36: {  	p1 =	seq.s32 s10, $0x1;
	s10 =	sld [smem:$0x3FB8];
	_ =	sdelay $0x3  }
0x37: {  	[smem:$0x3FB8] =	sst s10  }
0x38: {  	s10 =	sld [smem:$0x3FB9]  }
0x39: {  	_ = 	snop;
	(pc) =	sbr.ind lr, $3  }
0x3a: {  	_ = 	snop  }
0x3b: {  	_ = 	snop  }
0x3c: {  	p2 =	seq.s32 s10, $0x1;
	s10 =	sld [smem:$0x3FB8]  }
0x3d: {  	_ =	shalt  }
0x3e: {  	_ =	shalt  }
0x3f: {  	_ =	shalt  }
0x40: {  	_ =	shalt  }
0x41: {  	_ =	shalt  }
0x42: {  	_ =	shalt  }
0x43: {  	_ =	shalt  }
0x44: {  	_ =	shalt  }
0x45: {  	_ =	shalt  }
0x46: {  	_ =	shalt  }
0x47: {  	_ =	shalt  }
0x48: {  	_ =	shalt  }
0x49: {  	_ =	shalt  }
0x4a: {  	_ =	shalt  }
0x4b: {  	_ =	shalt  }
0x4c: {  	_ =	shalt  }
0x4d: {  	_ =	shalt  }
0x4e: {  	_ =	shalt  }
0x4f: {  	_ =	shalt  }
0x50: {  	_ =	shalt  }
0x51: {  	_ =	shalt  }
0x52: {  	_ =	shalt  }
0x53: {  	_ =	shalt  }
0x54: {  	_ =	shalt  }
0x55: {  	_ =	shalt  }
0x56: {  	_ =	shalt  }
0x57: {  	_ =	shalt  }
0x58: {  	_ =	shalt  }
0x59: {  	_ =	shalt  }
0x5a: {  	_ =	shalt  }
0x5b: {  	_ =	shalt  }
0x5c: {  	_ =	shalt  }
0x5d: {  	_ =	shalt  }
0x5e: {  	_ =	shalt  }
0x5f: {  	_ =	shalt  }
0x60: {  	_ =	shalt  }
0x61: {  	_ =	shalt  }
0x62: {  	_ =	shalt  }
0x63: {  	_ =	shalt  }
0x64: {  	_ =	shalt  }
0x65: {  	_ =	shalt  }
0x66: {  	_ =	shalt  }
0x67: {  	_ =	shalt  }
0x68: {  	_ =	shalt  }
0x69: {  	_ =	shalt  }
0x6a: {  	_ =	shalt  }
0x6b: {  	_ =	shalt  }
0x6c: {  	_ =	shalt  }
0x6d: {  	_ =	shalt  }
0x6e: {  	_ =	shalt  }
0x6f: {  	_ =	shalt  }
0x70: {  	_ =	shalt  }
0x71: {  	_ =	shalt  }
0x72: {  	_ =	shalt  }
0x73: {  	_ =	shalt  }
0x74: {  	_ =	shalt  }
0x75: {  	_ =	shalt  }
0x76: {  	_ =	shalt  }
0x77: {  	_ =	shalt  }
0x78: {  	_ =	shalt  }
0x79: {  	_ =	shalt  }
0x7a: {  	_ =	shalt  }
0x7b: {  	_ =	shalt  }
0x7c: {  	_ =	shalt  }
0x7d: {  	_ =	shalt  }
0x7e: {  	_ =	shalt  }
0x7f: {  	_ =	shalt  }
0x80: {  	_ =	shalt  }
0x81: {  	_ =	shalt  }
0x82: {  	_ =	shalt  }
0x83: {  	_ =	shalt  }
0x84: {  	_ =	shalt  }
0x85: {  	_ =	shalt  }
0x86: {  	_ =	shalt  }
0x87: {  	_ =	shalt  }
.Lfunc_end0:
.L_simem_size_0:
called_computation.1_lowered:
.L_overlay_start_0:
0x88: {  	s2 =	sld [smem:$0x3FD9]  }
0x89: {  	s3 =	sld [smem:$0x3FFE];
	_ =	sdelay $0x1  }
0x8a: {  	s1 =	srdreg.scid  }
0x8b: {  	s0 =	sand.u32 $0x1, s1  }
0x8c: {  	s17 =	sshll.u32 s0, $0xA;
	s2 =	sadd.s32 s3, s2  }
0x8d: {  	s2 =	sadd.s32 s2, s17  }
0x8e: {  	[smem:$0x3FC4] =	sst s2  }
0x8f: {  	_ = 	snop  }
0x90: {  	(tm) =	ssettm $0x1  }
0x91: {  	s18 =	sld [smem:$0x3FFB];
	_ =	sdelay $0x3  }
0x92: {  	_ =	strace s18  }
0x93: {  	s2 =	sld [smem:$0x3FFC];
	_ =	sdelay $0x3  }
0x94: {  	_ =	strace s2  }
0x95: {  	s2 =	sld [smem:$0x3FFD];
	_ =	sdelay $0x3  }
0x96: {  	_ =	strace s2  }
0x97: {  	_ =	strace $0x8FFFFFFF  }
0x98: {  	s19 =	sld [smem:$0x3FDB];
	_ =	sdelay $0x1  }
0x99: {  	s20 =	simm.s32 $_scs_section_size  }
0x9a: {  	s4 =	simm.s32 $_size__tile_overlayer_lowered;
	s5 =	simm.s32 $_tile_overlayer_lowered  }
0x9b: {  	s6 =	simm.s32 $0x1BFF;
	s21 =	sshll.u32 s5, $0x1;
	s3 =	sadd.s32 s20, s19  }
0x9c: {  	s22 =	simm.s32 $0x0;
	s4 =	sshll.u32 s4, $0x1;
	s5 =	sadd.s32 s21, s3  }
0x9d: {  	[timem:s22], [sflag:s6] =	dma.local [hbm:s5], s4  }
0x9e: {  	_ =	swait.ge [sflag:s6], s4  }
0x9f: {  	s4 =	ssub.s32 $0x0, s4;
	[sflag:s6] =	ssyncset.done $0x0  }
0xa0: {  	[sflag:s6] =	ssyncadd.s32 s4;
	_ =	sdelay $0x1  }
0xa1: {  	s23 =	simm.s32 $0x1B8B  }
0xa2: {  	_ =	swait.ge [sflag:s23], $0x1  }
0xa3: {  	[sflag:s23] =	ssyncset.done $0x0  }
0xa4: {  	[sflag:s23] =	ssyncadd.s32 $0xFFFFFFFF  }
0xa5: {  	s4 =	sld [smem:$0x0]  }
0xa6: {  	s5 =	sand.u32 $0xFFFFFFFE, s1  }
0xa7: {  	p0 =	sne.s32 s1, s5  }
0xa8: {  	s5 =	sshll.u32 @p0 s5, $0xE  }
0xa9: {  	s5 =	sadd.s32 @p0 $0x11B8D, s5;
	s6 =	sshll.u32 @p0 s4, $0x11  }
0xaa: {  	s5 =	sor.u32 @p0 s6, s5  }
0xab: {  	[sflag:s5] =	ssyncadd.remote.s32 @p0 $0x1;
	_ =	sdelay $0x1  }
0xac: {  	s5 =	simm.s32 @p0 $0x1B8D  }
0xad: {  	_ =	swait.eq @p0 [sflag:s5], $0x1  }
0xae: {  	[sflag:s5] =	ssyncadd.s32 @p0 $0xFFFFFFFF  }
0xaf: {  	s6 =	sshll.u32 @!p0 s1, $0xE  }
0xb0: {  	s6 =	sor.u32 @!p0 $0x4000, s6;
	s5 =	simm.s32 @!p0 $0x1B8D  }
0xb1: {  	s4 =	sshll.u32 @!p0 s4, $0x11;
	s6 =	sadd.s32 @!p0 $0x11B8D, s6;
	_ =	swait.eq @!p0 [sflag:s5], $0x1  }
0xb2: {  	s4 =	sor.u32 @!p0 s4, s6;
	[sflag:s5] =	ssyncadd.s32 @!p0 $0xFFFFFFFF  }
0xb3: {  	s25 =	simm.s32 $0x1B8E;
	s24 =	sld [smem:$0x3FFE];
	[sflag:s4] =	ssyncadd.remote.s32 @!p0 $0x1  }
0xb4: {  	s26 =	simm.s32 $execute0_lowered;
	[smem:$0x3FD2] =	sst s25  }
0xb5: {  	s5 =	sshll.u32 s26, $0x1;
	_ =	strace $0x8000004C;
	[dreg:$0x1] =	wrdreg $0xFFFFFFFF  }
0xb6: {  	s28 =	simm.s32 $_size_execute0_lowered;
	s3 =	sadd.s32 s3, s5;
	[dreg:$0x0] =	wrdreg $0x0  }
0xb7: {  	s5 =	sshll.u32 s28, $0x1;
	[dreg:$0x2] =	wrdreg s3  }
0xb8: {  	[dreg:$0x3] =	wrdreg s5  }
0xb9: {  	[dreg:$0x4] =	wrdreg $0xC0  }
0xba: {  	_ =	task [dreg:s22], $0x5FFFF  }
0xbb: {  	[dreg:$0x1] =	wrdreg $0xFFFFFFFF  }
0xbc: {  	[dreg:$0x0] =	wrdreg $0x60  }
0xbd: {  	[dreg:$0x2] =	wrdreg s24  }
0xbe: {  	[dreg:$0x3] =	wrdreg $0xA  }
0xbf: {  	_ =	task.clear_ibuf [dreg:s22], $0x4FFFF;
	_ =	strace $0x9000004C  }
0xc0: {  	s29 =	simm.s32 $0xA;
	_ =	strace $0x8000004E  }
0xc1: {  	_ =	swait.ge [sflag:s29], $0x1  }
0xc2: {  	[sflag:s29] =	ssyncadd.s32 $0xFFFFFFFF  }
0xc3: {  	_ =	strace $0x9000004E  }
0xc4: {  	_ =	sfence  }
0xc5: {  	s30 =	sld [smem:$0x0];
	_ =	sdelay $0x2  }
0xc6: {  	s31 =	sshll.u32 s1, $0xD;
	s1 =	sshrl.u32 s1, $0x2  }
0xc7: {  	s4 =	sand.u32 $0x4000, s31;
	s1 =	sadd.s32 s1, s30  }
0xc8: {  	s0 =	sor.u32 s4, s0;
	s1 =	sshll.u32 s1, $0x11  }
0xc9: {  	s0 =	sor.u32 s1, s0  }
0xca: {  	s0 =	sadd.s32 $0x8F2B, s0  }
0xcb: {  	[sflag:s0] =	ssyncadd.remote.s32 $0x1  }
0xcc: {  	_ =	sfence.sel $0xFFFF  }
0xcd: {  	[dreg:$0x0] =	wrdreg $0xFFFFFFFF;
	(pc) =	sbr.abs _section_cstart, $3  }
0xce: {  	[dreg:$0x1] =	wrdreg $0xFFFFFFFF  }
0xcf: {  	_ =	task.clear_ibuf [dreg:s22], $0x2FFFF;
	_ =	strace $0x9FFFFFFF  }
0xd0: {  	(tm) =	ssettm $0x7FFFFFFF  }
0xd1: {  	_ =	shalt  }
tec
execute0_lowered:
.L_overlay_start_1:
0x0: {  	(tag) =	ssettag $0x1  }
0x1: {  	s0 =	srdreg.scid;
	s1 =	stileid.u32  }
0x2: {  	s4 =	rddreg [dreg:$0x0];
	s14 =	simm.s32 $0x7;
	s15 =	simm.s32 $0x100  }
0x3: {  	s17 =	simm.s32 $0x1000;
	s19 =	simm.s32 $0x9000;
	s21 =	simm.s32 $0x11000  }
0x4: {  	s22 =	simm.s32 $0x1;
	s23 =	simm.s32 $0x4;
	s25 =	simm.s32 $0x2  }
0x5: {  	s26 =	simm.s32 $0x5;
	s28 =	simm.s32 $0xC00;
	s0 =	sand.u32 $0x1, s0  }
0x6: {  	s31 =	simm.s32 $0xD00;
	s1 =	sshll.u32 s1, $0xC;
	s2 =	sshll.u32 s0, $0xB  }
0x7: {  	s0 =	ssub.s32 $0x2, s0;
	s1 =	sor.u32 s2, s1;
	s2 =	simm.s32 $0x0  }
0x8: {  	s11 =	sshrl.u32 s0, $0x1;
	s3 =	sshrl.u32 s1, $0x3;
	[smem:$0x7FF] =	sst s2  }
0x9: {  	s1 =	sshll.u32 s1, $0x4;
	s0 =	ssub.s32 s0, s11;
	s3 =	sadd.s32 s3, s4  }
0xa: {  	_ =	strace $0x8000004D;
	s1 =	sadd.s32 s1, s4;
	s4 =	sadd.s32 $0x7400, s4  }
0xb: {  	s13 =	smax.u32 s0, $0x1;
	s0 =	simm.s32 $0xF00;
	s5 =	sadd.s32 $0x287400, s1  }
0xc: {  	s29 =	simm.s32 $0x3;
	s6 =	sadd.s32 $0x288400, s1;
	s7 =	sadd.s32 $0x289400, s1  }
0xd: {  	s30 =	simm.s32 $0x6;
	s8 =	sadd.s32 $0x28A400, s1;
	s9 =	sadd.s32 $0x28B400, s1  }
0xe: {  	s16 =	simm.s32 $0x0;
	s10 =	sadd.s32 $0x28C400, s1;
	s11 =	sadd.s32 $0x28D400, s1  }
0xf: {  	s3 =	sadd.s32 $0x5400, s3;
	s12 =	sadd.s32 $0x28E400, s1;
	s1 =	simm.s32 $0xE00  }
.LBB2_1:
0x10: {  	[tilespmem:s2], [sflag:$0x7] =	stream.linear.gather [hbm4b:s3+s2], $0x800, $0x38;
	[tilespmem:$0x19000] =	vst v63  }
0x11: {  	_ =	swait.ge [sflag:s14], $0x800  }
0x12: {  	[sflag:s14] =	ssyncset.done $0x0  }
0x13: {  	s18 =	simm.s32 $0x0;
	[sflag:s14] =	ssyncadd.s32 $0xFFFFF800  }
0x14: {  	v0 =	vld [tilespmem:s18+$0x0]  }
0x15: {  	s20 =	simm.s32 $0x40  }
.LBB2_2:
0x16: {  	p0 =	sne.s32 s20, $0x1FC0  }
.Ltmp0:
0x17: {  	_ = 	snop;
	(pc) =	sbr.rel @p0 .LBB2_2-.Ltmp0, $4  }
0x18: {  	_ = 	snop  }
0x19: {  	s24 =	sshra.s32 s20, $0x2;
	s20 =	sadd.s32 $0x40, s20;
	v1 =	vand.u32 $0x1FFF, v0  }
0x1a: {  	v0 =	vld [tilespmem:s24+$0x0];
	v1 =	vor.u32 $0x2000, v1  }
0x1b: {  	[tilespmem:s18+$0x800] =	vst v1;
	s18 =	smov.u32 s24  }
0x1c: {  	_ =	sdelay $0x2  }
0x1d: {  	v0 =	vand.u32 $0x1FFF, v0  }
0x1e: {  	v0 =	vor.u32 $0x2000, v0  }
0x1f: {  	s20 =	simm.s32 $0x800;
	[tilespmem:s18+$0x800] =	vst v0  }
0x20: {  	[tilespmem:s17], [sflag:$0x1] =	stream.indirect.gather [hbm4b:s4+s15], $0x80, s20, s15, $0xb8;
	[tilespmem:$0x19000] =	vst v63  }
0x21: {  	s24 =	simm.s32 $0x900  }
0x22: {  	[tilespmem:s19], [sflag:$0x2] =	stream.indirect.gather [hbm4b:s4+s15], $0x80, s24, s15, $0xb8;
	[tilespmem:$0x19000] =	vst v63  }
0x23: {  	s20 =	simm.s32 $0xA00  }
0x24: {  	[tilespmem:s21], [sflag:$0x3] =	stream.indirect.gather [hbm4b:s4+s15], $0x80, s20, s15, $0xb8;
	[tilespmem:$0x19000] =	vst v63  }
0x25: {  	_ =	swait.ge [sflag:s22], $0x8000  }
0x26: {  	[sflag:s22] =	ssyncset.done $0x0  }
0x27: {  	[sflag:s22] =	ssyncadd.s32 $0xFFFF8000  }
0x28: {  	[hbm4b:s5+s2] =	stream.linear.scatter [tilespmem:s17], [sflag:$0x4], $0x8000, $0x38;
	[tilespmem:$0x19000] =	vst v63  }
0x29: {  	_ =	swait.ge [sflag:s23], $0x8000  }
0x2a: {  	[sflag:s23] =	ssyncset.done $0x0  }
0x2b: {  	s24 =	simm.s32 $0xB00;
	[sflag:s23] =	ssyncadd.s32 $0xFFFF8000  }
0x2c: {  	[tilespmem:s17], [sflag:$0x1] =	stream.indirect.gather [hbm4b:s4+s15], $0x80, s24, s15, $0xb8;
	[tilespmem:$0x19000] =	vst v63  }
0x2d: {  	_ =	swait.ge [sflag:s25], $0x8000  }
0x2e: {  	[sflag:s25] =	ssyncset.done $0x0  }
0x2f: {  	[sflag:s25] =	ssyncadd.s32 $0xFFFF8000  }
0x30: {  	[hbm4b:s6+s2] =	stream.linear.scatter [tilespmem:s19], [sflag:$0x5], $0x8000, $0x38;
	[tilespmem:$0x19000] =	vst v63  }
0x31: {  	_ =	swait.ge [sflag:s26], $0x8000  }
0x32: {  	[sflag:s26] =	ssyncset.done $0x0  }
0x33: {  	[sflag:s26] =	ssyncadd.s32 $0xFFFF8000  }
0x34: {  	[tilespmem:s19], [sflag:$0x2] =	stream.indirect.gather [hbm4b:s4+s15], $0x80, s28, s15, $0xb8;
	[tilespmem:$0x19000] =	vst v63  }
0x35: {  	_ =	swait.ge [sflag:s29], $0x8000  }
0x36: {  	[sflag:s29] =	ssyncset.done $0x0  }
0x37: {  	[sflag:s29] =	ssyncadd.s32 $0xFFFF8000  }
0x38: {  	[hbm4b:s7+s2] =	stream.linear.scatter [tilespmem:s21], [sflag:$0x6], $0x8000, $0x38;
	[tilespmem:$0x19000] =	vst v63  }
0x39: {  	_ =	swait.ge [sflag:s30], $0x8000  }
0x3a: {  	[sflag:s30] =	ssyncset.done $0x0  }
0x3b: {  	[sflag:s30] =	ssyncadd.s32 $0xFFFF8000  }
0x3c: {  	[tilespmem:s21], [sflag:$0x3] =	stream.indirect.gather [hbm4b:s4+s15], $0x80, s31, s15, $0xb8;
	[tilespmem:$0x19000] =	vst v63  }
0x3d: {  	_ =	swait.ge [sflag:s22], $0x8000  }
0x3e: {  	[sflag:s22] =	ssyncset.done $0x0  }
0x3f: {  	[sflag:s22] =	ssyncadd.s32 $0xFFFF8000  }
0x40: {  	[hbm4b:s8+s2] =	stream.linear.scatter [tilespmem:s17], [sflag:$0x4], $0x8000, $0x38;
	[tilespmem:$0x19000] =	vst v63  }
0x41: {  	_ =	swait.ge [sflag:s23], $0x8000  }
0x42: {  	[sflag:s23] =	ssyncset.done $0x0  }
0x43: {  	[sflag:s23] =	ssyncadd.s32 $0xFFFF8000  }
0x44: {  	[tilespmem:s17], [sflag:$0x1] =	stream.indirect.gather [hbm4b:s4+s15], $0x80, s1, s15, $0xb8;
	[tilespmem:$0x19000] =	vst v63  }
0x45: {  	_ =	swait.ge [sflag:s25], $0x8000  }
0x46: {  	[sflag:s25] =	ssyncset.done $0x0  }
0x47: {  	[sflag:s25] =	ssyncadd.s32 $0xFFFF8000  }
0x48: {  	[hbm4b:s9+s2] =	stream.linear.scatter [tilespmem:s19], [sflag:$0x5], $0x8000, $0x38;
	[tilespmem:$0x19000] =	vst v63  }
0x49: {  	_ =	swait.ge [sflag:s26], $0x8000  }
0x4a: {  	[sflag:s26] =	ssyncset.done $0x0  }
0x4b: {  	[sflag:s26] =	ssyncadd.s32 $0xFFFF8000  }
0x4c: {  	[tilespmem:s19], [sflag:$0x2] =	stream.indirect.gather [hbm4b:s4+s15], $0x80, s0, s15, $0xb8;
	[tilespmem:$0x19000] =	vst v63  }
0x4d: {  	_ =	swait.ge [sflag:s29], $0x8000  }
0x4e: {  	[sflag:s29] =	ssyncset.done $0x0  }
0x4f: {  	[sflag:s29] =	ssyncadd.s32 $0xFFFF8000  }
0x50: {  	[hbm4b:s10+s2] =	stream.linear.scatter [tilespmem:s21], [sflag:$0x6], $0x8000, $0x38;
	[tilespmem:$0x19000] =	vst v63  }
0x51: {  	_ =	swait.ge [sflag:s22], $0x8000  }
0x52: {  	[sflag:s22] =	ssyncset.done $0x0  }
0x53: {  	[sflag:s22] =	ssyncadd.s32 $0xFFFF8000  }
0x54: {  	[hbm4b:s11+s2] =	stream.linear.scatter [tilespmem:s17], [sflag:$0x4], $0x8000, $0x38;
	[tilespmem:$0x19000] =	vst v63  }
0x55: {  	_ =	swait.ge [sflag:s25], $0x8000  }
0x56: {  	[sflag:s25] =	ssyncset.done $0x0  }
0x57: {  	[sflag:s25] =	ssyncadd.s32 $0xFFFF8000  }
0x58: {  	[hbm4b:s12+s2] =	stream.linear.scatter [tilespmem:s19], [sflag:$0x5], $0x8000, $0x38;
	[tilespmem:$0x19000] =	vst v63  }
0x59: {  	_ =	swait.ge [sflag:s30], $0x8000  }
0x5a: {  	[sflag:s30] =	ssyncset.done $0x0  }
0x5b: {  	s16 =	sadd.s32 $0x1, s16;
	[sflag:s30] =	ssyncadd.s32 $0xFFFF8000  }
0x5c: {  	p0 =	sne.s32 s16, s13;
	_ =	swait.ge [sflag:s23], $0x8000  }
.Ltmp1:
0x5d: {  	[sflag:s23] =	ssyncset.done $0x0;
	(pc) =	sbr.rel @p0 .LBB2_1-.Ltmp1, $4  }
0x5e: {  	[sflag:s23] =	ssyncadd.s32 $0xFFFF8000  }
0x5f: {  	_ =	swait.ge [sflag:s26], $0x8000  }
0x60: {  	[sflag:s26] =	ssyncset.done $0x0  }
0x61: {  	[sflag:s26] =	ssyncadd.s32 $0xFFFF8000  }
0x62: {  	_ =	sfence.sel $0x180000  }
0x63: {  	[bflag:$0x0] =	sbarrier.arrive $0xFFFF  }
0x64: {  	_ =	strace $0x9000004D  }
0x65: {  	s0 =	stileid.u32;
	[bflag:$0x2] =	sbarrier.arrive $0xFFFF  }
0x66: {  	p0 =	sne.s32 s0, $0x0;
	s0 =	rddreg [dreg:$0x1]  }
0x67: {  	s0 =	sadd.s32 @!p0 $0x100000, s0  }
0x68: {  	[sflag:s0] =	ssyncadd.tile.s32 @!p0 $0x1;
	_ =	shalt  }
.Lfunc_end2:
_tile_overlayer_lowered:
.L_overlay_start_2:
0x69: {  	(tag) =	ssettag $0x2  }
0x6a: {  	s0 =	rddreg [dreg:$0x0];
	s2 =	stileid.u32  }
0x6b: {  	s1 =	rddreg [dreg:$0x1];
	p0 =	sne.s32 s2, $0x0  }
0x6c: {  	s3 =	rddreg [dreg:$0x2];
	[bflag:$0x3] =	sbarrier.arrive $0xFFFF;
	s2 =	simm.s32 @!p0 $0x1C07  }
0x6d: {  	[timem:s3], [sflag:s2] =	dma.local @!p0 [hbm:s0], s1  }
0x6e: {  	s0 =	simm.s32 @!p0 $0x7  }
0x6f: {  	_ =	swait.ge @!p0 [sflag:s0], s1  }
0x70: {  	s1 =	ssub.s32 @!p0 $0x0, s1;
	[sflag:s0] =	ssyncset.done @!p0 $0x0  }
0x71: {  	[sflag:s0] =	ssyncadd.s32 @!p0 s1  }
0x72: {  	[bflag:$0x3] =	sbarrier.arrive $0xFFFF  }
0x73: {  	_ =	shalt  }

// kernel: kernel.16.cloned.1.call-start
scs
__scs_entry_jumppad:
0x0: {  	(pc) =	sbr.rel $0x88, $3  }
0x1: {  	(tag) =	ssettag $0x0;
	lr =	simm.s32 $0x1  }
0x2: {  	[smem:$0x3F9D] =	sst lr;
	_ =	strace $0xD0000000  }
0x3: {  	_ = 	snop  }
0x4: {  	_ = 	snop  }
0x5: {  	_ = 	snop  }
0x6: {  	_ = 	snop  }
0x7: {  	_ = 	snop  }
__scs_overlays_trampoline_lowered:
0x8: {  	[smem:$0x3FAC] =	sst s0  }
0x9: {  	[smem:$0x3FAD] =	sst s1  }
0xa: {  	[smem:$0x3FAE] =	sst s2  }
0xb: {  	[smem:$0x3FAF] =	sst s3  }
0xc: {  	[smem:$0x3FB0] =	sst s4  }
0xd: {  	[smem:$0x3FB1] =	sst s5  }
0xe: {  	[smem:$0x3FB2] =	sst s6  }
0xf: {  	[smem:$0x3FB3] =	sst s7  }
0x10: {  	[smem:$0x3FB4] =	sst s8  }
0x11: {  	[smem:$0x3FB5] =	sst s9;
	s0 =	simm.s32 @!p0 $0x0  }
0x12: {  	s1 =	sld [smem:$0x3F9B];
	s0 =	simm.s32 @p0 $0x1  }
0x13: {  	[smem:$0x3FB6] =	sst s0;
	s0 =	simm.s32 @!p1 $0x0  }
0x14: {  	s2 =	sld [smem:$0x3F9A];
	s0 =	simm.s32 @p1 $0x1  }
0x15: {  	[smem:$0x3FB7] =	sst s0;
	s0 =	simm.s32 @!p2 $0x0  }
0x16: {  	s3 =	sld [smem:$0x3FDB];
	s0 =	simm.s32 @p2 $0x1  }
0x17: {  	s4 =	simm.s32 $0x1BF5;
	[smem:$0x3FB9] =	sst s0  }
0x18: {  	s0 =	sld [smem:$0x3F9C];
	_ =	swait.ge [sflag:s4], $0x0  }
0x19: {  	s7 =	sld [smem:$0x3F9D]  }
0x1a: {  	s8 =	sadd.s32 $0xFFFFE003, lr  }
0x1b: {  	s9 =	sadd.s32 $0xFFFFFEF7, lr;
	s5 =	simm.s32 $0xFFFFFFFF;
	p2 =	slt.u32 s8, $0xFFFFF086  }
0x1c: {  	p1 =	slt.u32 s9, $0xF7A;
	s5 =	simm.s32 @!p2 $0x0  }
0x1d: {  	s5 =	simm.s32 @p1 $0x1;
	p0 =	seq.s32 s7, s2  }
0x1e: {  	s7 =	smul.u32 @!p0 $0xF7A, s2;
	p2 =	seq.s32 @!p0 s5, $0x0  }
0x1f: {  	s9 =	smul.u32 $0xF7A, s1;
	s8 =	simm.s32 @!p0 $0x1BF5;
	p2 =	por !p2, p0  }
0x20: {  	[sflag:s8] =	ssyncset.s32 @!p0 $0xFFFFF086;
	s6 =	sadd.s32 @!p0 s3, s7;
	s7 =	simm.s32 @!p0 $0x108  }
0x21: {  	s3 =	sadd.s32 s3, s9;
	s6 =	sadd.s32 @!p0 $0x88, s6;
	s7 =	simm.s32 @p2 $0x1082  }
0x22: {  	[simem:s7], [sflag:s8] =	dma.local @!p0 [hbm:s6], $0xF7A  }
0x23: {  	s9 =	sor.u32 $0xD0000000, s2;
	s6 =	simm.s32 $0x108;
	_ =	swait.ge @!p0 [sflag:s8], $0x0  }
0x24: {  	s3 =	sadd.s32 $0x88, s3;
	s6 =	simm.s32 @!p1 $0x1082;
	[sflag:s4] =	ssyncset.s32 $0xFFFFF086  }
0x25: {  	[simem:s6], [sflag:s4] =	dma.local [hbm:s3], $0xF7A  }
0x26: {  	[smem:$0x3F9D] =	sst s1;
	(tag) =	ssettag s2;
	_ =	strace s9  }
0x27: {  	s1 =	sld [smem:$0x3FAD]  }
0x28: {  	s2 =	sld [smem:$0x3FAE]  }
0x29: {  	s4 =	sld [smem:$0x3FB0]  }
0x2a: {  	p0 =	seq.s32 s5, $0x0;
	s5 =	sld [smem:$0x3FB1]  }
0x2b: {  	s6 =	sld [smem:$0x3FB2]  }
0x2c: {  	s7 =	sld [smem:$0x3FB3]  }
0x2d: {  	s3 =	simm.s32 $0x108;
	s8 =	sld [smem:$0x3FB4]  }
0x2e: {  	s3 =	simm.s32 @!p0 $0x1082;
	s9 =	sld [smem:$0x3FB5]  }
0x2f: {  	lr =	sadd.s32 s0, s3;
	s0 =	sld [smem:$0x3FAC]  }
0x30: {  	s3 =	sld [smem:$0x3FAF]  }
0x31: {  	[smem:$0x3FB8] =	sst s10  }
0x32: {  	s10 =	sld [smem:$0x3FB6];
	_ =	sdelay $0x3  }
0x33: {  	p0 =	seq.s32 s10, $0x1;
	s10 =	sld [smem:$0x3FB8];
	_ =	sdelay $0x3  }
0x34: {  	[smem:$0x3FB8] =	sst s10  }
0x35: {  	s10 =	sld [smem:$0x3FB7];
	_ =	sdelay $0x3  }
0x36: {  	p1 =	seq.s32 s10, $0x1;
	s10 =	sld [smem:$0x3FB8];
	_ =	sdelay $0x3  }
0x37: {  	[smem:$0x3FB8] =	sst s10  }
0x38: {  	s10 =	sld [smem:$0x3FB9]  }
0x39: {  	_ = 	snop;
	(pc) =	sbr.ind lr, $3  }
0x3a: {  	_ = 	snop  }
0x3b: {  	_ = 	snop  }
0x3c: {  	p2 =	seq.s32 s10, $0x1;
	s10 =	sld [smem:$0x3FB8]  }
0x3d: {  	_ =	shalt  }
0x3e: {  	_ =	shalt  }
0x3f: {  	_ =	shalt  }
0x40: {  	_ =	shalt  }
0x41: {  	_ =	shalt  }
0x42: {  	_ =	shalt  }
0x43: {  	_ =	shalt  }
0x44: {  	_ =	shalt  }
0x45: {  	_ =	shalt  }
0x46: {  	_ =	shalt  }
0x47: {  	_ =	shalt  }
0x48: {  	_ =	shalt  }
0x49: {  	_ =	shalt  }
0x4a: {  	_ =	shalt  }
0x4b: {  	_ =	shalt  }
0x4c: {  	_ =	shalt  }
0x4d: {  	_ =	shalt  }
0x4e: {  	_ =	shalt  }
0x4f: {  	_ =	shalt  }
0x50: {  	_ =	shalt  }
0x51: {  	_ =	shalt  }
0x52: {  	_ =	shalt  }
0x53: {  	_ =	shalt  }
0x54: {  	_ =	shalt  }
0x55: {  	_ =	shalt  }
0x56: {  	_ =	shalt  }
0x57: {  	_ =	shalt  }
0x58: {  	_ =	shalt  }
0x59: {  	_ =	shalt  }
0x5a: {  	_ =	shalt  }
0x5b: {  	_ =	shalt  }
0x5c: {  	_ =	shalt  }
0x5d: {  	_ =	shalt  }
0x5e: {  	_ =	shalt  }
0x5f: {  	_ =	shalt  }
0x60: {  	_ =	shalt  }
0x61: {  	_ =	shalt  }
0x62: {  	_ =	shalt  }
0x63: {  	_ =	shalt  }
0x64: {  	_ =	shalt  }
0x65: {  	_ =	shalt  }
0x66: {  	_ =	shalt  }
0x67: {  	_ =	shalt  }
0x68: {  	_ =	shalt  }
0x69: {  	_ =	shalt  }
0x6a: {  	_ =	shalt  }
0x6b: {  	_ =	shalt  }
0x6c: {  	_ =	shalt  }
0x6d: {  	_ =	shalt  }
0x6e: {  	_ =	shalt  }
0x6f: {  	_ =	shalt  }
0x70: {  	_ =	shalt  }
0x71: {  	_ =	shalt  }
0x72: {  	_ =	shalt  }
0x73: {  	_ =	shalt  }
0x74: {  	_ =	shalt  }
0x75: {  	_ =	shalt  }
0x76: {  	_ =	shalt  }
0x77: {  	_ =	shalt  }
0x78: {  	_ =	shalt  }
0x79: {  	_ =	shalt  }
0x7a: {  	_ =	shalt  }
0x7b: {  	_ =	shalt  }
0x7c: {  	_ =	shalt  }
0x7d: {  	_ =	shalt  }
0x7e: {  	_ =	shalt  }
0x7f: {  	_ =	shalt  }
0x80: {  	_ =	shalt  }
0x81: {  	_ =	shalt  }
0x82: {  	_ =	shalt  }
0x83: {  	_ =	shalt  }
0x84: {  	_ =	shalt  }
0x85: {  	_ =	shalt  }
0x86: {  	_ =	shalt  }
0x87: {  	_ =	shalt  }
.Lfunc_end0:
.L_simem_size_0:
called_computation.2_lowered:
.L_overlay_start_0:
0x88: {  	s2 =	sld [smem:$0x3FD9]  }
0x89: {  	s3 =	sld [smem:$0x3FFE];
	_ =	sdelay $0x1  }
0x8a: {  	s1 =	srdreg.scid  }
0x8b: {  	s0 =	sand.u32 $0x1, s1  }
0x8c: {  	s17 =	sshll.u32 s0, $0xA;
	s2 =	sadd.s32 s3, s2  }
0x8d: {  	s2 =	sadd.s32 s2, s17  }
0x8e: {  	[smem:$0x3FC4] =	sst s2  }
0x8f: {  	_ = 	snop  }
0x90: {  	(tm) =	ssettm $0x1  }
0x91: {  	s18 =	sld [smem:$0x3FFB];
	_ =	sdelay $0x3  }
0x92: {  	_ =	strace s18  }
0x93: {  	s2 =	sld [smem:$0x3FFC];
	_ =	sdelay $0x3  }
0x94: {  	_ =	strace s2  }
0x95: {  	s2 =	sld [smem:$0x3FFD];
	_ =	sdelay $0x3  }
0x96: {  	_ =	strace s2  }
0x97: {  	_ =	strace $0x8FFFFFFF  }
0x98: {  	s19 =	sld [smem:$0x3FDB];
	_ =	sdelay $0x1  }
0x99: {  	s20 =	simm.s32 $_scs_section_size  }
0x9a: {  	s4 =	simm.s32 $_size__tile_overlayer_lowered;
	s5 =	simm.s32 $_tile_overlayer_lowered  }
0x9b: {  	s6 =	simm.s32 $0x1BFF;
	s21 =	sshll.u32 s5, $0x1;
	s3 =	sadd.s32 s20, s19  }
0x9c: {  	s22 =	simm.s32 $0x0;
	s4 =	sshll.u32 s4, $0x1;
	s5 =	sadd.s32 s21, s3  }
0x9d: {  	[timem:s22], [sflag:s6] =	dma.local [hbm:s5], s4  }
0x9e: {  	_ =	swait.ge [sflag:s6], s4  }
0x9f: {  	s4 =	ssub.s32 $0x0, s4;
	[sflag:s6] =	ssyncset.done $0x0  }
0xa0: {  	[sflag:s6] =	ssyncadd.s32 s4;
	_ =	sdelay $0x1  }
0xa1: {  	s23 =	simm.s32 $0x1B8B  }
0xa2: {  	_ =	swait.ge [sflag:s23], $0x1  }
0xa3: {  	[sflag:s23] =	ssyncset.done $0x0  }
0xa4: {  	[sflag:s23] =	ssyncadd.s32 $0xFFFFFFFF  }
0xa5: {  	s4 =	sld [smem:$0x0]  }
0xa6: {  	s5 =	sand.u32 $0xFFFFFFFE, s1  }
0xa7: {  	p0 =	sne.s32 s1, s5  }
0xa8: {  	s5 =	sshll.u32 @p0 s5, $0xE  }
0xa9: {  	s5 =	sadd.s32 @p0 $0x11B8D, s5;
	s6 =	sshll.u32 @p0 s4, $0x11  }
0xaa: {  	s5 =	sor.u32 @p0 s6, s5  }
0xab: {  	[sflag:s5] =	ssyncadd.remote.s32 @p0 $0x1;
	_ =	sdelay $0x1  }
0xac: {  	s5 =	simm.s32 @p0 $0x1B8D  }
0xad: {  	_ =	swait.eq @p0 [sflag:s5], $0x1  }
0xae: {  	[sflag:s5] =	ssyncadd.s32 @p0 $0xFFFFFFFF  }
0xaf: {  	s6 =	sshll.u32 @!p0 s1, $0xE  }
0xb0: {  	s6 =	sor.u32 @!p0 $0x4000, s6;
	s5 =	simm.s32 @!p0 $0x1B8D  }
0xb1: {  	s4 =	sshll.u32 @!p0 s4, $0x11;
	s6 =	sadd.s32 @!p0 $0x11B8D, s6;
	_ =	swait.eq @!p0 [sflag:s5], $0x1  }
0xb2: {  	s4 =	sor.u32 @!p0 s4, s6;
	[sflag:s5] =	ssyncadd.s32 @!p0 $0xFFFFFFFF  }
0xb3: {  	s25 =	simm.s32 $0x1B8E;
	s24 =	sld [smem:$0x3FFE];
	[sflag:s4] =	ssyncadd.remote.s32 @!p0 $0x1  }
0xb4: {  	s26 =	simm.s32 $execute0_lowered;
	[smem:$0x3FD2] =	sst s25  }
0xb5: {  	s5 =	sshll.u32 s26, $0x1;
	_ =	strace $0x80000049;
	[dreg:$0x1] =	wrdreg $0xFFFFFFFF  }
0xb6: {  	s28 =	simm.s32 $_size_execute0_lowered;
	s3 =	sadd.s32 s3, s5;
	[dreg:$0x0] =	wrdreg $0x0  }
0xb7: {  	s5 =	sshll.u32 s28, $0x1;
	[dreg:$0x2] =	wrdreg s3  }
0xb8: {  	[dreg:$0x3] =	wrdreg s5  }
0xb9: {  	[dreg:$0x4] =	wrdreg $0xC0  }
0xba: {  	_ =	task [dreg:s22], $0x5FFFF  }
0xbb: {  	[dreg:$0x1] =	wrdreg $0xFFFFFFFF  }
0xbc: {  	[dreg:$0x0] =	wrdreg $0x60  }
0xbd: {  	[dreg:$0x2] =	wrdreg s24  }
0xbe: {  	[dreg:$0x3] =	wrdreg $0xB  }
0xbf: {  	_ =	task.clear_ibuf [dreg:s22], $0x4FFFF;
	_ =	strace $0x90000049  }
0xc0: {  	s29 =	simm.s32 $0xB;
	_ =	strace $0x8000004B  }
0xc1: {  	_ =	swait.ge [sflag:s29], $0x1  }
0xc2: {  	[sflag:s29] =	ssyncadd.s32 $0xFFFFFFFF  }
0xc3: {  	_ =	strace $0x9000004B  }
0xc4: {  	_ =	sfence  }
0xc5: {  	s30 =	sld [smem:$0x0];
	_ =	sdelay $0x2  }
0xc6: {  	s31 =	sshll.u32 s1, $0xD;
	s1 =	sshrl.u32 s1, $0x2  }
0xc7: {  	s4 =	sand.u32 $0x4000, s31;
	s1 =	sadd.s32 s1, s30  }
0xc8: {  	s0 =	sor.u32 s4, s0;
	s1 =	sshll.u32 s1, $0x11  }
0xc9: {  	s0 =	sor.u32 s1, s0  }
0xca: {  	s0 =	sadd.s32 $0x8F2B, s0  }
0xcb: {  	[sflag:s0] =	ssyncadd.remote.s32 $0x1  }
0xcc: {  	_ =	sfence.sel $0xFFFF  }
0xcd: {  	[dreg:$0x0] =	wrdreg $0xFFFFFFFF;
	(pc) =	sbr.abs _section_cstart, $3  }
0xce: {  	[dreg:$0x1] =	wrdreg $0xFFFFFFFF  }
0xcf: {  	_ =	task.clear_ibuf [dreg:s22], $0x2FFFF;
	_ =	strace $0x9FFFFFFF  }
0xd0: {  	(tm) =	ssettm $0x7FFFFFFF  }
0xd1: {  	_ =	shalt  }
tec
execute0_lowered:
.L_overlay_start_1:
0x0: {  	(tag) =	ssettag $0x1  }
0x1: {  	s0 =	srdreg.scid;
	s1 =	stileid.u32  }
0x2: {  	s4 =	rddreg [dreg:$0x0];
	s14 =	simm.s32 $0x7;
	s15 =	simm.s32 $0x100  }
0x3: {  	s17 =	simm.s32 $0x1000;
	s19 =	simm.s32 $0x9000;
	s21 =	simm.s32 $0x11000  }
0x4: {  	s22 =	simm.s32 $0x1;
	s23 =	simm.s32 $0x4;
	s25 =	simm.s32 $0x2  }
0x5: {  	s26 =	simm.s32 $0x5;
	s28 =	simm.s32 $0xC00;
	s0 =	sand.u32 $0x1, s0  }
0x6: {  	s31 =	simm.s32 $0xD00;
	s1 =	sshll.u32 s1, $0xC;
	s2 =	sshll.u32 s0, $0xB  }
0x7: {  	s0 =	ssub.s32 $0x2, s0;
	s1 =	sor.u32 s2, s1;
	s2 =	simm.s32 $0x0  }
0x8: {  	s11 =	sshrl.u32 s0, $0x1;
	s3 =	sshrl.u32 s1, $0x3;
	[smem:$0x7FF] =	sst s2  }
0x9: {  	s1 =	sshll.u32 s1, $0x4;
	s0 =	ssub.s32 s0, s11;
	s3 =	sadd.s32 s3, s4  }
0xa: {  	_ =	strace $0x8000004A;
	s1 =	sadd.s32 s1, s4;
	s4 =	sadd.s32 $0x7400, s4  }
0xb: {  	s13 =	smax.u32 s0, $0x1;
	s0 =	simm.s32 $0xF00;
	s5 =	sadd.s32 $0x187400, s1  }
0xc: {  	s29 =	simm.s32 $0x3;
	s6 =	sadd.s32 $0x188400, s1;
	s7 =	sadd.s32 $0x189400, s1  }
0xd: {  	s30 =	simm.s32 $0x6;
	s8 =	sadd.s32 $0x18A400, s1;
	s9 =	sadd.s32 $0x18B400, s1  }
0xe: {  	s16 =	simm.s32 $0x0;
	s10 =	sadd.s32 $0x18C400, s1;
	s11 =	sadd.s32 $0x18D400, s1  }
0xf: {  	s3 =	sadd.s32 $0x3400, s3;
	s12 =	sadd.s32 $0x18E400, s1;
	s1 =	simm.s32 $0xE00  }
.LBB2_1:
0x10: {  	[tilespmem:s2], [sflag:$0x7] =	stream.linear.gather [hbm4b:s3+s2], $0x800, $0x38;
	[tilespmem:$0x19000] =	vst v63  }
0x11: {  	_ =	swait.ge [sflag:s14], $0x800  }
0x12: {  	[sflag:s14] =	ssyncset.done $0x0  }
0x13: {  	s18 =	simm.s32 $0x0;
	[sflag:s14] =	ssyncadd.s32 $0xFFFFF800  }
0x14: {  	v0 =	vld [tilespmem:s18+$0x0]  }
0x15: {  	s20 =	simm.s32 $0x40  }
.LBB2_2:
0x16: {  	p0 =	sne.s32 s20, $0x1FC0  }
.Ltmp0:
0x17: {  	_ = 	snop;
	(pc) =	sbr.rel @p0 .LBB2_2-.Ltmp0, $4  }
0x18: {  	_ = 	snop  }
0x19: {  	s24 =	sshra.s32 s20, $0x2;
	s20 =	sadd.s32 $0x40, s20;
	v1 =	vand.u32 $0x1FFF, v0  }
0x1a: {  	v0 =	vld [tilespmem:s24+$0x0];
	v1 =	vor.u32 $0x4000, v1  }
0x1b: {  	[tilespmem:s18+$0x800] =	vst v1;
	s18 =	smov.u32 s24  }
0x1c: {  	_ =	sdelay $0x2  }
0x1d: {  	v0 =	vand.u32 $0x1FFF, v0  }
0x1e: {  	v0 =	vor.u32 $0x4000, v0  }
0x1f: {  	s20 =	simm.s32 $0x800;
	[tilespmem:s18+$0x800] =	vst v0  }
0x20: {  	[tilespmem:s17], [sflag:$0x1] =	stream.indirect.gather [hbm4b:s4+s15], $0x80, s20, s15, $0xb8;
	[tilespmem:$0x19000] =	vst v63  }
0x21: {  	s24 =	simm.s32 $0x900  }
0x22: {  	[tilespmem:s19], [sflag:$0x2] =	stream.indirect.gather [hbm4b:s4+s15], $0x80, s24, s15, $0xb8;
	[tilespmem:$0x19000] =	vst v63  }
0x23: {  	s20 =	simm.s32 $0xA00  }
0x24: {  	[tilespmem:s21], [sflag:$0x3] =	stream.indirect.gather [hbm4b:s4+s15], $0x80, s20, s15, $0xb8;
	[tilespmem:$0x19000] =	vst v63  }
0x25: {  	_ =	swait.ge [sflag:s22], $0x8000  }
0x26: {  	[sflag:s22] =	ssyncset.done $0x0  }
0x27: {  	[sflag:s22] =	ssyncadd.s32 $0xFFFF8000  }
0x28: {  	[hbm4b:s5+s2] =	stream.linear.scatter [tilespmem:s17], [sflag:$0x4], $0x8000, $0x38;
	[tilespmem:$0x19000] =	vst v63  }
0x29: {  	_ =	swait.ge [sflag:s23], $0x8000  }
0x2a: {  	[sflag:s23] =	ssyncset.done $0x0  }
0x2b: {  	s24 =	simm.s32 $0xB00;
	[sflag:s23] =	ssyncadd.s32 $0xFFFF8000  }
0x2c: {  	[tilespmem:s17], [sflag:$0x1] =	stream.indirect.gather [hbm4b:s4+s15], $0x80, s24, s15, $0xb8;
	[tilespmem:$0x19000] =	vst v63  }
0x2d: {  	_ =	swait.ge [sflag:s25], $0x8000  }
0x2e: {  	[sflag:s25] =	ssyncset.done $0x0  }
0x2f: {  	[sflag:s25] =	ssyncadd.s32 $0xFFFF8000  }
0x30: {  	[hbm4b:s6+s2] =	stream.linear.scatter [tilespmem:s19], [sflag:$0x5], $0x8000, $0x38;
	[tilespmem:$0x19000] =	vst v63  }
0x31: {  	_ =	swait.ge [sflag:s26], $0x8000  }
0x32: {  	[sflag:s26] =	ssyncset.done $0x0  }
0x33: {  	[sflag:s26] =	ssyncadd.s32 $0xFFFF8000  }
0x34: {  	[tilespmem:s19], [sflag:$0x2] =	stream.indirect.gather [hbm4b:s4+s15], $0x80, s28, s15, $0xb8;
	[tilespmem:$0x19000] =	vst v63  }
0x35: {  	_ =	swait.ge [sflag:s29], $0x8000  }
0x36: {  	[sflag:s29] =	ssyncset.done $0x0  }
0x37: {  	[sflag:s29] =	ssyncadd.s32 $0xFFFF8000  }
0x38: {  	[hbm4b:s7+s2] =	stream.linear.scatter [tilespmem:s21], [sflag:$0x6], $0x8000, $0x38;
	[tilespmem:$0x19000] =	vst v63  }
0x39: {  	_ =	swait.ge [sflag:s30], $0x8000  }
0x3a: {  	[sflag:s30] =	ssyncset.done $0x0  }
0x3b: {  	[sflag:s30] =	ssyncadd.s32 $0xFFFF8000  }
0x3c: {  	[tilespmem:s21], [sflag:$0x3] =	stream.indirect.gather [hbm4b:s4+s15], $0x80, s31, s15, $0xb8;
	[tilespmem:$0x19000] =	vst v63  }
0x3d: {  	_ =	swait.ge [sflag:s22], $0x8000  }
0x3e: {  	[sflag:s22] =	ssyncset.done $0x0  }
0x3f: {  	[sflag:s22] =	ssyncadd.s32 $0xFFFF8000  }
0x40: {  	[hbm4b:s8+s2] =	stream.linear.scatter [tilespmem:s17], [sflag:$0x4], $0x8000, $0x38;
	[tilespmem:$0x19000] =	vst v63  }
0x41: {  	_ =	swait.ge [sflag:s23], $0x8000  }
0x42: {  	[sflag:s23] =	ssyncset.done $0x0  }
0x43: {  	[sflag:s23] =	ssyncadd.s32 $0xFFFF8000  }
0x44: {  	[tilespmem:s17], [sflag:$0x1] =	stream.indirect.gather [hbm4b:s4+s15], $0x80, s1, s15, $0xb8;
	[tilespmem:$0x19000] =	vst v63  }
0x45: {  	_ =	swait.ge [sflag:s25], $0x8000  }
0x46: {  	[sflag:s25] =	ssyncset.done $0x0  }
0x47: {  	[sflag:s25] =	ssyncadd.s32 $0xFFFF8000  }
0x48: {  	[hbm4b:s9+s2] =	stream.linear.scatter [tilespmem:s19], [sflag:$0x5], $0x8000, $0x38;
	[tilespmem:$0x19000] =	vst v63  }
0x49: {  	_ =	swait.ge [sflag:s26], $0x8000  }
0x4a: {  	[sflag:s26] =	ssyncset.done $0x0  }
0x4b: {  	[sflag:s26] =	ssyncadd.s32 $0xFFFF8000  }
0x4c: {  	[tilespmem:s19], [sflag:$0x2] =	stream.indirect.gather [hbm4b:s4+s15], $0x80, s0, s15, $0xb8;
	[tilespmem:$0x19000] =	vst v63  }
0x4d: {  	_ =	swait.ge [sflag:s29], $0x8000  }
0x4e: {  	[sflag:s29] =	ssyncset.done $0x0  }
0x4f: {  	[sflag:s29] =	ssyncadd.s32 $0xFFFF8000  }
0x50: {  	[hbm4b:s10+s2] =	stream.linear.scatter [tilespmem:s21], [sflag:$0x6], $0x8000, $0x38;
	[tilespmem:$0x19000] =	vst v63  }
0x51: {  	_ =	swait.ge [sflag:s22], $0x8000  }
0x52: {  	[sflag:s22] =	ssyncset.done $0x0  }
0x53: {  	[sflag:s22] =	ssyncadd.s32 $0xFFFF8000  }
0x54: {  	[hbm4b:s11+s2] =	stream.linear.scatter [tilespmem:s17], [sflag:$0x4], $0x8000, $0x38;
	[tilespmem:$0x19000] =	vst v63  }
0x55: {  	_ =	swait.ge [sflag:s25], $0x8000  }
0x56: {  	[sflag:s25] =	ssyncset.done $0x0  }
0x57: {  	[sflag:s25] =	ssyncadd.s32 $0xFFFF8000  }
0x58: {  	[hbm4b:s12+s2] =	stream.linear.scatter [tilespmem:s19], [sflag:$0x5], $0x8000, $0x38;
	[tilespmem:$0x19000] =	vst v63  }
0x59: {  	_ =	swait.ge [sflag:s30], $0x8000  }
0x5a: {  	[sflag:s30] =	ssyncset.done $0x0  }
0x5b: {  	s16 =	sadd.s32 $0x1, s16;
	[sflag:s30] =	ssyncadd.s32 $0xFFFF8000  }
0x5c: {  	p0 =	sne.s32 s16, s13;
	_ =	swait.ge [sflag:s23], $0x8000  }
.Ltmp1:
0x5d: {  	[sflag:s23] =	ssyncset.done $0x0;
	(pc) =	sbr.rel @p0 .LBB2_1-.Ltmp1, $4  }
0x5e: {  	[sflag:s23] =	ssyncadd.s32 $0xFFFF8000  }
0x5f: {  	_ =	swait.ge [sflag:s26], $0x8000  }
0x60: {  	[sflag:s26] =	ssyncset.done $0x0  }
0x61: {  	[sflag:s26] =	ssyncadd.s32 $0xFFFF8000  }
0x62: {  	_ =	sfence.sel $0x180000  }
0x63: {  	[bflag:$0x0] =	sbarrier.arrive $0xFFFF  }
0x64: {  	_ =	strace $0x9000004A  }
0x65: {  	s0 =	stileid.u32;
	[bflag:$0x2] =	sbarrier.arrive $0xFFFF  }
0x66: {  	p0 =	sne.s32 s0, $0x0;
	s0 =	rddreg [dreg:$0x1]  }
0x67: {  	s0 =	sadd.s32 @!p0 $0x100000, s0  }
0x68: {  	[sflag:s0] =	ssyncadd.tile.s32 @!p0 $0x1;
	_ =	shalt  }
.Lfunc_end2:
_tile_overlayer_lowered:
.L_overlay_start_2:
0x69: {  	(tag) =	ssettag $0x2  }
0x6a: {  	s0 =	rddreg [dreg:$0x0];
	s2 =	stileid.u32  }
0x6b: {  	s1 =	rddreg [dreg:$0x1];
	p0 =	sne.s32 s2, $0x0  }
0x6c: {  	s3 =	rddreg [dreg:$0x2];
	[bflag:$0x3] =	sbarrier.arrive $0xFFFF;
	s2 =	simm.s32 @!p0 $0x1C07  }
0x6d: {  	[timem:s3], [sflag:s2] =	dma.local @!p0 [hbm:s0], s1  }
0x6e: {  	s0 =	simm.s32 @!p0 $0x7  }
0x6f: {  	_ =	swait.ge @!p0 [sflag:s0], s1  }
0x70: {  	s1 =	ssub.s32 @!p0 $0x0, s1;
	[sflag:s0] =	ssyncset.done @!p0 $0x0  }
0x71: {  	[sflag:s0] =	ssyncadd.s32 @!p0 s1  }
0x72: {  	[bflag:$0x3] =	sbarrier.arrive $0xFFFF  }
0x73: {  	_ =	shalt  }

// kernel: kernel.19.cloned.1.call-start
scs
__scs_entry_jumppad:
0x0: {  	(pc) =	sbr.rel $0x88, $3  }
0x1: {  	(tag) =	ssettag $0x0;
	lr =	simm.s32 $0x1  }
0x2: {  	[smem:$0x3F9D] =	sst lr;
	_ =	strace $0xD0000000  }
0x3: {  	_ = 	snop  }
0x4: {  	_ = 	snop  }
0x5: {  	_ = 	snop  }
0x6: {  	_ = 	snop  }
0x7: {  	_ = 	snop  }
__scs_overlays_trampoline_lowered:
0x8: {  	[smem:$0x3FAC] =	sst s0  }
0x9: {  	[smem:$0x3FAD] =	sst s1  }
0xa: {  	[smem:$0x3FAE] =	sst s2  }
0xb: {  	[smem:$0x3FAF] =	sst s3  }
0xc: {  	[smem:$0x3FB0] =	sst s4  }
0xd: {  	[smem:$0x3FB1] =	sst s5  }
0xe: {  	[smem:$0x3FB2] =	sst s6  }
0xf: {  	[smem:$0x3FB3] =	sst s7  }
0x10: {  	[smem:$0x3FB4] =	sst s8  }
0x11: {  	[smem:$0x3FB5] =	sst s9;
	s0 =	simm.s32 @!p0 $0x0  }
0x12: {  	s1 =	sld [smem:$0x3F9B];
	s0 =	simm.s32 @p0 $0x1  }
0x13: {  	[smem:$0x3FB6] =	sst s0;
	s0 =	simm.s32 @!p1 $0x0  }
0x14: {  	s2 =	sld [smem:$0x3F9A];
	s0 =	simm.s32 @p1 $0x1  }
0x15: {  	[smem:$0x3FB7] =	sst s0;
	s0 =	simm.s32 @!p2 $0x0  }
0x16: {  	s3 =	sld [smem:$0x3FDB];
	s0 =	simm.s32 @p2 $0x1  }
0x17: {  	s4 =	simm.s32 $0x1BF5;
	[smem:$0x3FB9] =	sst s0  }
0x18: {  	s0 =	sld [smem:$0x3F9C];
	_ =	swait.ge [sflag:s4], $0x0  }
0x19: {  	s7 =	sld [smem:$0x3F9D]  }
0x1a: {  	s8 =	sadd.s32 $0xFFFFE003, lr  }
0x1b: {  	s9 =	sadd.s32 $0xFFFFFEF7, lr;
	s5 =	simm.s32 $0xFFFFFFFF;
	p2 =	slt.u32 s8, $0xFFFFF086  }
0x1c: {  	p1 =	slt.u32 s9, $0xF7A;
	s5 =	simm.s32 @!p2 $0x0  }
0x1d: {  	s5 =	simm.s32 @p1 $0x1;
	p0 =	seq.s32 s7, s2  }
0x1e: {  	s7 =	smul.u32 @!p0 $0xF7A, s2;
	p2 =	seq.s32 @!p0 s5, $0x0  }
0x1f: {  	s9 =	smul.u32 $0xF7A, s1;
	s8 =	simm.s32 @!p0 $0x1BF5;
	p2 =	por !p2, p0  }
0x20: {  	[sflag:s8] =	ssyncset.s32 @!p0 $0xFFFFF086;
	s6 =	sadd.s32 @!p0 s3, s7;
	s7 =	simm.s32 @!p0 $0x108  }
0x21: {  	s3 =	sadd.s32 s3, s9;
	s6 =	sadd.s32 @!p0 $0x88, s6;
	s7 =	simm.s32 @p2 $0x1082  }
0x22: {  	[simem:s7], [sflag:s8] =	dma.local @!p0 [hbm:s6], $0xF7A  }
0x23: {  	s9 =	sor.u32 $0xD0000000, s2;
	s6 =	simm.s32 $0x108;
	_ =	swait.ge @!p0 [sflag:s8], $0x0  }
0x24: {  	s3 =	sadd.s32 $0x88, s3;
	s6 =	simm.s32 @!p1 $0x1082;
	[sflag:s4] =	ssyncset.s32 $0xFFFFF086  }
0x25: {  	[simem:s6], [sflag:s4] =	dma.local [hbm:s3], $0xF7A  }
0x26: {  	[smem:$0x3F9D] =	sst s1;
	(tag) =	ssettag s2;
	_ =	strace s9  }
0x27: {  	s1 =	sld [smem:$0x3FAD]  }
0x28: {  	s2 =	sld [smem:$0x3FAE]  }
0x29: {  	s4 =	sld [smem:$0x3FB0]  }
0x2a: {  	p0 =	seq.s32 s5, $0x0;
	s5 =	sld [smem:$0x3FB1]  }
0x2b: {  	s6 =	sld [smem:$0x3FB2]  }
0x2c: {  	s7 =	sld [smem:$0x3FB3]  }
0x2d: {  	s3 =	simm.s32 $0x108;
	s8 =	sld [smem:$0x3FB4]  }
0x2e: {  	s3 =	simm.s32 @!p0 $0x1082;
	s9 =	sld [smem:$0x3FB5]  }
0x2f: {  	lr =	sadd.s32 s0, s3;
	s0 =	sld [smem:$0x3FAC]  }
0x30: {  	s3 =	sld [smem:$0x3FAF]  }
0x31: {  	[smem:$0x3FB8] =	sst s10  }
0x32: {  	s10 =	sld [smem:$0x3FB6];
	_ =	sdelay $0x3  }
0x33: {  	p0 =	seq.s32 s10, $0x1;
	s10 =	sld [smem:$0x3FB8];
	_ =	sdelay $0x3  }
0x34: {  	[smem:$0x3FB8] =	sst s10  }
0x35: {  	s10 =	sld [smem:$0x3FB7];
	_ =	sdelay $0x3  }
0x36: {  	p1 =	seq.s32 s10, $0x1;
	s10 =	sld [smem:$0x3FB8];
	_ =	sdelay $0x3  }
0x37: {  	[smem:$0x3FB8] =	sst s10  }
0x38: {  	s10 =	sld [smem:$0x3FB9]  }
0x39: {  	_ = 	snop;
	(pc) =	sbr.ind lr, $3  }
0x3a: {  	_ = 	snop  }
0x3b: {  	_ = 	snop  }
0x3c: {  	p2 =	seq.s32 s10, $0x1;
	s10 =	sld [smem:$0x3FB8]  }
0x3d: {  	_ =	shalt  }
0x3e: {  	_ =	shalt  }
0x3f: {  	_ =	shalt  }
0x40: {  	_ =	shalt  }
0x41: {  	_ =	shalt  }
0x42: {  	_ =	shalt  }
0x43: {  	_ =	shalt  }
0x44: {  	_ =	shalt  }
0x45: {  	_ =	shalt  }
0x46: {  	_ =	shalt  }
0x47: {  	_ =	shalt  }
0x48: {  	_ =	shalt  }
0x49: {  	_ =	shalt  }
0x4a: {  	_ =	shalt  }
0x4b: {  	_ =	shalt  }
0x4c: {  	_ =	shalt  }
0x4d: {  	_ =	shalt  }
0x4e: {  	_ =	shalt  }
0x4f: {  	_ =	shalt  }
0x50: {  	_ =	shalt  }
0x51: {  	_ =	shalt  }
0x52: {  	_ =	shalt  }
0x53: {  	_ =	shalt  }
0x54: {  	_ =	shalt  }
0x55: {  	_ =	shalt  }
0x56: {  	_ =	shalt  }
0x57: {  	_ =	shalt  }
0x58: {  	_ =	shalt  }
0x59: {  	_ =	shalt  }
0x5a: {  	_ =	shalt  }
0x5b: {  	_ =	shalt  }
0x5c: {  	_ =	shalt  }
0x5d: {  	_ =	shalt  }
0x5e: {  	_ =	shalt  }
0x5f: {  	_ =	shalt  }
0x60: {  	_ =	shalt  }
0x61: {  	_ =	shalt  }
0x62: {  	_ =	shalt  }
0x63: {  	_ =	shalt  }
0x64: {  	_ =	shalt  }
0x65: {  	_ =	shalt  }
0x66: {  	_ =	shalt  }
0x67: {  	_ =	shalt  }
0x68: {  	_ =	shalt  }
0x69: {  	_ =	shalt  }
0x6a: {  	_ =	shalt  }
0x6b: {  	_ =	shalt  }
0x6c: {  	_ =	shalt  }
0x6d: {  	_ =	shalt  }
0x6e: {  	_ =	shalt  }
0x6f: {  	_ =	shalt  }
0x70: {  	_ =	shalt  }
0x71: {  	_ =	shalt  }
0x72: {  	_ =	shalt  }
0x73: {  	_ =	shalt  }
0x74: {  	_ =	shalt  }
0x75: {  	_ =	shalt  }
0x76: {  	_ =	shalt  }
0x77: {  	_ =	shalt  }
0x78: {  	_ =	shalt  }
0x79: {  	_ =	shalt  }
0x7a: {  	_ =	shalt  }
0x7b: {  	_ =	shalt  }
0x7c: {  	_ =	shalt  }
0x7d: {  	_ =	shalt  }
0x7e: {  	_ =	shalt  }
0x7f: {  	_ =	shalt  }
0x80: {  	_ =	shalt  }
0x81: {  	_ =	shalt  }
0x82: {  	_ =	shalt  }
0x83: {  	_ =	shalt  }
0x84: {  	_ =	shalt  }
0x85: {  	_ =	shalt  }
0x86: {  	_ =	shalt  }
0x87: {  	_ =	shalt  }
.Lfunc_end0:
.L_simem_size_0:
called_computation.3_lowered:
.L_overlay_start_0:
0x88: {  	s2 =	sld [smem:$0x3FD9]  }
0x89: {  	s3 =	sld [smem:$0x3FFE];
	_ =	sdelay $0x1  }
0x8a: {  	s1 =	srdreg.scid  }
0x8b: {  	s0 =	sand.u32 $0x1, s1  }
0x8c: {  	s16 =	sshll.u32 s0, $0xA;
	s2 =	sadd.s32 s3, s2  }
0x8d: {  	s2 =	sadd.s32 s2, s16  }
0x8e: {  	[smem:$0x3FC4] =	sst s2  }
0x8f: {  	_ = 	snop  }
0x90: {  	(tm) =	ssettm $0x1  }
0x91: {  	s17 =	sld [smem:$0x3FFB];
	_ =	sdelay $0x3  }
0x92: {  	_ =	strace s17  }
0x93: {  	s2 =	sld [smem:$0x3FFC];
	_ =	sdelay $0x3  }
0x94: {  	_ =	strace s2  }
0x95: {  	s2 =	sld [smem:$0x3FFD];
	_ =	sdelay $0x3  }
0x96: {  	_ =	strace s2  }
0x97: {  	_ =	strace $0x8FFFFFFF  }
0x98: {  	s18 =	sld [smem:$0x3FDB];
	_ =	sdelay $0x1  }
0x99: {  	s19 =	simm.s32 $_scs_section_size  }
0x9a: {  	s4 =	simm.s32 $_size__tile_overlayer_lowered;
	s5 =	simm.s32 $_tile_overlayer_lowered  }
0x9b: {  	s22 =	simm.s32 $0x1BFF;
	s21 =	sshll.u32 s5, $0x1;
	s2 =	sadd.s32 s19, s18  }
0x9c: {  	s6 =	simm.s32 $0x0;
	s20 =	sshll.u32 s4, $0x1;
	s4 =	sadd.s32 s21, s2  }
0x9d: {  	[timem:s6], [sflag:s22] =	dma.local [hbm:s4], s20  }
0x9e: {  	_ =	swait.ge [sflag:s22], s20  }
0x9f: {  	s3 =	ssub.s32 $0x0, s20;
	[sflag:s22] =	ssyncset.done $0x0  }
0xa0: {  	[sflag:s22] =	ssyncadd.s32 s3;
	_ =	sdelay $0x1  }
0xa1: {  	s23 =	simm.s32 $0x1B8B  }
0xa2: {  	_ =	swait.ge [sflag:s23], $0x1  }
0xa3: {  	[sflag:s23] =	ssyncset.done $0x0  }
0xa4: {  	s25 =	simm.s32 $0x1B8E;
	s24 =	sld [smem:$0x3FFE];
	[sflag:s23] =	ssyncadd.s32 $0xFFFFFFFF  }
0xa5: {  	s26 =	simm.s32 $execute0_lowered;
	[smem:$0x3FD2] =	sst s25  }
0xa6: {  	s4 =	sshll.u32 s26, $0x1;
	_ =	strace $0x80000046;
	[dreg:$0x1] =	wrdreg $0xFFFFFFFF  }
0xa7: {  	s28 =	simm.s32 $_size_execute0_lowered;
	s2 =	sadd.s32 s2, s4;
	[dreg:$0x0] =	wrdreg $0x0  }
0xa8: {  	s4 =	sshll.u32 s28, $0x1;
	[dreg:$0x2] =	wrdreg s2  }
0xa9: {  	[dreg:$0x3] =	wrdreg s4  }
0xaa: {  	[dreg:$0x4] =	wrdreg $0xC0  }
0xab: {  	_ =	task [dreg:s6], $0x5FFFF  }
0xac: {  	[dreg:$0x1] =	wrdreg $0xFFFFFFFF  }
0xad: {  	[dreg:$0x0] =	wrdreg $0x60  }
0xae: {  	[dreg:$0x2] =	wrdreg s24  }
0xaf: {  	[dreg:$0x3] =	wrdreg $0xC  }
0xb0: {  	_ =	task.clear_ibuf [dreg:s6], $0x4FFFF;
	_ =	strace $0x90000046  }
0xb1: {  	s29 =	simm.s32 $0xC;
	_ =	strace $0x80000048  }
0xb2: {  	_ =	swait.ge [sflag:s29], $0x1  }
0xb3: {  	[sflag:s29] =	ssyncadd.s32 $0xFFFFFFFF  }
0xb4: {  	_ =	strace $0x90000048  }
0xb5: {  	_ =	sfence  }
0xb6: {  	s30 =	sld [smem:$0x0];
	_ =	sdelay $0x2  }
0xb7: {  	s31 =	sshll.u32 s1, $0xD;
	s1 =	sshrl.u32 s1, $0x2  }
0xb8: {  	s3 =	sand.u32 $0x4000, s31;
	s1 =	sadd.s32 s1, s30  }
0xb9: {  	s0 =	sor.u32 s3, s0;
	s1 =	sshll.u32 s1, $0x11  }
0xba: {  	s0 =	sor.u32 s1, s0  }
0xbb: {  	s0 =	sadd.s32 $0x8F2B, s0  }
0xbc: {  	[sflag:s0] =	ssyncadd.remote.s32 $0x1  }
0xbd: {  	_ =	sfence.sel $0xFFFF  }
0xbe: {  	[dreg:$0x0] =	wrdreg $0xFFFFFFFF;
	(pc) =	sbr.abs _section_cstart, $3  }
0xbf: {  	[dreg:$0x1] =	wrdreg $0xFFFFFFFF  }
0xc0: {  	_ =	task.clear_ibuf [dreg:s6], $0x2FFFF;
	_ =	strace $0x9FFFFFFF  }
0xc1: {  	(tm) =	ssettm $0x7FFFFFFF  }
tec
execute0_lowered:
.L_overlay_start_1:
0x0: {  	(tag) =	ssettag $0x1  }
0x1: {  	s0 =	rddreg [dreg:$0x0];
	s1 =	srdreg.scid  }
0x2: {  	s3 =	stileid.u32;
	s2 =	simm.s32 $0x0;
	s14 =	simm.s32 $0x7  }
0x3: {  	s15 =	simm.s32 $0x100;
	s17 =	simm.s32 $0x1000;
	s19 =	simm.s32 $0x9000  }
0x4: {  	s21 =	simm.s32 $0x11000;
	s22 =	simm.s32 $0x1;
	s23 =	simm.s32 $0x4  }
0x5: {  	s25 =	simm.s32 $0x2;
	s26 =	simm.s32 $0x5;
	s28 =	simm.s32 $0xC00  }
0x6: {  	s29 =	simm.s32 $0x3;
	s30 =	simm.s32 $0x6;
	s31 =	simm.s32 $0xD00  }
0x7: {  	s16 =	simm.s32 $0x0;
	s1 =	sand.u32 $0x1, s1;
	s3 =	sshll.u32 s3, $0xC  }
0x8: {  	[smem:$0x7FF] =	sst s2;
	s4 =	sshll.u32 s1, $0xB;
	s1 =	ssub.s32 $0x2, s1  }
0x9: {  	_ =	strace $0x80000047;
	s3 =	sor.u32 s4, s3;
	s6 =	sshrl.u32 s1, $0x1  }
0xa: {  	s4 =	sshrl.u32 s3, $0x3;
	s5 =	sshll.u32 s3, $0x4;
	s3 =	sadd.s32 $0x7400, s0  }
0xb: {  	s1 =	ssub.s32 s1, s6;
	s4 =	sadd.s32 s4, s0;
	s0 =	sadd.s32 s5, s0  }
0xc: {  	s13 =	smax.u32 s1, $0x1;
	s1 =	simm.s32 $0xF00;
	s4 =	sadd.s32 $0x1400, s4  }
0xd: {  	s5 =	sadd.s32 $0x87400, s0;
	s6 =	sadd.s32 $0x88400, s0;
	s7 =	sadd.s32 $0x89400, s0  }
0xe: {  	s8 =	sadd.s32 $0x8A400, s0;
	s9 =	sadd.s32 $0x8B400, s0;
	s10 =	sadd.s32 $0x8C400, s0  }
0xf: {  	s11 =	sadd.s32 $0x8D400, s0;
	s12 =	sadd.s32 $0x8E400, s0;
	s0 =	simm.s32 $0xE00  }
.LBB2_1:
0x10: {  	[tilespmem:s2], [sflag:$0x7] =	stream.linear.gather [hbm4b:s4+s2], $0x800, $0x38;
	[tilespmem:$0x19000] =	vst v63  }
0x11: {  	_ =	swait.ge [sflag:s14], $0x800  }
0x12: {  	[sflag:s14] =	ssyncset.done $0x0  }
0x13: {  	s18 =	simm.s32 $0x0;
	[sflag:s14] =	ssyncadd.s32 $0xFFFFF800  }
0x14: {  	v0 =	vld [tilespmem:s18+$0x0]  }
0x15: {  	s20 =	simm.s32 $0x40  }
.LBB2_2:
0x16: {  	p0 =	sne.s32 s20, $0x1FC0  }
.Ltmp0:
0x17: {  	_ = 	snop;
	(pc) =	sbr.rel @p0 .LBB2_2-.Ltmp0, $4  }
0x18: {  	_ = 	snop  }
0x19: {  	s24 =	sshra.s32 s20, $0x2;
	s20 =	sadd.s32 $0x40, s20;
	v1 =	vand.u32 $0x1FFF, v0  }
0x1a: {  	v0 =	vld [tilespmem:s24+$0x0];
	v1 =	vor.u32 $0x6000, v1  }
0x1b: {  	[tilespmem:s18+$0x800] =	vst v1;
	s18 =	smov.u32 s24  }
0x1c: {  	_ =	sdelay $0x2  }
0x1d: {  	v0 =	vand.u32 $0x1FFF, v0  }
0x1e: {  	v0 =	vor.u32 $0x6000, v0  }
0x1f: {  	s20 =	simm.s32 $0x800;
	[tilespmem:s18+$0x800] =	vst v0  }
0x20: {  	[tilespmem:s17], [sflag:$0x1] =	stream.indirect.gather [hbm4b:s3+s15], $0x80, s20, s15, $0xb8;
	[tilespmem:$0x19000] =	vst v63  }
0x21: {  	s24 =	simm.s32 $0x900  }
0x22: {  	[tilespmem:s19], [sflag:$0x2] =	stream.indirect.gather [hbm4b:s3+s15], $0x80, s24, s15, $0xb8;
	[tilespmem:$0x19000] =	vst v63  }
0x23: {  	s20 =	simm.s32 $0xA00  }
0x24: {  	[tilespmem:s21], [sflag:$0x3] =	stream.indirect.gather [hbm4b:s3+s15], $0x80, s20, s15, $0xb8;
	[tilespmem:$0x19000] =	vst v63  }
0x25: {  	_ =	swait.ge [sflag:s22], $0x8000  }
0x26: {  	[sflag:s22] =	ssyncset.done $0x0  }
0x27: {  	[sflag:s22] =	ssyncadd.s32 $0xFFFF8000  }
0x28: {  	[hbm4b:s5+s2] =	stream.linear.scatter [tilespmem:s17], [sflag:$0x4], $0x8000, $0x38;
	[tilespmem:$0x19000] =	vst v63  }
0x29: {  	_ =	swait.ge [sflag:s23], $0x8000  }
0x2a: {  	[sflag:s23] =	ssyncset.done $0x0  }
0x2b: {  	s24 =	simm.s32 $0xB00;
	[sflag:s23] =	ssyncadd.s32 $0xFFFF8000  }
0x2c: {  	[tilespmem:s17], [sflag:$0x1] =	stream.indirect.gather [hbm4b:s3+s15], $0x80, s24, s15, $0xb8;
	[tilespmem:$0x19000] =	vst v63  }
0x2d: {  	_ =	swait.ge [sflag:s25], $0x8000  }
0x2e: {  	[sflag:s25] =	ssyncset.done $0x0  }
0x2f: {  	[sflag:s25] =	ssyncadd.s32 $0xFFFF8000  }
0x30: {  	[hbm4b:s6+s2] =	stream.linear.scatter [tilespmem:s19], [sflag:$0x5], $0x8000, $0x38;
	[tilespmem:$0x19000] =	vst v63  }
0x31: {  	_ =	swait.ge [sflag:s26], $0x8000  }
0x32: {  	[sflag:s26] =	ssyncset.done $0x0  }
0x33: {  	[sflag:s26] =	ssyncadd.s32 $0xFFFF8000  }
0x34: {  	[tilespmem:s19], [sflag:$0x2] =	stream.indirect.gather [hbm4b:s3+s15], $0x80, s28, s15, $0xb8;
	[tilespmem:$0x19000] =	vst v63  }
0x35: {  	_ =	swait.ge [sflag:s29], $0x8000  }
0x36: {  	[sflag:s29] =	ssyncset.done $0x0  }
0x37: {  	[sflag:s29] =	ssyncadd.s32 $0xFFFF8000  }
0x38: {  	[hbm4b:s7+s2] =	stream.linear.scatter [tilespmem:s21], [sflag:$0x6], $0x8000, $0x38;
	[tilespmem:$0x19000] =	vst v63  }
0x39: {  	_ =	swait.ge [sflag:s30], $0x8000  }
0x3a: {  	[sflag:s30] =	ssyncset.done $0x0  }
0x3b: {  	[sflag:s30] =	ssyncadd.s32 $0xFFFF8000  }
0x3c: {  	[tilespmem:s21], [sflag:$0x3] =	stream.indirect.gather [hbm4b:s3+s15], $0x80, s31, s15, $0xb8;
	[tilespmem:$0x19000] =	vst v63  }
0x3d: {  	_ =	swait.ge [sflag:s22], $0x8000  }
0x3e: {  	[sflag:s22] =	ssyncset.done $0x0  }
0x3f: {  	[sflag:s22] =	ssyncadd.s32 $0xFFFF8000  }
0x40: {  	[hbm4b:s8+s2] =	stream.linear.scatter [tilespmem:s17], [sflag:$0x4], $0x8000, $0x38;
	[tilespmem:$0x19000] =	vst v63  }
0x41: {  	_ =	swait.ge [sflag:s23], $0x8000  }
0x42: {  	[sflag:s23] =	ssyncset.done $0x0  }
0x43: {  	[sflag:s23] =	ssyncadd.s32 $0xFFFF8000  }
0x44: {  	[tilespmem:s17], [sflag:$0x1] =	stream.indirect.gather [hbm4b:s3+s15], $0x80, s0, s15, $0xb8;
	[tilespmem:$0x19000] =	vst v63  }
0x45: {  	_ =	swait.ge [sflag:s25], $0x8000  }
0x46: {  	[sflag:s25] =	ssyncset.done $0x0  }
0x47: {  	[sflag:s25] =	ssyncadd.s32 $0xFFFF8000  }
0x48: {  	[hbm4b:s9+s2] =	stream.linear.scatter [tilespmem:s19], [sflag:$0x5], $0x8000, $0x38;
	[tilespmem:$0x19000] =	vst v63  }
0x49: {  	_ =	swait.ge [sflag:s26], $0x8000  }
0x4a: {  	[sflag:s26] =	ssyncset.done $0x0  }
0x4b: {  	[sflag:s26] =	ssyncadd.s32 $0xFFFF8000  }
0x4c: {  	[tilespmem:s19], [sflag:$0x2] =	stream.indirect.gather [hbm4b:s3+s15], $0x80, s1, s15, $0xb8;
	[tilespmem:$0x19000] =	vst v63  }
0x4d: {  	_ =	swait.ge [sflag:s29], $0x8000  }
0x4e: {  	[sflag:s29] =	ssyncset.done $0x0  }
0x4f: {  	[sflag:s29] =	ssyncadd.s32 $0xFFFF8000  }
0x50: {  	[hbm4b:s10+s2] =	stream.linear.scatter [tilespmem:s21], [sflag:$0x6], $0x8000, $0x38;
	[tilespmem:$0x19000] =	vst v63  }
0x51: {  	_ =	swait.ge [sflag:s22], $0x8000  }
0x52: {  	[sflag:s22] =	ssyncset.done $0x0  }
0x53: {  	[sflag:s22] =	ssyncadd.s32 $0xFFFF8000  }
0x54: {  	[hbm4b:s11+s2] =	stream.linear.scatter [tilespmem:s17], [sflag:$0x4], $0x8000, $0x38;
	[tilespmem:$0x19000] =	vst v63  }
0x55: {  	_ =	swait.ge [sflag:s25], $0x8000  }
0x56: {  	[sflag:s25] =	ssyncset.done $0x0  }
0x57: {  	[sflag:s25] =	ssyncadd.s32 $0xFFFF8000  }
0x58: {  	[hbm4b:s12+s2] =	stream.linear.scatter [tilespmem:s19], [sflag:$0x5], $0x8000, $0x38;
	[tilespmem:$0x19000] =	vst v63  }
0x59: {  	_ =	swait.ge [sflag:s30], $0x8000  }
0x5a: {  	[sflag:s30] =	ssyncset.done $0x0  }
0x5b: {  	s16 =	sadd.s32 $0x1, s16;
	[sflag:s30] =	ssyncadd.s32 $0xFFFF8000  }
0x5c: {  	p0 =	sne.s32 s16, s13;
	_ =	swait.ge [sflag:s23], $0x8000  }
.Ltmp1:
0x5d: {  	[sflag:s23] =	ssyncset.done $0x0;
	(pc) =	sbr.rel @p0 .LBB2_1-.Ltmp1, $4  }
0x5e: {  	[sflag:s23] =	ssyncadd.s32 $0xFFFF8000  }
0x5f: {  	_ =	swait.ge [sflag:s26], $0x8000  }
0x60: {  	[sflag:s26] =	ssyncset.done $0x0  }
0x61: {  	[sflag:s26] =	ssyncadd.s32 $0xFFFF8000  }
0x62: {  	_ =	sfence.sel $0x180000  }
0x63: {  	[bflag:$0x0] =	sbarrier.arrive $0xFFFF  }
0x64: {  	_ =	strace $0x90000047  }
0x65: {  	s0 =	stileid.u32;
	[bflag:$0x2] =	sbarrier.arrive $0xFFFF  }
0x66: {  	p0 =	sne.s32 s0, $0x0;
	s0 =	rddreg [dreg:$0x1]  }
0x67: {  	s0 =	sadd.s32 @!p0 $0x100000, s0  }
0x68: {  	[sflag:s0] =	ssyncadd.tile.s32 @!p0 $0x1;
	_ =	shalt  }
.Lfunc_end2:
_tile_overlayer_lowered:
.L_overlay_start_2:
0x69: {  	(tag) =	ssettag $0x2  }
0x6a: {  	s0 =	rddreg [dreg:$0x0];
	s2 =	stileid.u32  }
0x6b: {  	s1 =	rddreg [dreg:$0x1];
	p0 =	sne.s32 s2, $0x0  }
0x6c: {  	s3 =	rddreg [dreg:$0x2];
	[bflag:$0x3] =	sbarrier.arrive $0xFFFF;
	s2 =	simm.s32 @!p0 $0x1C07  }
0x6d: {  	[timem:s3], [sflag:s2] =	dma.local @!p0 [hbm:s0], s1  }
0x6e: {  	s0 =	simm.s32 @!p0 $0x7  }
0x6f: {  	_ =	swait.ge @!p0 [sflag:s0], s1  }
0x70: {  	s1 =	ssub.s32 @!p0 $0x0, s1;
	[sflag:s0] =	ssyncset.done @!p0 $0x0  }
0x71: {  	[sflag:s0] =	ssyncadd.s32 @!p0 s1  }
0x72: {  	[bflag:$0x3] =	sbarrier.arrive $0xFFFF  }
0x73: {  	_ =	shalt  }

</sc_bundles>
